<compile_context>
chip_gen: v7x
topology: tpu7x:2x2x1
jax: 0.10.2.dev20260603
libtpu: 0.0.44.dev20260713+nightly
codegen_flags: <defaults>
</compile_context>

<pallas_src>
import jax
import jax.numpy as jnp
from jax import lax
from jax.experimental import pallas as pl
from jax.experimental.pallas import tpu as pltpu
from jax.experimental.pallas import tpu_sc as plsc

NC = 2
NS = 16
L = 16
CHUNK = 128


def _round_up(x, m):
    return (x + m - 1) // m * m


def _sc_mesh():
    return plsc.VectorSubcoreMesh(
        core_axis_name="c", subcore_axis_name="s", num_cores=NC, num_subcores=NS
    )


def _make_hist(CH, NPH):
    CH2 = CH // NC
    SCH = 16
    RPT = NPH // NS

    def body(ep_hbm, deg_hbm, ev, dstv, ones1, zero1, dacc, ssem):
        c = lax.axis_index("c")
        s = lax.axis_index("s")

        @pl.loop(0, RPT // L)
        def _(i):
            zero1[pl.ds(i * L, L)] = jnp.zeros((L,), jnp.float32)

        for t in range(CHUNK // L):
            ones1[pl.ds(t * L, L)] = jnp.ones((L,), jnp.float32)

        pltpu.sync_copy(zero1, dacc.at[pl.ds(s * RPT, RPT)])
        plsc.subcore_barrier()

        @pl.loop(0, CH2 // SCH)
        def _(g):
            pltpu.sync_copy(
                ep_hbm.at[s, pl.ds(c * CH2 + g * SCH, SCH)], ev
            )

            @pl.loop(0, SCH)
            def _(j):
                for t in range(CHUNK // L):
                    w = ev[j, pl.ds(t * L, L)]
                    dstv[j, pl.ds(t * L, L)] = lax.shift_right_logical(w, 16)

            @pl.loop(0, SCH)
            def _(j):
                pltpu.async_copy(ones1, dacc.at[dstv.at[j]], ssem, add=True)

            @pl.loop(0, SCH)
            def _(j):
                pltpu.make_async_copy(
                    ones1, dacc.at[pl.ds(0, CHUNK)], ssem
                ).wait()

        plsc.subcore_barrier()
        pltpu.sync_copy(
            dacc.at[pl.ds(s * RPT, RPT)], deg_hbm.at[c, pl.ds(s * RPT, RPT)]
        )

    return pl.kernel(
        body,
        out_type=jax.ShapeDtypeStruct((NC, NPH), jnp.float32),
        mesh=_sc_mesh(),
        scratch_types=[
            pltpu.VMEM((16, CHUNK), jnp.int32),
            pltpu.VMEM((16, CHUNK), jnp.int32),
            pltpu.VMEM((CHUNK,), jnp.float32),
            pltpu.VMEM((NPH // NS,), jnp.float32),
            pltpu.VMEM_SHARED((NPH,), jnp.float32),
            pltpu.SemaphoreType.DMA,
        ],
    )


def _make_agg(CH, NACC, F):
    CH2 = CH // NC
    NCHKS = -(-NACC // CHUNK)

    def body(h2_hbm, ep_hbm, part_hbm, ev, srcv, dstv, gb0, gb1, gs0, gs1, gs2, gs3, acc):
        c = lax.axis_index("c")
        s = lax.axis_index("s")

        @pl.loop(0, CHUNK)
        def _(i):
            for t in range(F // L):
                gb0[i, pl.ds(t * L, L)] = jnp.zeros((L,), jnp.float32)

        @pl.loop(0, -(-NCHKS // NS))
        def _(k):
            cid = s + NS * k

            @pl.when(cid < NCHKS)
            def _():
                off = jnp.where(cid == NCHKS - 1, NACC - CHUNK, cid * CHUNK)
                pltpu.sync_copy(gb0, acc.at[pl.ds(off, CHUNK)])

        pltpu.sync_copy(ep_hbm.at[s, pl.ds(c * CH2, CH2)], ev)

        SUB = CHUNK // 2
        NSUB = CH2 * 2

        def extract(j, slot):
            row = lax.shift_right_logical(j, 1)
            base = jnp.bitwise_and(j, 1) * SUB
            for t in range(SUB // L):
                w = ev[row, pl.ds(base + t * L, L)]
                srcv[slot, pl.ds(t * L, L)] = jnp.bitwise_and(w, 0xFFFF)
                dstv[slot, pl.ds(t * L, L)] = lax.shift_right_logical(w, 16)

        plsc.subcore_barrier()

        gbs = (gb0.at[pl.ds(0, SUB)], gb0.at[pl.ds(SUB, SUB)],
               gb1.at[pl.ds(0, SUB)], gb1.at[pl.ds(SUB, SUB)])
        sems = (gs0, gs1, gs2, gs3)
        for slot in range(4):
            extract(jnp.int32(slot), slot)
            pltpu.async_copy(h2_hbm.at[srcv.at[slot]], gbs[slot], sems[slot])

        @pl.loop(0, NSUB, step=4)
        def _(j):
            for slot in range(4):
                jj = j + slot
                gb, gs = gbs[slot], sems[slot]
                pltpu.make_async_copy(h2_hbm.at[pl.ds(0, SUB)], gb, gs).wait()
                pltpu.sync_copy(gb, acc.at[dstv.at[slot]], add=True)

                @pl.when(jj + 4 < NSUB)
                def _():
                    extract(jj + 4, slot)
                    pltpu.async_copy(h2_hbm.at[srcv.at[slot]], gb, gs)

        plsc.subcore_barrier()

        @pl.loop(0, -(-NCHKS // NS))
        def _(k):
            cid = s + NS * k

            @pl.when(cid < NCHKS)
            def _():
                off = jnp.where(cid == NCHKS - 1, NACC - CHUNK, cid * CHUNK)
                pltpu.sync_copy(
                    acc.at[pl.ds(off, CHUNK)],
                    part_hbm.at[c, pl.ds(off, CHUNK)],
                )

    return pl.kernel(
        body,
        out_type=jax.ShapeDtypeStruct((NC, NACC, F), jnp.float32),
        mesh=_sc_mesh(),
        scratch_types=[
            pltpu.VMEM((CH // NC, CHUNK), jnp.int32),
            pltpu.VMEM((4, CHUNK // 2), jnp.int32),
            pltpu.VMEM((4, CHUNK // 2), jnp.int32),
            pltpu.VMEM((CHUNK, F), jnp.float32),
            pltpu.VMEM((CHUNK, F), jnp.float32),
            pltpu.SemaphoreType.DMA,
            pltpu.SemaphoreType.DMA,
            pltpu.SemaphoreType.DMA,
            pltpu.SemaphoreType.DMA,
            pltpu.VMEM_SHARED((NACC, F), jnp.float32),
        ],
    )


def _tc_hist(dst_ref, o_ref):

    @pl.when(pl.program_id(0) == 0)
    def _():
        o_ref[...] = jnp.zeros_like(o_ref)

    d = dst_ref[0]
    bins = lax.broadcasted_iota(jnp.int32, (d.shape[0], 128), 1)
    hi_m = (lax.shift_right_logical(d, 7) == bins).astype(jnp.bfloat16)
    lo_m = ((d & 127) == bins).astype(jnp.bfloat16)
    o_ref[...] += lax.dot_general(
        hi_m, lo_m, (((0,), (0,)), ((), ())),
        preferred_element_type=jnp.float32,
    )


def _tc_mm(h_ref, w_ref, o_ref):
    o_ref[...] = jnp.dot(
        h_ref[...], w_ref[...], preferred_element_type=jnp.float32,
        precision=lax.Precision.HIGHEST,
    )


def _tc_scale(deg_ref, y_ref, o_ref):
    deg = deg_ref[0] + deg_ref[1]
    o_ref[...] = y_ref[...] * lax.rsqrt(deg)


def _tc_final(deg_ref, p_ref, o_ref):
    deg = deg_ref[0] + deg_ref[1]
    o_ref[...] = (p_ref[0] + p_ref[1]) * lax.rsqrt(deg)


@jax.jit
def kernel(edge_index, h, W):
    N, D = h.shape
    F = W.shape[1]
    E = edge_index.shape[1]

    TBLK = 1024
    NP = _round_up(N + 1, 2 * TBLK)
    NACC = _round_up(N + 1, 32)
    EPT = _round_up(-(-E // NS), 16 * CHUNK)
    CH = EPT // CHUNK
    PAD = NS * EPT - E
    FBLK = NACC // 4

    dst = edge_index[0].astype(jnp.int32)
    src = edge_index[1].astype(jnp.int32)
    dst_p = jnp.concatenate([dst, jnp.full((PAD,), N, jnp.int32)])
    src_p = jnp.concatenate([src, jnp.zeros((PAD,), jnp.int32)])
    ep = ((dst_p << 16) | src_p).reshape(NS, CH, CHUNK)
    h_pad = jnp.pad(h, ((0, NP - N), (0, 0)))

    y = pl.pallas_call(
        _tc_mm,
        grid=(NP // TBLK,),
        in_specs=[
            pl.BlockSpec((TBLK, D), lambda i: (i, 0)),
            pl.BlockSpec((D, F), lambda i: (0, 0)),
        ],
        out_specs=pl.BlockSpec((TBLK, F), lambda i: (i, 0)),
        out_shape=jax.ShapeDtypeStruct((NP, F), jnp.float32),
    )(h_pad, W)
    deg2 = _make_hist(CH, NP)(ep)

    h2 = pl.pallas_call(
        _tc_scale,
        grid=(NP // TBLK,),
        in_specs=[
            pl.BlockSpec((NC, TBLK, 1), lambda i: (0, i, 0)),
            pl.BlockSpec((TBLK, F), lambda i: (i, 0)),
        ],
        out_specs=pl.BlockSpec((TBLK, F), lambda i: (i, 0)),
        out_shape=jax.ShapeDtypeStruct((NP, F), jnp.float32),
    )(deg2[:, :, None], y)

    parts = _make_agg(CH, NACC, F)(h2, ep)

    out = pl.pallas_call(
        _tc_final,
        grid=(NACC // FBLK,),
        in_specs=[
            pl.BlockSpec((NC, FBLK, 1), lambda i: (0, i, 0)),
            pl.BlockSpec((NC, FBLK, F), lambda i: (0, i, 0)),
        ],
        out_specs=pl.BlockSpec((FBLK, F), lambda i: (i, 0)),
        out_shape=jax.ShapeDtypeStruct((NACC, F), jnp.float32),
    )(deg2[:, :NACC, None], parts)

    return out[:N]

# --- scband reference (transcript-rebuilt; emitter-appended) ---
"""Pipeline reference for scband-gcn-24318104830750 (READ-ONLY COPY).

The authoritative reference and input builder live on the scoring server;
editing this copy changes nothing except your own understanding.
"""

import jax, jax.numpy as jnp
import numpy as np

N_NODES = 10000
N_EDGES = 320000
D_FEAT = 128
FEATURES = 128


def setup_inputs(seed: int = 0) -> dict:
    key = jax.random.key(seed)
    k1, k2, k3 = jax.random.split(key, 3)
    edge_index = jax.random.randint(k1, (2, N_EDGES), 0, N_NODES, dtype=jnp.int64 if jax.config.jax_enable_x64 else jnp.int32)
    h = jax.random.normal(k2, (N_NODES, D_FEAT), dtype=jnp.float32)
    W = jax.nn.initializers.glorot_uniform()(k3, (D_FEAT, FEATURES), jnp.float32)
    return {"edge_index": edge_index, "h": h, "W": W}


def reference(edge_index, h, W):
    # a is an N x N sparse adjacency with a[dst, src] = 1 for each edge.
    dst = edge_index[0]
    src = edge_index[1]
    n = h.shape[0]
    ones = jnp.ones(edge_index.shape[1], dtype=h.dtype)
    # degrees = a.sum(-1).todense()
    degrees = jax.ops.segment_sum(ones, dst, num_segments=n)
    norm = jnp.expand_dims(degrees ** (-0.5), -1)
    h = h * norm
    # Dense(features, use_bias=False)
    h = h @ W
    # h = a @ h  (scatter-add message passing)
    msg = jnp.take(h, src, axis=0)
    h = jax.ops.segment_sum(msg, dst, num_segments=n)
    h = h * norm
    # activation is None (default), so no nonlinearity
    return h

if __name__ == "__main__":
    import jax
    _d = setup_inputs()
    print(jax.jit(kernel)(*tuple(_d.values())))

</pallas_src>

<mosaic_0001>
#map = affine_map<(d0, d1) -> (0, 0, 0)>
#map1 = affine_map<(d0, d1) -> (0, 0)>
module attributes {stable_mosaic.version = 14 : i64} {
  func.func @body(%arg0: i32, %arg1: i32, %arg2: memref<16x160x128xi32, #tpu.memory_space<hbm>>, %arg3: memref<2x10240xf32, #tpu.memory_space<hbm>>, %arg4: memref<16x128xi32, #tpu.memory_space<vmem>>, %arg5: memref<16x128xi32, #tpu.memory_space<vmem>>, %arg6: memref<128xf32, #tpu.memory_space<vmem>>, %arg7: memref<640xf32, #tpu.memory_space<vmem>>, %arg8: memref<10240xf32, #tpu.memory_space<vmem_shared>>, %arg9: memref<!tpu.dma_semaphore, #tpu.memory_space<semaphore_mem>>) attributes {dimension_semantics = [#tpu.dimension_semantics<core_parallel>, #tpu.dimension_semantics<subcore_parallel>], iteration_bounds = array<i64: 2, 16>, scalar_prefetch = 0 : i64, scratch_operands = 6 : i64, tpu.core_type = #tpu.core_type<sc_vector_subcore>, window_params = [{transform_indices = #map}, {transform_indices = #map1}]} {
    %scan3A = arith.constant 0 : i32
    %scan3A_0 = arith.constant 40 : i32
    %scan3A_1 = arith.addi %scan3A, %scan3A_0 : i32
    %scan3A_2 = arith.constant 1 : i32
    scf.for %scan3A_61 = %scan3A to %scan3A_1 step %scan3A_2  : i32 {
      %mul3A_62 = arith.constant 1 : i32
      %mul3A_63 = arith.muli %scan3A_61, %mul3A_62 : i32
      %add3A = arith.constant 0 : i32
      %add3A_64 = arith.addi %add3A, %mul3A_63 : i32
      %broadcast_in_dim3A_65 = arith.constant 0.000000e+00 : f32
      %broadcast_in_dim3A_66 = vector.broadcast %broadcast_in_dim3A_65 : f32 to vector<16xf32>
      %mul3A_67 = arith.constant 16 : i32
      %mul3A_68 = arith.muli %add3A_64, %mul3A_67 : i32
      %swap3A_69 = arith.index_cast %mul3A_68 : i32 to index
      %swap3A_70 = tpu.vector_load %arg7[%swap3A_69] {strides = array<i32>} : memref<640xf32, #tpu.memory_space<vmem>>, vector<16xf32>,
      %swap3A_71 = vector.shape_cast %swap3A_70 : vector<16xf32> to vector<16xf32>
      %swap3A_72 = vector.shape_cast %broadcast_in_dim3A_66 : vector<16xf32> to vector<16xf32>
      tpu.vector_store %arg7[%swap3A_69], %swap3A_72 {strides = array<i32>} : memref<640xf32, #tpu.memory_space<vmem>>, vector<16xf32>,
    }
    %scan3A_3 = arith.constant 40 : i32
    %broadcast_in_dim3A = arith.constant 1.000000e+00 : f32
    %broadcast_in_dim3A_4 = vector.broadcast %broadcast_in_dim3A : f32 to vector<16xf32>
    %swap3A = arith.constant 0 : index
    %swap3A_5 = tpu.vector_load %arg6[%swap3A] {strides = array<i32>} : memref<128xf32, #tpu.memory_space<vmem>>, vector<16xf32>,
    %swap3A_6 = vector.shape_cast %swap3A_5 : vector<16xf32> to vector<16xf32>
    %swap3A_7 = vector.shape_cast %broadcast_in_dim3A_4 : vector<16xf32> to vector<16xf32>
    tpu.vector_store %arg6[%swap3A], %swap3A_7 {strides = array<i32>} : memref<128xf32, #tpu.memory_space<vmem>>, vector<16xf32>,
    %broadcast_in_dim3A_8 = arith.constant 1.000000e+00 : f32
    %broadcast_in_dim3A_9 = vector.broadcast %broadcast_in_dim3A_8 : f32 to vector<16xf32>
    %swap3A_10 = arith.constant 16 : index
    %swap3A_11 = tpu.vector_load %arg6[%swap3A_10] {strides = array<i32>} : memref<128xf32, #tpu.memory_space<vmem>>, vector<16xf32>,
    %swap3A_12 = vector.shape_cast %swap3A_11 : vector<16xf32> to vector<16xf32>
    %swap3A_13 = vector.shape_cast %broadcast_in_dim3A_9 : vector<16xf32> to vector<16xf32>
    tpu.vector_store %arg6[%swap3A_10], %swap3A_13 {strides = array<i32>} : memref<128xf32, #tpu.memory_space<vmem>>, vector<16xf32>,
    %broadcast_in_dim3A_14 = arith.constant 1.000000e+00 : f32
    %broadcast_in_dim3A_15 = vector.broadcast %broadcast_in_dim3A_14 : f32 to vector<16xf32>
    %swap3A_16 = arith.constant 32 : index
    %swap3A_17 = tpu.vector_load %arg6[%swap3A_16] {strides = array<i32>} : memref<128xf32, #tpu.memory_space<vmem>>, vector<16xf32>,
    %swap3A_18 = vector.shape_cast %swap3A_17 : vector<16xf32> to vector<16xf32>
    %swap3A_19 = vector.shape_cast %broadcast_in_dim3A_15 : vector<16xf32> to vector<16xf32>
    tpu.vector_store %arg6[%swap3A_16], %swap3A_19 {strides = array<i32>} : memref<128xf32, #tpu.memory_space<vmem>>, vector<16xf32>,
    %broadcast_in_dim3A_20 = arith.constant 1.000000e+00 : f32
    %broadcast_in_dim3A_21 = vector.broadcast %broadcast_in_dim3A_20 : f32 to vector<16xf32>
    %swap3A_22 = arith.constant 48 : index
    %swap3A_23 = tpu.vector_load %arg6[%swap3A_22] {strides = array<i32>} : memref<128xf32, #tpu.memory_space<vmem>>, vector<16xf32>,
    %swap3A_24 = vector.shape_cast %swap3A_23 : vector<16xf32> to vector<16xf32>
    %swap3A_25 = vector.shape_cast %broadcast_in_dim3A_21 : vector<16xf32> to vector<16xf32>
    tpu.vector_store %arg6[%swap3A_22], %swap3A_25 {strides = array<i32>} : memref<128xf32, #tpu.memory_space<vmem>>, vector<16xf32>,
    %broadcast_in_dim3A_26 = arith.constant 1.000000e+00 : f32
    %broadcast_in_dim3A_27 = vector.broadcast %broadcast_in_dim3A_26 : f32 to vector<16xf32>
    %swap3A_28 = arith.constant 64 : index
    %swap3A_29 = tpu.vector_load %arg6[%swap3A_28] {strides = array<i32>} : memref<128xf32, #tpu.memory_space<vmem>>, vector<16xf32>,
    %swap3A_30 = vector.shape_cast %swap3A_29 : vector<16xf32> to vector<16xf32>
    %swap3A_31 = vector.shape_cast %broadcast_in_dim3A_27 : vector<16xf32> to vector<16xf32>
    tpu.vector_store %arg6[%swap3A_28], %swap3A_31 {strides = array<i32>} : memref<128xf32, #tpu.memory_space<vmem>>, vector<16xf32>,
    %broadcast_in_dim3A_32 = arith.constant 1.000000e+00 : f32
    %broadcast_in_dim3A_33 = vector.broadcast %broadcast_in_dim3A_32 : f32 to vector<16xf32>
    %swap3A_34 = arith.constant 80 : index
    %swap3A_35 = tpu.vector_load %arg6[%swap3A_34] {strides = array<i32>} : memref<128xf32, #tpu.memory_space<vmem>>, vector<16xf32>,
    %swap3A_36 = vector.shape_cast %swap3A_35 : vector<16xf32> to vector<16xf32>
    %swap3A_37 = vector.shape_cast %broadcast_in_dim3A_33 : vector<16xf32> to vector<16xf32>
    tpu.vector_store %arg6[%swap3A_34], %swap3A_37 {strides = array<i32>} : memref<128xf32, #tpu.memory_space<vmem>>, vector<16xf32>,
    %broadcast_in_dim3A_38 = arith.constant 1.000000e+00 : f32
    %broadcast_in_dim3A_39 = vector.broadcast %broadcast_in_dim3A_38 : f32 to vector<16xf32>
    %swap3A_40 = arith.constant 96 : index
    %swap3A_41 = tpu.vector_load %arg6[%swap3A_40] {strides = array<i32>} : memref<128xf32, #tpu.memory_space<vmem>>, vector<16xf32>,
    %swap3A_42 = vector.shape_cast %swap3A_41 : vector<16xf32> to vector<16xf32>
    %swap3A_43 = vector.shape_cast %broadcast_in_dim3A_39 : vector<16xf32> to vector<16xf32>
    tpu.vector_store %arg6[%swap3A_40], %swap3A_43 {strides = array<i32>} : memref<128xf32, #tpu.memory_space<vmem>>, vector<16xf32>,
    %broadcast_in_dim3A_44 = arith.constant 1.000000e+00 : f32
    %broadcast_in_dim3A_45 = vector.broadcast %broadcast_in_dim3A_44 : f32 to vector<16xf32>
    %swap3A_46 = arith.constant 112 : index
    %swap3A_47 = tpu.vector_load %arg6[%swap3A_46] {strides = array<i32>} : memref<128xf32, #tpu.memory_space<vmem>>, vector<16xf32>,
    %swap3A_48 = vector.shape_cast %swap3A_47 : vector<16xf32> to vector<16xf32>
    %swap3A_49 = vector.shape_cast %broadcast_in_dim3A_45 : vector<16xf32> to vector<16xf32>
    tpu.vector_store %arg6[%swap3A_46], %swap3A_49 {strides = array<i32>} : memref<128xf32, #tpu.memory_space<vmem>>, vector<16xf32>,
    %mul3A = arith.constant 640 : i32
    %mul3A_50 = arith.muli %arg1, %mul3A : i32
    "tpu.region"() ({
      %run_scoped3A = tpu.sem_alloc : memref<!tpu.dma_semaphore, #tpu.memory_space<semaphore_mem>>
      %dma_start3A = tpu.memref_slice %arg8[%mul3A_50] : memref<10240xf32, #tpu.memory_space<vmem_shared>> -> memref<640xf32, #tpu.memory_space<vmem_shared>>
      %dma_start3A_61 = tpu.memref_slice %arg8[%mul3A_50] : memref<10240xf32, #tpu.memory_space<vmem_shared>> -> memref<640xf32, #tpu.memory_space<vmem_shared>>
      tpu.enqueue_dma source(%arg7 : memref<640xf32, #tpu.memory_space<vmem>>) target(%dma_start3A_61 : memref<640xf32, #tpu.memory_space<vmem_shared>>) target_semaphore(%run_scoped3A : memref<!tpu.dma_semaphore, #tpu.memory_space<semaphore_mem>>)
      %dma_wait3A = tpu.memref_slice %arg8[%mul3A_50] : memref<10240xf32, #tpu.memory_space<vmem_shared>> -> memref<640xf32, #tpu.memory_space<vmem_shared>>
      %dma_wait3A_62 = tpu.memref_slice %arg8[%mul3A_50] : memref<10240xf32, #tpu.memory_space<vmem_shared>> -> memref<640xf32, #tpu.memory_space<vmem_shared>>
      tpu.wait_dma2 semaphore(%run_scoped3A : memref<!tpu.dma_semaphore, #tpu.memory_space<semaphore_mem>>) src(%arg7 : memref<640xf32, #tpu.memory_space<vmem>>) dst(%dma_wait3A_62 : memref<640xf32, #tpu.memory_space<vmem_shared>>)
      tpu.yield
    }) : () -> ()
    %barrier3A = arith.constant 0 : index
    tpu.barrier barrier_id(%barrier3A)
    %scan3A_51 = arith.constant 0 : i32
    %scan3A_52 = arith.constant 5 : i32
    %scan3A_53 = arith.addi %scan3A_51, %scan3A_52 : i32
    %scan3A_54 = arith.constant 1 : i32
    scf.for %scan3A_61 = %scan3A_51 to %scan3A_53 step %scan3A_54  : i32 {
      %mul3A_62 = arith.constant 1 : i32
      %mul3A_63 = arith.muli %scan3A_61, %mul3A_62 : i32
      %add3A = arith.constant 0 : i32
      %add3A_64 = arith.addi %add3A, %mul3A_63 : i32
      %mul3A_65 = arith.constant 80 : i32
      %mul3A_66 = arith.muli %arg0, %mul3A_65 : i32
      %mul3A_67 = arith.constant 16 : i32
      %mul3A_68 = arith.muli %add3A_64, %mul3A_67 : i32
      %add3A_69 = arith.addi %mul3A_66, %mul3A_68 : i32
      "tpu.region"() ({
        %run_scoped3A = tpu.sem_alloc : memref<!tpu.dma_semaphore, #tpu.memory_space<semaphore_mem>>
        %dma_start3A = arith.constant 0 : i32
        %dma_start3A_85 = tpu.memref_slice %arg2[%arg1, %add3A_69, %dma_start3A] : memref<16x160x128xi32, #tpu.memory_space<hbm>> -> memref<1x16x128xi32, #tpu.memory_space<hbm>>
        %dma_start3A_86 = tpu.memref_squeeze %dma_start3A_85 : memref<1x16x128xi32, #tpu.memory_space<hbm>> -> memref<16x128xi32, #tpu.memory_space<hbm>>
        %dma_start3A_87 = arith.constant 0 : i32
        %dma_start3A_88 = tpu.memref_slice %arg2[%arg1, %add3A_69, %dma_start3A_87] : memref<16x160x128xi32, #tpu.memory_space<hbm>> -> memref<1x16x128xi32, #tpu.memory_space<hbm>>
        %dma_start3A_89 = tpu.memref_squeeze %dma_start3A_88 : memref<1x16x128xi32, #tpu.memory_space<hbm>> -> memref<16x128xi32, #tpu.memory_space<hbm>>
        tpu.enqueue_dma source(%dma_start3A_89 : memref<16x128xi32, #tpu.memory_space<hbm>>) target(%arg4 : memref<16x128xi32, #tpu.memory_space<vmem>>) target_semaphore(%run_scoped3A : memref<!tpu.dma_semaphore, #tpu.memory_space<semaphore_mem>>)
        %dma_wait3A = arith.constant 0 : i32
        %dma_wait3A_90 = tpu.memref_slice %arg2[%arg1, %add3A_69, %dma_wait3A] : memref<16x160x128xi32, #tpu.memory_space<hbm>> -> memref<1x16x128xi32, #tpu.memory_space<hbm>>
        %dma_wait3A_91 = tpu.memref_squeeze %dma_wait3A_90 : memref<1x16x128xi32, #tpu.memory_space<hbm>> -> memref<16x128xi32, #tpu.memory_space<hbm>>
        %dma_wait3A_92 = arith.constant 0 : i32
        %dma_wait3A_93 = tpu.memref_slice %arg2[%arg1, %add3A_69, %dma_wait3A_92] : memref<16x160x128xi32, #tpu.memory_space<hbm>> -> memref<1x16x128xi32, #tpu.memory_space<hbm>>
        %dma_wait3A_94 = tpu.memref_squeeze %dma_wait3A_93 : memref<1x16x128xi32, #tpu.memory_space<hbm>> -> memref<16x128xi32, #tpu.memory_space<hbm>>
        tpu.wait_dma2 semaphore(%run_scoped3A : memref<!tpu.dma_semaphore, #tpu.memory_space<semaphore_mem>>) src(%dma_wait3A_94 : memref<16x128xi32, #tpu.memory_space<hbm>>) dst(%arg4 : memref<16x128xi32, #tpu.memory_space<vmem>>)
        tpu.yield
      }) : () -> ()
      %scan3A_70 = arith.constant 0 : i32
      %scan3A_71 = arith.constant 16 : i32
      %scan3A_72 = arith.addi %scan3A_70, %scan3A_71 : i32
      %scan3A_73 = arith.constant 1 : i32
      scf.for %scan3A_85 = %scan3A_70 to %scan3A_72 step %scan3A_73  : i32 {
        %mul3A_86 = arith.constant 1 : i32
        %mul3A_87 = arith.muli %scan3A_85, %mul3A_86 : i32
        %add3A_88 = arith.constant 0 : i32
        %add3A_89 = arith.addi %add3A_88, %mul3A_87 : i32
        %get3A = arith.index_cast %add3A_89 : i32 to index
        %get3A_90 = arith.constant 0 : index
        %get3A_91 = tpu.vector_load %arg4[%get3A, %get3A_90] {strides = array<i32>} : memref<16x128xi32, #tpu.memory_space<vmem>>, vector<1x16xi32>,
        %get3A_92 = vector.shape_cast %get3A_91 : vector<1x16xi32> to vector<16xi32>
        %shift_right_logical3A = arith.constant 16 : i32
        %shift_right_logical3A_93 = vector.broadcast %shift_right_logical3A : i32 to vector<16xi32>
        %shift_right_logical3A_94 = arith.shrui %get3A_92, %shift_right_logical3A_93 : vector<16xi32>
        %swap3A_95 = arith.index_cast %add3A_89 : i32 to index
        %swap3A_96 = arith.constant 0 : index
        %swap3A_97 = tpu.vector_load %arg5[%swap3A_95, %swap3A_96] {strides = array<i32>} : memref<16x128xi32, #tpu.memory_space<vmem>>, vector<1x16xi32>,
        %swap3A_98 = vector.shape_cast %swap3A_97 : vector<1x16xi32> to vector<16xi32>
        %swap3A_99 = vector.shape_cast %shift_right_logical3A_94 : vector<16xi32> to vector<1x16xi32>
        tpu.vector_store %arg5[%swap3A_95, %swap3A_96], %swap3A_99 {strides = array<i32>} : memref<16x128xi32, #tpu.memory_space<vmem>>, vector<1x16xi32>,
        %get3A_100 = arith.index_cast %add3A_89 : i32 to index
        %get3A_101 = arith.constant 16 : index
        %get3A_102 = tpu.vector_load %arg4[%get3A_100, %get3A_101] {strides = array<i32>} : memref<16x128xi32, #tpu.memory_space<vmem>>, vector<1x16xi32>,
        %get3A_103 = vector.shape_cast %get3A_102 : vector<1x16xi32> to vector<16xi32>
        %shift_right_logical3A_104 = arith.constant 16 : i32
        %shift_right_logical3A_105 = vector.broadcast %shift_right_logical3A_104 : i32 to vector<16xi32>
        %shift_right_logical3A_106 = arith.shrui %get3A_103, %shift_right_logical3A_105 : vector<16xi32>
        %swap3A_107 = arith.index_cast %add3A_89 : i32 to index
        %swap3A_108 = arith.constant 16 : index
        %swap3A_109 = tpu.vector_load %arg5[%swap3A_107, %swap3A_108] {strides = array<i32>} : memref<16x128xi32, #tpu.memory_space<vmem>>, vector<1x16xi32>,
        %swap3A_110 = vector.shape_cast %swap3A_109 : vector<1x16xi32> to vector<16xi32>
        %swap3A_111 = vector.shape_cast %shift_right_logical3A_106 : vector<16xi32> to vector<1x16xi32>
        tpu.vector_store %arg5[%swap3A_107, %swap3A_108], %swap3A_111 {strides = array<i32>} : memref<16x128xi32, #tpu.memory_space<vmem>>, vector<1x16xi32>,
        %get3A_112 = arith.index_cast %add3A_89 : i32 to index
        %get3A_113 = arith.constant 32 : index
        %get3A_114 = tpu.vector_load %arg4[%get3A_112, %get3A_113] {strides = array<i32>} : memref<16x128xi32, #tpu.memory_space<vmem>>, vector<1x16xi32>,
        %get3A_115 = vector.shape_cast %get3A_114 : vector<1x16xi32> to vector<16xi32>
        %shift_right_logical3A_116 = arith.constant 16 : i32
        %shift_right_logical3A_117 = vector.broadcast %shift_right_logical3A_116 : i32 to vector<16xi32>
        %shift_right_logical3A_118 = arith.shrui %get3A_115, %shift_right_logical3A_117 : vector<16xi32>
        %swap3A_119 = arith.index_cast %add3A_89 : i32 to index
        %swap3A_120 = arith.constant 32 : index
        %swap3A_121 = tpu.vector_load %arg5[%swap3A_119, %swap3A_120] {strides = array<i32>} : memref<16x128xi32, #tpu.memory_space<vmem>>, vector<1x16xi32>,
        %swap3A_122 = vector.shape_cast %swap3A_121 : vector<1x16xi32> to vector<16xi32>
        %swap3A_123 = vector.shape_cast %shift_right_logical3A_118 : vector<16xi32> to vector<1x16xi32>
        tpu.vector_store %arg5[%swap3A_119, %swap3A_120], %swap3A_123 {strides = array<i32>} : memref<16x128xi32, #tpu.memory_space<vmem>>, vector<1x16xi32>,
        %get3A_124 = arith.index_cast %add3A_89 : i32 to index
        %get3A_125 = arith.constant 48 : index
        %get3A_126 = tpu.vector_load %arg4[%get3A_124, %get3A_125] {strides = array<i32>} : memref<16x128xi32, #tpu.memory_space<vmem>>, vector<1x16xi32>,
        %get3A_127 = vector.shape_cast %get3A_126 : vector<1x16xi32> to vector<16xi32>
        %shift_right_logical3A_128 = arith.constant 16 : i32
        %shift_right_logical3A_129 = vector.broadcast %shift_right_logical3A_128 : i32 to vector<16xi32>
        %shift_right_logical3A_130 = arith.shrui %get3A_127, %shift_right_logical3A_129 : vector<16xi32>
        %swap3A_131 = arith.index_cast %add3A_89 : i32 to index
        %swap3A_132 = arith.constant 48 : index
        %swap3A_133 = tpu.vector_load %arg5[%swap3A_131, %swap3A_132] {strides = array<i32>} : memref<16x128xi32, #tpu.memory_space<vmem>>, vector<1x16xi32>,
        %swap3A_134 = vector.shape_cast %swap3A_133 : vector<1x16xi32> to vector<16xi32>
        %swap3A_135 = vector.shape_cast %shift_right_logical3A_130 : vector<16xi32> to vector<1x16xi32>
        tpu.vector_store %arg5[%swap3A_131, %swap3A_132], %swap3A_135 {strides = array<i32>} : memref<16x128xi32, #tpu.memory_space<vmem>>, vector<1x16xi32>,
        %get3A_136 = arith.index_cast %add3A_89 : i32 to index
        %get3A_137 = arith.constant 64 : index
        %get3A_138 = tpu.vector_load %arg4[%get3A_136, %get3A_137] {strides = array<i32>} : memref<16x128xi32, #tpu.memory_space<vmem>>, vector<1x16xi32>,
        %get3A_139 = vector.shape_cast %get3A_138 : vector<1x16xi32> to vector<16xi32>
        %shift_right_logical3A_140 = arith.constant 16 : i32
        %shift_right_logical3A_141 = vector.broadcast %shift_right_logical3A_140 : i32 to vector<16xi32>
        %shift_right_logical3A_142 = arith.shrui %get3A_139, %shift_right_logical3A_141 : vector<16xi32>
        %swap3A_143 = arith.index_cast %add3A_89 : i32 to index
        %swap3A_144 = arith.constant 64 : index
        %swap3A_145 = tpu.vector_load %arg5[%swap3A_143, %swap3A_144] {strides = array<i32>} : memref<16x128xi32, #tpu.memory_space<vmem>>, vector<1x16xi32>,
        %swap3A_146 = vector.shape_cast %swap3A_145 : vector<1x16xi32> to vector<16xi32>
        %swap3A_147 = vector.shape_cast %shift_right_logical3A_142 : vector<16xi32> to vector<1x16xi32>
        tpu.vector_store %arg5[%swap3A_143, %swap3A_144], %swap3A_147 {strides = array<i32>} : memref<16x128xi32, #tpu.memory_space<vmem>>, vector<1x16xi32>,
        %get3A_148 = arith.index_cast %add3A_89 : i32 to index
        %get3A_149 = arith.constant 80 : index
        %get3A_150 = tpu.vector_load %arg4[%get3A_148, %get3A_149] {strides = array<i32>} : memref<16x128xi32, #tpu.memory_space<vmem>>, vector<1x16xi32>,
        %get3A_151 = vector.shape_cast %get3A_150 : vector<1x16xi32> to vector<16xi32>
        %shift_right_logical3A_152 = arith.constant 16 : i32
        %shift_right_logical3A_153 = vector.broadcast %shift_right_logical3A_152 : i32 to vector<16xi32>
        %shift_right_logical3A_154 = arith.shrui %get3A_151, %shift_right_logical3A_153 : vector<16xi32>
        %swap3A_155 = arith.index_cast %add3A_89 : i32 to index
        %swap3A_156 = arith.constant 80 : index
        %swap3A_157 = tpu.vector_load %arg5[%swap3A_155, %swap3A_156] {strides = array<i32>} : memref<16x128xi32, #tpu.memory_space<vmem>>, vector<1x16xi32>,
        %swap3A_158 = vector.shape_cast %swap3A_157 : vector<1x16xi32> to vector<16xi32>
        %swap3A_159 = vector.shape_cast %shift_right_logical3A_154 : vector<16xi32> to vector<1x16xi32>
        tpu.vector_store %arg5[%swap3A_155, %swap3A_156], %swap3A_159 {strides = array<i32>} : memref<16x128xi32, #tpu.memory_space<vmem>>, vector<1x16xi32>,
        %get3A_160 = arith.index_cast %add3A_89 : i32 to index
        %get3A_161 = arith.constant 96 : index
        %get3A_162 = tpu.vector_load %arg4[%get3A_160, %get3A_161] {strides = array<i32>} : memref<16x128xi32, #tpu.memory_space<vmem>>, vector<1x16xi32>,
        %get3A_163 = vector.shape_cast %get3A_162 : vector<1x16xi32> to vector<16xi32>
        %shift_right_logical3A_164 = arith.constant 16 : i32
        %shift_right_logical3A_165 = vector.broadcast %shift_right_logical3A_164 : i32 to vector<16xi32>
        %shift_right_logical3A_166 = arith.shrui %get3A_163, %shift_right_logical3A_165 : vector<16xi32>
        %swap3A_167 = arith.index_cast %add3A_89 : i32 to index
        %swap3A_168 = arith.constant 96 : index
        %swap3A_169 = tpu.vector_load %arg5[%swap3A_167, %swap3A_168] {strides = array<i32>} : memref<16x128xi32, #tpu.memory_space<vmem>>, vector<1x16xi32>,
        %swap3A_170 = vector.shape_cast %swap3A_169 : vector<1x16xi32> to vector<16xi32>
        %swap3A_171 = vector.shape_cast %shift_right_logical3A_166 : vector<16xi32> to vector<1x16xi32>
        tpu.vector_store %arg5[%swap3A_167, %swap3A_168], %swap3A_171 {strides = array<i32>} : memref<16x128xi32, #tpu.memory_space<vmem>>, vector<1x16xi32>,
        %get3A_172 = arith.index_cast %add3A_89 : i32 to index
        %get3A_173 = arith.constant 112 : index
        %get3A_174 = tpu.vector_load %arg4[%get3A_172, %get3A_173] {strides = array<i32>} : memref<16x128xi32, #tpu.memory_space<vmem>>, vector<1x16xi32>,
        %get3A_175 = vector.shape_cast %get3A_174 : vector<1x16xi32> to vector<16xi32>
        %shift_right_logical3A_176 = arith.constant 16 : i32
        %shift_right_logical3A_177 = vector.broadcast %shift_right_logical3A_176 : i32 to vector<16xi32>
        %shift_right_logical3A_178 = arith.shrui %get3A_175, %shift_right_logical3A_177 : vector<16xi32>
        %swap3A_179 = arith.index_cast %add3A_89 : i32 to index
        %swap3A_180 = arith.constant 112 : index
        %swap3A_181 = tpu.vector_load %arg5[%swap3A_179, %swap3A_180] {strides = array<i32>} : memref<16x128xi32, #tpu.memory_space<vmem>>, vector<1x16xi32>,
        %swap3A_182 = vector.shape_cast %swap3A_181 : vector<1x16xi32> to vector<16xi32>
        %swap3A_183 = vector.shape_cast %shift_right_logical3A_178 : vector<16xi32> to vector<1x16xi32>
        tpu.vector_store %arg5[%swap3A_179, %swap3A_180], %swap3A_183 {strides = array<i32>} : memref<16x128xi32, #tpu.memory_space<vmem>>, vector<1x16xi32>,
      }
      %scan3A_74 = arith.constant 16 : i32
      %scan3A_75 = arith.constant 0 : i32
      %scan3A_76 = arith.constant 16 : i32
      %scan3A_77 = arith.addi %scan3A_75, %scan3A_76 : i32
      %scan3A_78 = arith.constant 1 : i32
      scf.for %scan3A_85 = %scan3A_75 to %scan3A_77 step %scan3A_78  : i32 {
        %mul3A_86 = arith.constant 1 : i32
        %mul3A_87 = arith.muli %scan3A_85, %mul3A_86 : i32
        %add3A_88 = arith.constant 0 : i32
        %add3A_89 = arith.addi %add3A_88, %mul3A_87 : i32
        %dma_start3A = arith.constant 0 : i32
        %dma_start3A_90 = tpu.memref_slice %arg5[%add3A_89, %dma_start3A] : memref<16x128xi32, #tpu.memory_space<vmem>> -> memref<1x128xi32, #tpu.memory_space<vmem>>
        %dma_start3A_91 = tpu.memref_squeeze %dma_start3A_90 : memref<1x128xi32, #tpu.memory_space<vmem>> -> memref<128xi32, #tpu.memory_space<vmem>>
        %dma_start3A_92 = arith.constant 0 : i32
        %dma_start3A_93 = tpu.memref_slice %arg8[%dma_start3A_92] : memref<10240xf32, #tpu.memory_space<vmem_shared>> -> memref<10240xf32, #tpu.memory_space<vmem_shared>>
        tpu.enqueue_indirect_dma source(%arg6 : memref<128xf32, #tpu.memory_space<vmem>>) target(%dma_start3A_93 : memref<10240xf32, #tpu.memory_space<vmem_shared>>) offsets(%dma_start3A_91 : memref<128xi32, #tpu.memory_space<vmem>>) semaphore(%arg9 : memref<!tpu.dma_semaphore, #tpu.memory_space<semaphore_mem>>) {add = true}
      }
      %scan3A_79 = arith.constant 16 : i32
      %scan3A_80 = arith.constant 0 : i32
      %scan3A_81 = arith.constant 16 : i32
      %scan3A_82 = arith.addi %scan3A_80, %scan3A_81 : i32
      %scan3A_83 = arith.constant 1 : i32
      scf.for %scan3A_85 = %scan3A_80 to %scan3A_82 step %scan3A_83  : i32 {
        %mul3A_86 = arith.constant 1 : i32
        %mul3A_87 = arith.muli %scan3A_85, %mul3A_86 : i32
        %add3A_88 = arith.constant 0 : i32
        %add3A_89 = arith.addi %add3A_88, %mul3A_87 : i32
        %dma_wait3A = arith.constant 0 : i32
        %dma_wait3A_90 = tpu.memref_slice %arg8[%dma_wait3A] : memref<10240xf32, #tpu.memory_space<vmem_shared>> -> memref<128xf32, #tpu.memory_space<vmem_shared>>
        %dma_wait3A_91 = arith.constant 0 : i32
        %dma_wait3A_92 = tpu.memref_slice %arg8[%dma_wait3A_91] : memref<10240xf32, #tpu.memory_space<vmem_shared>> -> memref<128xf32, #tpu.memory_space<vmem_shared>>
        tpu.wait_dma2 semaphore(%arg9 : memref<!tpu.dma_semaphore, #tpu.memory_space<semaphore_mem>>) src(%arg6 : memref<128xf32, #tpu.memory_space<vmem>>) dst(%dma_wait3A_92 : memref<128xf32, #tpu.memory_space<vmem_shared>>)
      }
      %scan3A_84 = arith.constant 16 : i32
    }
    %scan3A_55 = arith.constant 5 : i32
    %barrier3A_56 = arith.constant 0 : index
    tpu.barrier barrier_id(%barrier3A_56)
    %mul3A_57 = arith.constant 640 : i32
    %mul3A_58 = arith.muli %arg1, %mul3A_57 : i32
    %mul3A_59 = arith.constant 640 : i32
    %mul3A_60 = arith.muli %arg1, %mul3A_59 : i32
    "tpu.region"() ({
      %run_scoped3A = tpu.sem_alloc : memref<!tpu.dma_semaphore, #tpu.memory_space<semaphore_mem>>
      %dma_start3A = tpu.memref_slice %arg3[%arg0, %mul3A_60] : memref<2x10240xf32, #tpu.memory_space<hbm>> -> memref<1x640xf32, #tpu.memory_space<hbm>>
      %dma_start3A_61 = tpu.memref_squeeze %dma_start3A : memref<1x640xf32, #tpu.memory_space<hbm>> -> memref<640xf32, #tpu.memory_space<hbm>>
      %dma_start3A_62 = tpu.memref_slice %arg8[%mul3A_58] : memref<10240xf32, #tpu.memory_space<vmem_shared>> -> memref<640xf32, #tpu.memory_space<vmem_shared>>
      tpu.enqueue_dma source(%dma_start3A_62 : memref<640xf32, #tpu.memory_space<vmem_shared>>) target(%dma_start3A_61 : memref<640xf32, #tpu.memory_space<hbm>>) target_semaphore(%run_scoped3A : memref<!tpu.dma_semaphore, #tpu.memory_space<semaphore_mem>>)
      %dma_wait3A = tpu.memref_slice %arg3[%arg0, %mul3A_60] : memref<2x10240xf32, #tpu.memory_space<hbm>> -> memref<1x640xf32, #tpu.memory_space<hbm>>
      %dma_wait3A_63 = tpu.memref_squeeze %dma_wait3A : memref<1x640xf32, #tpu.memory_space<hbm>> -> memref<640xf32, #tpu.memory_space<hbm>>
      %dma_wait3A_64 = tpu.memref_slice %arg8[%mul3A_58] : memref<10240xf32, #tpu.memory_space<vmem_shared>> -> memref<640xf32, #tpu.memory_space<vmem_shared>>
      tpu.wait_dma2 semaphore(%run_scoped3A : memref<!tpu.dma_semaphore, #tpu.memory_space<semaphore_mem>>) src(%dma_wait3A_64 : memref<640xf32, #tpu.memory_space<vmem_shared>>) dst(%dma_wait3A_63 : memref<640xf32, #tpu.memory_space<hbm>>)
      tpu.yield
    }) : () -> ()
    return
  }
}

#map = affine_map<(d0, d1) -> (0, 0)>
#map1 = affine_map<(d0, d1) -> (0, 0, 0)>
module attributes {stable_mosaic.version = 14 : i64} {
  func.func @body(%arg0: i32, %arg1: i32, %arg2: memref<10240x128xf32, #tpu.memory_space<hbm>>, %arg3: memref<16x160x128xi32, #tpu.memory_space<hbm>>, %arg4: memref<2x10016x128xf32, #tpu.memory_space<hbm>>, %arg5: memref<80x128xi32, #tpu.memory_space<vmem>>, %arg6: memref<4x64xi32, #tpu.memory_space<vmem>>, %arg7: memref<4x64xi32, #tpu.memory_space<vmem>>, %arg8: memref<128x128xf32, #tpu.memory_space<vmem>>, %arg9: memref<128x128xf32, #tpu.memory_space<vmem>>, %arg10: memref<!tpu.dma_semaphore, #tpu.memory_space<semaphore_mem>>, %arg11: memref<!tpu.dma_semaphore, #tpu.memory_space<semaphore_mem>>, %arg12: memref<!tpu.dma_semaphore, #tpu.memory_space<semaphore_mem>>, %arg13: memref<!tpu.dma_semaphore, #tpu.memory_space<semaphore_mem>>, %arg14: memref<10016x128xf32, #tpu.memory_space<vmem_shared>>) attributes {dimension_semantics = [#tpu.dimension_semantics<core_parallel>, #tpu.dimension_semantics<subcore_parallel>], iteration_bounds = array<i64: 2, 16>, scalar_prefetch = 0 : i64, scratch_operands = 10 : i64, tpu.core_type = #tpu.core_type<sc_vector_subcore>, window_params = [{transform_indices = #map}, {transform_indices = #map1}, {transform_indices = #map1}]} {
    %scan3A = arith.constant 0 : i32
    %scan3A_0 = arith.constant 128 : i32
    %scan3A_1 = arith.addi %scan3A, %scan3A_0 : i32
    %scan3A_2 = arith.constant 1 : i32
    scf.for %scan3A_471 = %scan3A to %scan3A_1 step %scan3A_2  : i32 {
      %mul3A_472 = arith.constant 1 : i32
      %mul3A_473 = arith.muli %scan3A_471, %mul3A_472 : i32
      %add3A_474 = arith.constant 0 : i32
      %add3A_475 = arith.addi %add3A_474, %mul3A_473 : i32
      %broadcast_in_dim3A = arith.constant 0.000000e+00 : f32
      %broadcast_in_dim3A_476 = vector.broadcast %broadcast_in_dim3A : f32 to vector<16xf32>
      %swap3A_477 = arith.index_cast %add3A_475 : i32 to index
      %swap3A_478 = arith.constant 0 : index
      %swap3A_479 = tpu.vector_load %arg8[%swap3A_477, %swap3A_478] {strides = array<i32>} : memref<128x128xf32, #tpu.memory_space<vmem>>, vector<1x16xf32>,
      %swap3A_480 = vector.shape_cast %swap3A_479 : vector<1x16xf32> to vector<16xf32>
      %swap3A_481 = vector.shape_cast %broadcast_in_dim3A_476 : vector<16xf32> to vector<1x16xf32>
      tpu.vector_store %arg8[%swap3A_477, %swap3A_478], %swap3A_481 {strides = array<i32>} : memref<128x128xf32, #tpu.memory_space<vmem>>, vector<1x16xf32>,
      %broadcast_in_dim3A_482 = arith.constant 0.000000e+00 : f32
      %broadcast_in_dim3A_483 = vector.broadcast %broadcast_in_dim3A_482 : f32 to vector<16xf32>
      %swap3A_484 = arith.index_cast %add3A_475 : i32 to index
      %swap3A_485 = arith.constant 16 : index
      %swap3A_486 = tpu.vector_load %arg8[%swap3A_484, %swap3A_485] {strides = array<i32>} : memref<128x128xf32, #tpu.memory_space<vmem>>, vector<1x16xf32>,
      %swap3A_487 = vector.shape_cast %swap3A_486 : vector<1x16xf32> to vector<16xf32>
      %swap3A_488 = vector.shape_cast %broadcast_in_dim3A_483 : vector<16xf32> to vector<1x16xf32>
      tpu.vector_store %arg8[%swap3A_484, %swap3A_485], %swap3A_488 {strides = array<i32>} : memref<128x128xf32, #tpu.memory_space<vmem>>, vector<1x16xf32>,
      %broadcast_in_dim3A_489 = arith.constant 0.000000e+00 : f32
      %broadcast_in_dim3A_490 = vector.broadcast %broadcast_in_dim3A_489 : f32 to vector<16xf32>
      %swap3A_491 = arith.index_cast %add3A_475 : i32 to index
      %swap3A_492 = arith.constant 32 : index
      %swap3A_493 = tpu.vector_load %arg8[%swap3A_491, %swap3A_492] {strides = array<i32>} : memref<128x128xf32, #tpu.memory_space<vmem>>, vector<1x16xf32>,
      %swap3A_494 = vector.shape_cast %swap3A_493 : vector<1x16xf32> to vector<16xf32>
      %swap3A_495 = vector.shape_cast %broadcast_in_dim3A_490 : vector<16xf32> to vector<1x16xf32>
      tpu.vector_store %arg8[%swap3A_491, %swap3A_492], %swap3A_495 {strides = array<i32>} : memref<128x128xf32, #tpu.memory_space<vmem>>, vector<1x16xf32>,
      %broadcast_in_dim3A_496 = arith.constant 0.000000e+00 : f32
      %broadcast_in_dim3A_497 = vector.broadcast %broadcast_in_dim3A_496 : f32 to vector<16xf32>
      %swap3A_498 = arith.index_cast %add3A_475 : i32 to index
      %swap3A_499 = arith.constant 48 : index
      %swap3A_500 = tpu.vector_load %arg8[%swap3A_498, %swap3A_499] {strides = array<i32>} : memref<128x128xf32, #tpu.memory_space<vmem>>, vector<1x16xf32>,
      %swap3A_501 = vector.shape_cast %swap3A_500 : vector<1x16xf32> to vector<16xf32>
      %swap3A_502 = vector.shape_cast %broadcast_in_dim3A_497 : vector<16xf32> to vector<1x16xf32>
      tpu.vector_store %arg8[%swap3A_498, %swap3A_499], %swap3A_502 {strides = array<i32>} : memref<128x128xf32, #tpu.memory_space<vmem>>, vector<1x16xf32>,
      %broadcast_in_dim3A_503 = arith.constant 0.000000e+00 : f32
      %broadcast_in_dim3A_504 = vector.broadcast %broadcast_in_dim3A_503 : f32 to vector<16xf32>
      %swap3A_505 = arith.index_cast %add3A_475 : i32 to index
      %swap3A_506 = arith.constant 64 : index
      %swap3A_507 = tpu.vector_load %arg8[%swap3A_505, %swap3A_506] {strides = array<i32>} : memref<128x128xf32, #tpu.memory_space<vmem>>, vector<1x16xf32>,
      %swap3A_508 = vector.shape_cast %swap3A_507 : vector<1x16xf32> to vector<16xf32>
      %swap3A_509 = vector.shape_cast %broadcast_in_dim3A_504 : vector<16xf32> to vector<1x16xf32>
      tpu.vector_store %arg8[%swap3A_505, %swap3A_506], %swap3A_509 {strides = array<i32>} : memref<128x128xf32, #tpu.memory_space<vmem>>, vector<1x16xf32>,
      %broadcast_in_dim3A_510 = arith.constant 0.000000e+00 : f32
      %broadcast_in_dim3A_511 = vector.broadcast %broadcast_in_dim3A_510 : f32 to vector<16xf32>
      %swap3A_512 = arith.index_cast %add3A_475 : i32 to index
      %swap3A_513 = arith.constant 80 : index
      %swap3A_514 = tpu.vector_load %arg8[%swap3A_512, %swap3A_513] {strides = array<i32>} : memref<128x128xf32, #tpu.memory_space<vmem>>, vector<1x16xf32>,
      %swap3A_515 = vector.shape_cast %swap3A_514 : vector<1x16xf32> to vector<16xf32>
      %swap3A_516 = vector.shape_cast %broadcast_in_dim3A_511 : vector<16xf32> to vector<1x16xf32>
      tpu.vector_store %arg8[%swap3A_512, %swap3A_513], %swap3A_516 {strides = array<i32>} : memref<128x128xf32, #tpu.memory_space<vmem>>, vector<1x16xf32>,
      %broadcast_in_dim3A_517 = arith.constant 0.000000e+00 : f32
      %broadcast_in_dim3A_518 = vector.broadcast %broadcast_in_dim3A_517 : f32 to vector<16xf32>
      %swap3A_519 = arith.index_cast %add3A_475 : i32 to index
      %swap3A_520 = arith.constant 96 : index
      %swap3A_521 = tpu.vector_load %arg8[%swap3A_519, %swap3A_520] {strides = array<i32>} : memref<128x128xf32, #tpu.memory_space<vmem>>, vector<1x16xf32>,
      %swap3A_522 = vector.shape_cast %swap3A_521 : vector<1x16xf32> to vector<16xf32>
      %swap3A_523 = vector.shape_cast %broadcast_in_dim3A_518 : vector<16xf32> to vector<1x16xf32>
      tpu.vector_store %arg8[%swap3A_519, %swap3A_520], %swap3A_523 {strides = array<i32>} : memref<128x128xf32, #tpu.memory_space<vmem>>, vector<1x16xf32>,
      %broadcast_in_dim3A_524 = arith.constant 0.000000e+00 : f32
      %broadcast_in_dim3A_525 = vector.broadcast %broadcast_in_dim3A_524 : f32 to vector<16xf32>
      %swap3A_526 = arith.index_cast %add3A_475 : i32 to index
      %swap3A_527 = arith.constant 112 : index
      %swap3A_528 = tpu.vector_load %arg8[%swap3A_526, %swap3A_527] {strides = array<i32>} : memref<128x128xf32, #tpu.memory_space<vmem>>, vector<1x16xf32>,
      %swap3A_529 = vector.shape_cast %swap3A_528 : vector<1x16xf32> to vector<16xf32>
      %swap3A_530 = vector.shape_cast %broadcast_in_dim3A_525 : vector<16xf32> to vector<1x16xf32>
      tpu.vector_store %arg8[%swap3A_526, %swap3A_527], %swap3A_530 {strides = array<i32>} : memref<128x128xf32, #tpu.memory_space<vmem>>, vector<1x16xf32>,
    }
    %scan3A_3 = arith.constant 128 : i32
    %scan3A_4 = arith.constant 0 : i32
    %scan3A_5 = arith.constant 5 : i32
    %scan3A_6 = arith.addi %scan3A_4, %scan3A_5 : i32
    %scan3A_7 = arith.constant 1 : i32
    scf.for %scan3A_471 = %scan3A_4 to %scan3A_6 step %scan3A_7  : i32 {
      %mul3A_472 = arith.constant 1 : i32
      %mul3A_473 = arith.muli %scan3A_471, %mul3A_472 : i32
      %add3A_474 = arith.constant 0 : i32
      %add3A_475 = arith.addi %add3A_474, %mul3A_473 : i32
      %mul3A_476 = arith.constant 16 : i32
      %mul3A_477 = arith.muli %mul3A_476, %add3A_475 : i32
      %add3A_478 = arith.addi %arg1, %mul3A_477 : i32
      %lt3A = arith.constant 79 : i32
      %lt3A_479 = arith.cmpi slt, %add3A_478, %lt3A : i32
      %convert_element_type3A = arith.extui %lt3A_479 : i1 to i32
      %cond3A = arith.constant 0 : i32
      %cond3A_480 = arith.cmpi ne, %convert_element_type3A, %cond3A : i32
      scf.if %cond3A_480 {
        %eq3A = arith.constant 78 : i32
        %eq3A_481 = arith.cmpi eq, %add3A_478, %eq3A : i32
        %mul3A_482 = arith.constant 128 : i32
        %mul3A_483 = arith.muli %add3A_478, %mul3A_482 : i32
        %jit3A = arith.constant 9888 : i32
        %select_n3A = arith.select %eq3A_481, %jit3A, %mul3A_483 : i32
        "tpu.region"() ({
          %run_scoped3A = tpu.sem_alloc : memref<!tpu.dma_semaphore, #tpu.memory_space<semaphore_mem>>
          %dma_start3A_484 = arith.constant 0 : i32
          %dma_start3A_485 = tpu.memref_slice %arg14[%select_n3A, %dma_start3A_484] : memref<10016x128xf32, #tpu.memory_space<vmem_shared>> -> memref<128x128xf32, #tpu.memory_space<vmem_shared>>
          %dma_start3A_486 = arith.constant 0 : i32
          %dma_start3A_487 = tpu.memref_slice %arg14[%select_n3A, %dma_start3A_486] : memref<10016x128xf32, #tpu.memory_space<vmem_shared>> -> memref<128x128xf32, #tpu.memory_space<vmem_shared>>
          tpu.enqueue_dma source(%arg8 : memref<128x128xf32, #tpu.memory_space<vmem>>) target(%dma_start3A_487 : memref<128x128xf32, #tpu.memory_space<vmem_shared>>) target_semaphore(%run_scoped3A : memref<!tpu.dma_semaphore, #tpu.memory_space<semaphore_mem>>)
          %dma_wait3A = arith.constant 0 : i32
          %dma_wait3A_488 = tpu.memref_slice %arg14[%select_n3A, %dma_wait3A] : memref<10016x128xf32, #tpu.memory_space<vmem_shared>> -> memref<128x128xf32, #tpu.memory_space<vmem_shared>>
          %dma_wait3A_489 = arith.constant 0 : i32
          %dma_wait3A_490 = tpu.memref_slice %arg14[%select_n3A, %dma_wait3A_489] : memref<10016x128xf32, #tpu.memory_space<vmem_shared>> -> memref<128x128xf32, #tpu.memory_space<vmem_shared>>
          tpu.wait_dma2 semaphore(%run_scoped3A : memref<!tpu.dma_semaphore, #tpu.memory_space<semaphore_mem>>) src(%arg8 : memref<128x128xf32, #tpu.memory_space<vmem>>) dst(%dma_wait3A_490 : memref<128x128xf32, #tpu.memory_space<vmem_shared>>)
          tpu.yield
        }) : () -> ()
      } else {
      }
    }
    %scan3A_8 = arith.constant 5 : i32
    %mul3A = arith.constant 80 : i32
    %mul3A_9 = arith.muli %arg0, %mul3A : i32
    "tpu.region"() ({
      %run_scoped3A = tpu.sem_alloc : memref<!tpu.dma_semaphore, #tpu.memory_space<semaphore_mem>>
      %dma_start3A_471 = arith.constant 0 : i32
      %dma_start3A_472 = tpu.memref_slice %arg3[%arg1, %mul3A_9, %dma_start3A_471] : memref<16x160x128xi32, #tpu.memory_space<hbm>> -> memref<1x80x128xi32, #tpu.memory_space<hbm>>
      %dma_start3A_473 = tpu.memref_squeeze %dma_start3A_472 : memref<1x80x128xi32, #tpu.memory_space<hbm>> -> memref<80x128xi32, #tpu.memory_space<hbm>>
      %dma_start3A_474 = arith.constant 0 : i32
      %dma_start3A_475 = tpu.memref_slice %arg3[%arg1, %mul3A_9, %dma_start3A_474] : memref<16x160x128xi32, #tpu.memory_space<hbm>> -> memref<1x80x128xi32, #tpu.memory_space<hbm>>
      %dma_start3A_476 = tpu.memref_squeeze %dma_start3A_475 : memref<1x80x128xi32, #tpu.memory_space<hbm>> -> memref<80x128xi32, #tpu.memory_space<hbm>>
      tpu.enqueue_dma source(%dma_start3A_476 : memref<80x128xi32, #tpu.memory_space<hbm>>) target(%arg5 : memref<80x128xi32, #tpu.memory_space<vmem>>) target_semaphore(%run_scoped3A : memref<!tpu.dma_semaphore, #tpu.memory_space<semaphore_mem>>)
      %dma_wait3A = arith.constant 0 : i32
      %dma_wait3A_477 = tpu.memref_slice %arg3[%arg1, %mul3A_9, %dma_wait3A] : memref<16x160x128xi32, #tpu.memory_space<hbm>> -> memref<1x80x128xi32, #tpu.memory_space<hbm>>
      %dma_wait3A_478 = tpu.memref_squeeze %dma_wait3A_477 : memref<1x80x128xi32, #tpu.memory_space<hbm>> -> memref<80x128xi32, #tpu.memory_space<hbm>>
      %dma_wait3A_479 = arith.constant 0 : i32
      %dma_wait3A_480 = tpu.memref_slice %arg3[%arg1, %mul3A_9, %dma_wait3A_479] : memref<16x160x128xi32, #tpu.memory_space<hbm>> -> memref<1x80x128xi32, #tpu.memory_space<hbm>>
      %dma_wait3A_481 = tpu.memref_squeeze %dma_wait3A_480 : memref<1x80x128xi32, #tpu.memory_space<hbm>> -> memref<80x128xi32, #tpu.memory_space<hbm>>
      tpu.wait_dma2 semaphore(%run_scoped3A : memref<!tpu.dma_semaphore, #tpu.memory_space<semaphore_mem>>) src(%dma_wait3A_481 : memref<80x128xi32, #tpu.memory_space<hbm>>) dst(%arg5 : memref<80x128xi32, #tpu.memory_space<vmem>>)
      tpu.yield
    }) : () -> ()
    %barrier3A = arith.constant 0 : index
    tpu.barrier barrier_id(%barrier3A)
    %shift_right_logical3A = arith.constant 0 : i32
    %shift_right_logical3A_10 = arith.constant 1 : i32
    %shift_right_logical3A_11 = arith.shrui %shift_right_logical3A, %shift_right_logical3A_10 : i32
    %and3A = arith.constant 0 : i32
    %and3A_12 = arith.constant 1 : i32
    %and3A_13 = arith.andi %and3A, %and3A_12 : i32
    %mul3A_14 = arith.constant 64 : i32
    %mul3A_15 = arith.muli %and3A_13, %mul3A_14 : i32
    %add3A = arith.constant 0 : i32
    %add3A_16 = arith.addi %mul3A_15, %add3A : i32
    %get3A = arith.index_cast %shift_right_logical3A_11 : i32 to index
    %get3A_17 = arith.index_cast %add3A_16 : i32 to index
    %get3A_18 = tpu.vector_load %arg5[%get3A, %get3A_17] {strides = array<i32>} : memref<80x128xi32, #tpu.memory_space<vmem>>, vector<1x16xi32>,
    %get3A_19 = vector.shape_cast %get3A_18 : vector<1x16xi32> to vector<16xi32>
    %and3A_20 = arith.constant 65535 : i32
    %and3A_21 = vector.broadcast %and3A_20 : i32 to vector<16xi32>
    %and3A_22 = arith.andi %get3A_19, %and3A_21 : vector<16xi32>
    %swap3A = arith.constant 0 : i32
    %swap3A_23 = arith.index_cast %swap3A : i32 to index
    %swap3A_24 = arith.constant 0 : index
    %swap3A_25 = tpu.vector_load %arg6[%swap3A_23, %swap3A_24] {strides = array<i32>} : memref<4x64xi32, #tpu.memory_space<vmem>>, vector<1x16xi32>,
    %swap3A_26 = vector.shape_cast %swap3A_25 : vector<1x16xi32> to vector<16xi32>
    %swap3A_27 = vector.shape_cast %and3A_22 : vector<16xi32> to vector<1x16xi32>
    tpu.vector_store %arg6[%swap3A_23, %swap3A_24], %swap3A_27 {strides = array<i32>} : memref<4x64xi32, #tpu.memory_space<vmem>>, vector<1x16xi32>,
    %shift_right_logical3A_28 = arith.constant 16 : i32
    %shift_right_logical3A_29 = vector.broadcast %shift_right_logical3A_28 : i32 to vector<16xi32>
    %shift_right_logical3A_30 = arith.shrui %get3A_19, %shift_right_logical3A_29 : vector<16xi32>
    %swap3A_31 = arith.constant 0 : i32
    %swap3A_32 = arith.index_cast %swap3A_31 : i32 to index
    %swap3A_33 = arith.constant 0 : index
    %swap3A_34 = tpu.vector_load %arg7[%swap3A_32, %swap3A_33] {strides = array<i32>} : memref<4x64xi32, #tpu.memory_space<vmem>>, vector<1x16xi32>,
    %swap3A_35 = vector.shape_cast %swap3A_34 : vector<1x16xi32> to vector<16xi32>
    %swap3A_36 = vector.shape_cast %shift_right_logical3A_30 : vector<16xi32> to vector<1x16xi32>
    tpu.vector_store %arg7[%swap3A_32, %swap3A_33], %swap3A_36 {strides = array<i32>} : memref<4x64xi32, #tpu.memory_space<vmem>>, vector<1x16xi32>,
    %add3A_37 = arith.constant 16 : i32
    %add3A_38 = arith.addi %mul3A_15, %add3A_37 : i32
    %get3A_39 = arith.index_cast %shift_right_logical3A_11 : i32 to index
    %get3A_40 = arith.index_cast %add3A_38 : i32 to index
    %get3A_41 = tpu.vector_load %arg5[%get3A_39, %get3A_40] {strides = array<i32>} : memref<80x128xi32, #tpu.memory_space<vmem>>, vector<1x16xi32>,
    %get3A_42 = vector.shape_cast %get3A_41 : vector<1x16xi32> to vector<16xi32>
    %and3A_43 = arith.constant 65535 : i32
    %and3A_44 = vector.broadcast %and3A_43 : i32 to vector<16xi32>
    %and3A_45 = arith.andi %get3A_42, %and3A_44 : vector<16xi32>
    %swap3A_46 = arith.constant 0 : i32
    %swap3A_47 = arith.index_cast %swap3A_46 : i32 to index
    %swap3A_48 = arith.constant 16 : index
    %swap3A_49 = tpu.vector_load %arg6[%swap3A_47, %swap3A_48] {strides = array<i32>} : memref<4x64xi32, #tpu.memory_space<vmem>>, vector<1x16xi32>,
    %swap3A_50 = vector.shape_cast %swap3A_49 : vector<1x16xi32> to vector<16xi32>
    %swap3A_51 = vector.shape_cast %and3A_45 : vector<16xi32> to vector<1x16xi32>
    tpu.vector_store %arg6[%swap3A_47, %swap3A_48], %swap3A_51 {strides = array<i32>} : memref<4x64xi32, #tpu.memory_space<vmem>>, vector<1x16xi32>,
    %shift_right_logical3A_52 = arith.constant 16 : i32
    %shift_right_logical3A_53 = vector.broadcast %shift_right_logical3A_52 : i32 to vector<16xi32>
    %shift_right_logical3A_54 = arith.shrui %get3A_42, %shift_right_logical3A_53 : vector<16xi32>
    %swap3A_55 = arith.constant 0 : i32
    %swap3A_56 = arith.index_cast %swap3A_55 : i32 to index
    %swap3A_57 = arith.constant 16 : index
    %swap3A_58 = tpu.vector_load %arg7[%swap3A_56, %swap3A_57] {strides = array<i32>} : memref<4x64xi32, #tpu.memory_space<vmem>>, vector<1x16xi32>,
    %swap3A_59 = vector.shape_cast %swap3A_58 : vector<1x16xi32> to vector<16xi32>
    %swap3A_60 = vector.shape_cast %shift_right_logical3A_54 : vector<16xi32> to vector<1x16xi32>
    tpu.vector_store %arg7[%swap3A_56, %swap3A_57], %swap3A_60 {strides = array<i32>} : memref<4x64xi32, #tpu.memory_space<vmem>>, vector<1x16xi32>,
    %add3A_61 = arith.constant 32 : i32
    %add3A_62 = arith.addi %mul3A_15, %add3A_61 : i32
    %get3A_63 = arith.index_cast %shift_right_logical3A_11 : i32 to index
    %get3A_64 = arith.index_cast %add3A_62 : i32 to index
    %get3A_65 = tpu.vector_load %arg5[%get3A_63, %get3A_64] {strides = array<i32>} : memref<80x128xi32, #tpu.memory_space<vmem>>, vector<1x16xi32>,
    %get3A_66 = vector.shape_cast %get3A_65 : vector<1x16xi32> to vector<16xi32>
    %and3A_67 = arith.constant 65535 : i32
    %and3A_68 = vector.broadcast %and3A_67 : i32 to vector<16xi32>
    %and3A_69 = arith.andi %get3A_66, %and3A_68 : vector<16xi32>
    %swap3A_70 = arith.constant 0 : i32
    %swap3A_71 = arith.index_cast %swap3A_70 : i32 to index
    %swap3A_72 = arith.constant 32 : index
    %swap3A_73 = tpu.vector_load %arg6[%swap3A_71, %swap3A_72] {strides = array<i32>} : memref<4x64xi32, #tpu.memory_space<vmem>>, vector<1x16xi32>,
    %swap3A_74 = vector.shape_cast %swap3A_73 : vector<1x16xi32> to vector<16xi32>
    %swap3A_75 = vector.shape_cast %and3A_69 : vector<16xi32> to vector<1x16xi32>
    tpu.vector_store %arg6[%swap3A_71, %swap3A_72], %swap3A_75 {strides = array<i32>} : memref<4x64xi32, #tpu.memory_space<vmem>>, vector<1x16xi32>,
    %shift_right_logical3A_76 = arith.constant 16 : i32
    %shift_right_logical3A_77 = vector.broadcast %shift_right_logical3A_76 : i32 to vector<16xi32>
    %shift_right_logical3A_78 = arith.shrui %get3A_66, %shift_right_logical3A_77 : vector<16xi32>
    %swap3A_79 = arith.constant 0 : i32
    %swap3A_80 = arith.index_cast %swap3A_79 : i32 to index
    %swap3A_81 = arith.constant 32 : index
    %swap3A_82 = tpu.vector_load %arg7[%swap3A_80, %swap3A_81] {strides = array<i32>} : memref<4x64xi32, #tpu.memory_space<vmem>>, vector<1x16xi32>,
    %swap3A_83 = vector.shape_cast %swap3A_82 : vector<1x16xi32> to vector<16xi32>
    %swap3A_84 = vector.shape_cast %shift_right_logical3A_78 : vector<16xi32> to vector<1x16xi32>
    tpu.vector_store %arg7[%swap3A_80, %swap3A_81], %swap3A_84 {strides = array<i32>} : memref<4x64xi32, #tpu.memory_space<vmem>>, vector<1x16xi32>,
    %add3A_85 = arith.constant 48 : i32
    %add3A_86 = arith.addi %mul3A_15, %add3A_85 : i32
    %get3A_87 = arith.index_cast %shift_right_logical3A_11 : i32 to index
    %get3A_88 = arith.index_cast %add3A_86 : i32 to index
    %get3A_89 = tpu.vector_load %arg5[%get3A_87, %get3A_88] {strides = array<i32>} : memref<80x128xi32, #tpu.memory_space<vmem>>, vector<1x16xi32>,
    %get3A_90 = vector.shape_cast %get3A_89 : vector<1x16xi32> to vector<16xi32>
    %and3A_91 = arith.constant 65535 : i32
    %and3A_92 = vector.broadcast %and3A_91 : i32 to vector<16xi32>
    %and3A_93 = arith.andi %get3A_90, %and3A_92 : vector<16xi32>
    %swap3A_94 = arith.constant 0 : i32
    %swap3A_95 = arith.index_cast %swap3A_94 : i32 to index
    %swap3A_96 = arith.constant 48 : index
    %swap3A_97 = tpu.vector_load %arg6[%swap3A_95, %swap3A_96] {strides = array<i32>} : memref<4x64xi32, #tpu.memory_space<vmem>>, vector<1x16xi32>,
    %swap3A_98 = vector.shape_cast %swap3A_97 : vector<1x16xi32> to vector<16xi32>
    %swap3A_99 = vector.shape_cast %and3A_93 : vector<16xi32> to vector<1x16xi32>
    tpu.vector_store %arg6[%swap3A_95, %swap3A_96], %swap3A_99 {strides = array<i32>} : memref<4x64xi32, #tpu.memory_space<vmem>>, vector<1x16xi32>,
    %shift_right_logical3A_100 = arith.constant 16 : i32
    %shift_right_logical3A_101 = vector.broadcast %shift_right_logical3A_100 : i32 to vector<16xi32>
    %shift_right_logical3A_102 = arith.shrui %get3A_90, %shift_right_logical3A_101 : vector<16xi32>
    %swap3A_103 = arith.constant 0 : i32
    %swap3A_104 = arith.index_cast %swap3A_103 : i32 to index
    %swap3A_105 = arith.constant 48 : index
    %swap3A_106 = tpu.vector_load %arg7[%swap3A_104, %swap3A_105] {strides = array<i32>} : memref<4x64xi32, #tpu.memory_space<vmem>>, vector<1x16xi32>,
    %swap3A_107 = vector.shape_cast %swap3A_106 : vector<1x16xi32> to vector<16xi32>
    %swap3A_108 = vector.shape_cast %shift_right_logical3A_102 : vector<16xi32> to vector<1x16xi32>
    tpu.vector_store %arg7[%swap3A_104, %swap3A_105], %swap3A_108 {strides = array<i32>} : memref<4x64xi32, #tpu.memory_space<vmem>>, vector<1x16xi32>,
    %dma_start3A = arith.constant 0 : i32
    %dma_start3A_109 = arith.constant 0 : i32
    %dma_start3A_110 = arith.constant 0 : i32
    %dma_start3A_111 = tpu.memref_slice %arg8[%dma_start3A_109, %dma_start3A_110] : memref<128x128xf32, #tpu.memory_space<vmem>> -> memref<64x128xf32, #tpu.memory_space<vmem>>
    %dma_start3A_112 = arith.constant 0 : i32
    %dma_start3A_113 = tpu.memref_slice %arg6[%dma_start3A, %dma_start3A_112] : memref<4x64xi32, #tpu.memory_space<vmem>> -> memref<1x64xi32, #tpu.memory_space<vmem>>
    %dma_start3A_114 = tpu.memref_squeeze %dma_start3A_113 : memref<1x64xi32, #tpu.memory_space<vmem>> -> memref<64xi32, #tpu.memory_space<vmem>>
    %dma_start3A_115 = arith.constant 0 : i32
    %dma_start3A_116 = arith.constant 0 : i32
    %dma_start3A_117 = tpu.memref_slice %arg2[%dma_start3A_115, %dma_start3A_116] : memref<10240x128xf32, #tpu.memory_space<hbm>> -> memref<10240x128xf32, #tpu.memory_space<hbm>>
    tpu.enqueue_indirect_dma source(%dma_start3A_117 : memref<10240x128xf32, #tpu.memory_space<hbm>>) target(%dma_start3A_111 : memref<64x128xf32, #tpu.memory_space<vmem>>) offsets(%dma_start3A_114 : memref<64xi32, #tpu.memory_space<vmem>>) semaphore(%arg10 : memref<!tpu.dma_semaphore, #tpu.memory_space<semaphore_mem>>)
    %shift_right_logical3A_118 = arith.constant 1 : i32
    %shift_right_logical3A_119 = arith.constant 1 : i32
    %shift_right_logical3A_120 = arith.shrui %shift_right_logical3A_118, %shift_right_logical3A_119 : i32
    %and3A_121 = arith.constant 1 : i32
    %and3A_122 = arith.constant 1 : i32
    %and3A_123 = arith.andi %and3A_121, %and3A_122 : i32
    %mul3A_124 = arith.constant 64 : i32
    %mul3A_125 = arith.muli %and3A_123, %mul3A_124 : i32
    %add3A_126 = arith.constant 0 : i32
    %add3A_127 = arith.addi %mul3A_125, %add3A_126 : i32
    %get3A_128 = arith.index_cast %shift_right_logical3A_120 : i32 to index
    %get3A_129 = arith.index_cast %add3A_127 : i32 to index
    %get3A_130 = tpu.vector_load %arg5[%get3A_128, %get3A_129] {strides = array<i32>} : memref<80x128xi32, #tpu.memory_space<vmem>>, vector<1x16xi32>,
    %get3A_131 = vector.shape_cast %get3A_130 : vector<1x16xi32> to vector<16xi32>
    %and3A_132 = arith.constant 65535 : i32
    %and3A_133 = vector.broadcast %and3A_132 : i32 to vector<16xi32>
    %and3A_134 = arith.andi %get3A_131, %and3A_133 : vector<16xi32>
    %swap3A_135 = arith.constant 1 : i32
    %swap3A_136 = arith.index_cast %swap3A_135 : i32 to index
    %swap3A_137 = arith.constant 0 : index
    %swap3A_138 = tpu.vector_load %arg6[%swap3A_136, %swap3A_137] {strides = array<i32>} : memref<4x64xi32, #tpu.memory_space<vmem>>, vector<1x16xi32>,
    %swap3A_139 = vector.shape_cast %swap3A_138 : vector<1x16xi32> to vector<16xi32>
    %swap3A_140 = vector.shape_cast %and3A_134 : vector<16xi32> to vector<1x16xi32>
    tpu.vector_store %arg6[%swap3A_136, %swap3A_137], %swap3A_140 {strides = array<i32>} : memref<4x64xi32, #tpu.memory_space<vmem>>, vector<1x16xi32>,
    %shift_right_logical3A_141 = arith.constant 16 : i32
    %shift_right_logical3A_142 = vector.broadcast %shift_right_logical3A_141 : i32 to vector<16xi32>
    %shift_right_logical3A_143 = arith.shrui %get3A_131, %shift_right_logical3A_142 : vector<16xi32>
    %swap3A_144 = arith.constant 1 : i32
    %swap3A_145 = arith.index_cast %swap3A_144 : i32 to index
    %swap3A_146 = arith.constant 0 : index
    %swap3A_147 = tpu.vector_load %arg7[%swap3A_145, %swap3A_146] {strides = array<i32>} : memref<4x64xi32, #tpu.memory_space<vmem>>, vector<1x16xi32>,
    %swap3A_148 = vector.shape_cast %swap3A_147 : vector<1x16xi32> to vector<16xi32>
    %swap3A_149 = vector.shape_cast %shift_right_logical3A_143 : vector<16xi32> to vector<1x16xi32>
    tpu.vector_store %arg7[%swap3A_145, %swap3A_146], %swap3A_149 {strides = array<i32>} : memref<4x64xi32, #tpu.memory_space<vmem>>, vector<1x16xi32>,
    %add3A_150 = arith.constant 16 : i32
    %add3A_151 = arith.addi %mul3A_125, %add3A_150 : i32
    %get3A_152 = arith.index_cast %shift_right_logical3A_120 : i32 to index
    %get3A_153 = arith.index_cast %add3A_151 : i32 to index
    %get3A_154 = tpu.vector_load %arg5[%get3A_152, %get3A_153] {strides = array<i32>} : memref<80x128xi32, #tpu.memory_space<vmem>>, vector<1x16xi32>,
    %get3A_155 = vector.shape_cast %get3A_154 : vector<1x16xi32> to vector<16xi32>
    %and3A_156 = arith.constant 65535 : i32
    %and3A_157 = vector.broadcast %and3A_156 : i32 to vector<16xi32>
    %and3A_158 = arith.andi %get3A_155, %and3A_157 : vector<16xi32>
    %swap3A_159 = arith.constant 1 : i32
    %swap3A_160 = arith.index_cast %swap3A_159 : i32 to index
    %swap3A_161 = arith.constant 16 : index
    %swap3A_162 = tpu.vector_load %arg6[%swap3A_160, %swap3A_161] {strides = array<i32>} : memref<4x64xi32, #tpu.memory_space<vmem>>, vector<1x16xi32>,
    %swap3A_163 = vector.shape_cast %swap3A_162 : vector<1x16xi32> to vector<16xi32>
    %swap3A_164 = vector.shape_cast %and3A_158 : vector<16xi32> to vector<1x16xi32>
    tpu.vector_store %arg6[%swap3A_160, %swap3A_161], %swap3A_164 {strides = array<i32>} : memref<4x64xi32, #tpu.memory_space<vmem>>, vector<1x16xi32>,
    %shift_right_logical3A_165 = arith.constant 16 : i32
    %shift_right_logical3A_166 = vector.broadcast %shift_right_logical3A_165 : i32 to vector<16xi32>
    %shift_right_logical3A_167 = arith.shrui %get3A_155, %shift_right_logical3A_166 : vector<16xi32>
    %swap3A_168 = arith.constant 1 : i32
    %swap3A_169 = arith.index_cast %swap3A_168 : i32 to index
    %swap3A_170 = arith.constant 16 : index
    %swap3A_171 = tpu.vector_load %arg7[%swap3A_169, %swap3A_170] {strides = array<i32>} : memref<4x64xi32, #tpu.memory_space<vmem>>, vector<1x16xi32>,
    %swap3A_172 = vector.shape_cast %swap3A_171 : vector<1x16xi32> to vector<16xi32>
    %swap3A_173 = vector.shape_cast %shift_right_logical3A_167 : vector<16xi32> to vector<1x16xi32>
    tpu.vector_store %arg7[%swap3A_169, %swap3A_170], %swap3A_173 {strides = array<i32>} : memref<4x64xi32, #tpu.memory_space<vmem>>, vector<1x16xi32>,
    %add3A_174 = arith.constant 32 : i32
    %add3A_175 = arith.addi %mul3A_125, %add3A_174 : i32
    %get3A_176 = arith.index_cast %shift_right_logical3A_120 : i32 to index
    %get3A_177 = arith.index_cast %add3A_175 : i32 to index
    %get3A_178 = tpu.vector_load %arg5[%get3A_176, %get3A_177] {strides = array<i32>} : memref<80x128xi32, #tpu.memory_space<vmem>>, vector<1x16xi32>,
    %get3A_179 = vector.shape_cast %get3A_178 : vector<1x16xi32> to vector<16xi32>
    %and3A_180 = arith.constant 65535 : i32
    %and3A_181 = vector.broadcast %and3A_180 : i32 to vector<16xi32>
    %and3A_182 = arith.andi %get3A_179, %and3A_181 : vector<16xi32>
    %swap3A_183 = arith.constant 1 : i32
    %swap3A_184 = arith.index_cast %swap3A_183 : i32 to index
    %swap3A_185 = arith.constant 32 : index
    %swap3A_186 = tpu.vector_load %arg6[%swap3A_184, %swap3A_185] {strides = array<i32>} : memref<4x64xi32, #tpu.memory_space<vmem>>, vector<1x16xi32>,
    %swap3A_187 = vector.shape_cast %swap3A_186 : vector<1x16xi32> to vector<16xi32>
    %swap3A_188 = vector.shape_cast %and3A_182 : vector<16xi32> to vector<1x16xi32>
    tpu.vector_store %arg6[%swap3A_184, %swap3A_185], %swap3A_188 {strides = array<i32>} : memref<4x64xi32, #tpu.memory_space<vmem>>, vector<1x16xi32>,
    %shift_right_logical3A_189 = arith.constant 16 : i32
    %shift_right_logical3A_190 = vector.broadcast %shift_right_logical3A_189 : i32 to vector<16xi32>
    %shift_right_logical3A_191 = arith.shrui %get3A_179, %shift_right_logical3A_190 : vector<16xi32>
    %swap3A_192 = arith.constant 1 : i32
    %swap3A_193 = arith.index_cast %swap3A_192 : i32 to index
    %swap3A_194 = arith.constant 32 : index
    %swap3A_195 = tpu.vector_load %arg7[%swap3A_193, %swap3A_194] {strides = array<i32>} : memref<4x64xi32, #tpu.memory_space<vmem>>, vector<1x16xi32>,
    %swap3A_196 = vector.shape_cast %swap3A_195 : vector<1x16xi32> to vector<16xi32>
    %swap3A_197 = vector.shape_cast %shift_right_logical3A_191 : vector<16xi32> to vector<1x16xi32>
    tpu.vector_store %arg7[%swap3A_193, %swap3A_194], %swap3A_197 {strides = array<i32>} : memref<4x64xi32, #tpu.memory_space<vmem>>, vector<1x16xi32>,
    %add3A_198 = arith.constant 48 : i32
    %add3A_199 = arith.addi %mul3A_125, %add3A_198 : i32
    %get3A_200 = arith.index_cast %shift_right_logical3A_120 : i32 to index
    %get3A_201 = arith.index_cast %add3A_199 : i32 to index
    %get3A_202 = tpu.vector_load %arg5[%get3A_200, %get3A_201] {strides = array<i32>} : memref<80x128xi32, #tpu.memory_space<vmem>>, vector<1x16xi32>,
    %get3A_203 = vector.shape_cast %get3A_202 : vector<1x16xi32> to vector<16xi32>
    %and3A_204 = arith.constant 65535 : i32
    %and3A_205 = vector.broadcast %and3A_204 : i32 to vector<16xi32>
    %and3A_206 = arith.andi %get3A_203, %and3A_205 : vector<16xi32>
    %swap3A_207 = arith.constant 1 : i32
    %swap3A_208 = arith.index_cast %swap3A_207 : i32 to index
    %swap3A_209 = arith.constant 48 : index
    %swap3A_210 = tpu.vector_load %arg6[%swap3A_208, %swap3A_209] {strides = array<i32>} : memref<4x64xi32, #tpu.memory_space<vmem>>, vector<1x16xi32>,
    %swap3A_211 = vector.shape_cast %swap3A_210 : vector<1x16xi32> to vector<16xi32>
    %swap3A_212 = vector.shape_cast %and3A_206 : vector<16xi32> to vector<1x16xi32>
    tpu.vector_store %arg6[%swap3A_208, %swap3A_209], %swap3A_212 {strides = array<i32>} : memref<4x64xi32, #tpu.memory_space<vmem>>, vector<1x16xi32>,
    %shift_right_logical3A_213 = arith.constant 16 : i32
    %shift_right_logical3A_214 = vector.broadcast %shift_right_logical3A_213 : i32 to vector<16xi32>
    %shift_right_logical3A_215 = arith.shrui %get3A_203, %shift_right_logical3A_214 : vector<16xi32>
    %swap3A_216 = arith.constant 1 : i32
    %swap3A_217 = arith.index_cast %swap3A_216 : i32 to index
    %swap3A_218 = arith.constant 48 : index
    %swap3A_219 = tpu.vector_load %arg7[%swap3A_217, %swap3A_218] {strides = array<i32>} : memref<4x64xi32, #tpu.memory_space<vmem>>, vector<1x16xi32>,
    %swap3A_220 = vector.shape_cast %swap3A_219 : vector<1x16xi32> to vector<16xi32>
    %swap3A_221 = vector.shape_cast %shift_right_logical3A_215 : vector<16xi32> to vector<1x16xi32>
    tpu.vector_store %arg7[%swap3A_217, %swap3A_218], %swap3A_221 {strides = array<i32>} : memref<4x64xi32, #tpu.memory_space<vmem>>, vector<1x16xi32>,
    %dma_start3A_222 = arith.constant 1 : i32
    %dma_start3A_223 = arith.constant 64 : i32
    %dma_start3A_224 = arith.constant 0 : i32
    %dma_start3A_225 = tpu.memref_slice %arg8[%dma_start3A_223, %dma_start3A_224] : memref<128x128xf32, #tpu.memory_space<vmem>> -> memref<64x128xf32, #tpu.memory_space<vmem>>
    %dma_start3A_226 = arith.constant 0 : i32
    %dma_start3A_227 = tpu.memref_slice %arg6[%dma_start3A_222, %dma_start3A_226] : memref<4x64xi32, #tpu.memory_space<vmem>> -> memref<1x64xi32, #tpu.memory_space<vmem>>
    %dma_start3A_228 = tpu.memref_squeeze %dma_start3A_227 : memref<1x64xi32, #tpu.memory_space<vmem>> -> memref<64xi32, #tpu.memory_space<vmem>>
    %dma_start3A_229 = arith.constant 0 : i32
    %dma_start3A_230 = arith.constant 0 : i32
    %dma_start3A_231 = tpu.memref_slice %arg2[%dma_start3A_229, %dma_start3A_230] : memref<10240x128xf32, #tpu.memory_space<hbm>> -> memref<10240x128xf32, #tpu.memory_space<hbm>>
    tpu.enqueue_indirect_dma source(%dma_start3A_231 : memref<10240x128xf32, #tpu.memory_space<hbm>>) target(%dma_start3A_225 : memref<64x128xf32, #tpu.memory_space<vmem>>) offsets(%dma_start3A_228 : memref<64xi32, #tpu.memory_space<vmem>>) semaphore(%arg11 : memref<!tpu.dma_semaphore, #tpu.memory_space<semaphore_mem>>)
    %shift_right_logical3A_232 = arith.constant 2 : i32
    %shift_right_logical3A_233 = arith.constant 1 : i32
    %shift_right_logical3A_234 = arith.shrui %shift_right_logical3A_232, %shift_right_logical3A_233 : i32
    %and3A_235 = arith.constant 2 : i32
    %and3A_236 = arith.constant 1 : i32
    %and3A_237 = arith.andi %and3A_235, %and3A_236 : i32
    %mul3A_238 = arith.constant 64 : i32
    %mul3A_239 = arith.muli %and3A_237, %mul3A_238 : i32
    %add3A_240 = arith.constant 0 : i32
    %add3A_241 = arith.addi %mul3A_239, %add3A_240 : i32
    %get3A_242 = arith.index_cast %shift_right_logical3A_234 : i32 to index
    %get3A_243 = arith.index_cast %add3A_241 : i32 to index
    %get3A_244 = tpu.vector_load %arg5[%get3A_242, %get3A_243] {strides = array<i32>} : memref<80x128xi32, #tpu.memory_space<vmem>>, vector<1x16xi32>,
    %get3A_245 = vector.shape_cast %get3A_244 : vector<1x16xi32> to vector<16xi32>
    %and3A_246 = arith.constant 65535 : i32
    %and3A_247 = vector.broadcast %and3A_246 : i32 to vector<16xi32>
    %and3A_248 = arith.andi %get3A_245, %and3A_247 : vector<16xi32>
    %swap3A_249 = arith.constant 2 : i32
    %swap3A_250 = arith.index_cast %swap3A_249 : i32 to index
    %swap3A_251 = arith.constant 0 : index
    %swap3A_252 = tpu.vector_load %arg6[%swap3A_250, %swap3A_251] {strides = array<i32>} : memref<4x64xi32, #tpu.memory_space<vmem>>, vector<1x16xi32>,
    %swap3A_253 = vector.shape_cast %swap3A_252 : vector<1x16xi32> to vector<16xi32>
    %swap3A_254 = vector.shape_cast %and3A_248 : vector<16xi32> to vector<1x16xi32>
    tpu.vector_store %arg6[%swap3A_250, %swap3A_251], %swap3A_254 {strides = array<i32>} : memref<4x64xi32, #tpu.memory_space<vmem>>, vector<1x16xi32>,
    %shift_right_logical3A_255 = arith.constant 16 : i32
    %shift_right_logical3A_256 = vector.broadcast %shift_right_logical3A_255 : i32 to vector<16xi32>
    %shift_right_logical3A_257 = arith.shrui %get3A_245, %shift_right_logical3A_256 : vector<16xi32>
    %swap3A_258 = arith.constant 2 : i32
    %swap3A_259 = arith.index_cast %swap3A_258 : i32 to index
    %swap3A_260 = arith.constant 0 : index
    %swap3A_261 = tpu.vector_load %arg7[%swap3A_259, %swap3A_260] {strides = array<i32>} : memref<4x64xi32, #tpu.memory_space<vmem>>, vector<1x16xi32>,
    %swap3A_262 = vector.shape_cast %swap3A_261 : vector<1x16xi32> to vector<16xi32>
    %swap3A_263 = vector.shape_cast %shift_right_logical3A_257 : vector<16xi32> to vector<1x16xi32>
    tpu.vector_store %arg7[%swap3A_259, %swap3A_260], %swap3A_263 {strides = array<i32>} : memref<4x64xi32, #tpu.memory_space<vmem>>, vector<1x16xi32>,
    %add3A_264 = arith.constant 16 : i32
    %add3A_265 = arith.addi %mul3A_239, %add3A_264 : i32
    %get3A_266 = arith.index_cast %shift_right_logical3A_234 : i32 to index
    %get3A_267 = arith.index_cast %add3A_265 : i32 to index
    %get3A_268 = tpu.vector_load %arg5[%get3A_266, %get3A_267] {strides = array<i32>} : memref<80x128xi32, #tpu.memory_space<vmem>>, vector<1x16xi32>,
    %get3A_269 = vector.shape_cast %get3A_268 : vector<1x16xi32> to vector<16xi32>
    %and3A_270 = arith.constant 65535 : i32
    %and3A_271 = vector.broadcast %and3A_270 : i32 to vector<16xi32>
    %and3A_272 = arith.andi %get3A_269, %and3A_271 : vector<16xi32>
    %swap3A_273 = arith.constant 2 : i32
    %swap3A_274 = arith.index_cast %swap3A_273 : i32 to index
    %swap3A_275 = arith.constant 16 : index
    %swap3A_276 = tpu.vector_load %arg6[%swap3A_274, %swap3A_275] {strides = array<i32>} : memref<4x64xi32, #tpu.memory_space<vmem>>, vector<1x16xi32>,
    %swap3A_277 = vector.shape_cast %swap3A_276 : vector<1x16xi32> to vector<16xi32>
    %swap3A_278 = vector.shape_cast %and3A_272 : vector<16xi32> to vector<1x16xi32>
    tpu.vector_store %arg6[%swap3A_274, %swap3A_275], %swap3A_278 {strides = array<i32>} : memref<4x64xi32, #tpu.memory_space<vmem>>, vector<1x16xi32>,
    %shift_right_logical3A_279 = arith.constant 16 : i32
    %shift_right_logical3A_280 = vector.broadcast %shift_right_logical3A_279 : i32 to vector<16xi32>
    %shift_right_logical3A_281 = arith.shrui %get3A_269, %shift_right_logical3A_280 : vector<16xi32>
    %swap3A_282 = arith.constant 2 : i32
    %swap3A_283 = arith.index_cast %swap3A_282 : i32 to index
    %swap3A_284 = arith.constant 16 : index
    %swap3A_285 = tpu.vector_load %arg7[%swap3A_283, %swap3A_284] {strides = array<i32>} : memref<4x64xi32, #tpu.memory_space<vmem>>, vector<1x16xi32>,
    %swap3A_286 = vector.shape_cast %swap3A_285 : vector<1x16xi32> to vector<16xi32>
    %swap3A_287 = vector.shape_cast %shift_right_logical3A_281 : vector<16xi32> to vector<1x16xi32>
    tpu.vector_store %arg7[%swap3A_283, %swap3A_284], %swap3A_287 {strides = array<i32>} : memref<4x64xi32, #tpu.memory_space<vmem>>, vector<1x16xi32>,
    %add3A_288 = arith.constant 32 : i32
    %add3A_289 = arith.addi %mul3A_239, %add3A_288 : i32
    %get3A_290 = arith.index_cast %shift_right_logical3A_234 : i32 to index
    %get3A_291 = arith.index_cast %add3A_289 : i32 to index
    %get3A_292 = tpu.vector_load %arg5[%get3A_290, %get3A_291] {strides = array<i32>} : memref<80x128xi32, #tpu.memory_space<vmem>>, vector<1x16xi32>,
    %get3A_293 = vector.shape_cast %get3A_292 : vector<1x16xi32> to vector<16xi32>
    %and3A_294 = arith.constant 65535 : i32
    %and3A_295 = vector.broadcast %and3A_294 : i32 to vector<16xi32>
    %and3A_296 = arith.andi %get3A_293, %and3A_295 : vector<16xi32>
    %swap3A_297 = arith.constant 2 : i32
    %swap3A_298 = arith.index_cast %swap3A_297 : i32 to index
    %swap3A_299 = arith.constant 32 : index
    %swap3A_300 = tpu.vector_load %arg6[%swap3A_298, %swap3A_299] {strides = array<i32>} : memref<4x64xi32, #tpu.memory_space<vmem>>, vector<1x16xi32>,
    %swap3A_301 = vector.shape_cast %swap3A_300 : vector<1x16xi32> to vector<16xi32>
    %swap3A_302 = vector.shape_cast %and3A_296 : vector<16xi32> to vector<1x16xi32>
    tpu.vector_store %arg6[%swap3A_298, %swap3A_299], %swap3A_302 {strides = array<i32>} : memref<4x64xi32, #tpu.memory_space<vmem>>, vector<1x16xi32>,
    %shift_right_logical3A_303 = arith.constant 16 : i32
    %shift_right_logical3A_304 = vector.broadcast %shift_right_logical3A_303 : i32 to vector<16xi32>
    %shift_right_logical3A_305 = arith.shrui %get3A_293, %shift_right_logical3A_304 : vector<16xi32>
    %swap3A_306 = arith.constant 2 : i32
    %swap3A_307 = arith.index_cast %swap3A_306 : i32 to index
    %swap3A_308 = arith.constant 32 : index
    %swap3A_309 = tpu.vector_load %arg7[%swap3A_307, %swap3A_308] {strides = array<i32>} : memref<4x64xi32, #tpu.memory_space<vmem>>, vector<1x16xi32>,
    %swap3A_310 = vector.shape_cast %swap3A_309 : vector<1x16xi32> to vector<16xi32>
    %swap3A_311 = vector.shape_cast %shift_right_logical3A_305 : vector<16xi32> to vector<1x16xi32>
    tpu.vector_store %arg7[%swap3A_307, %swap3A_308], %swap3A_311 {strides = array<i32>} : memref<4x64xi32, #tpu.memory_space<vmem>>, vector<1x16xi32>,
    %add3A_312 = arith.constant 48 : i32
    %add3A_313 = arith.addi %mul3A_239, %add3A_312 : i32
    %get3A_314 = arith.index_cast %shift_right_logical3A_234 : i32 to index
    %get3A_315 = arith.index_cast %add3A_313 : i32 to index
    %get3A_316 = tpu.vector_load %arg5[%get3A_314, %get3A_315] {strides = array<i32>} : memref<80x128xi32, #tpu.memory_space<vmem>>, vector<1x16xi32>,
    %get3A_317 = vector.shape_cast %get3A_316 : vector<1x16xi32> to vector<16xi32>
    %and3A_318 = arith.constant 65535 : i32
    %and3A_319 = vector.broadcast %and3A_318 : i32 to vector<16xi32>
    %and3A_320 = arith.andi %get3A_317, %and3A_319 : vector<16xi32>
    %swap3A_321 = arith.constant 2 : i32
    %swap3A_322 = arith.index_cast %swap3A_321 : i32 to index
    %swap3A_323 = arith.constant 48 : index
    %swap3A_324 = tpu.vector_load %arg6[%swap3A_322, %swap3A_323] {strides = array<i32>} : memref<4x64xi32, #tpu.memory_space<vmem>>, vector<1x16xi32>,
    %swap3A_325 = vector.shape_cast %swap3A_324 : vector<1x16xi32> to vector<16xi32>
    %swap3A_326 = vector.shape_cast %and3A_320 : vector<16xi32> to vector<1x16xi32>
    tpu.vector_store %arg6[%swap3A_322, %swap3A_323], %swap3A_326 {strides = array<i32>} : memref<4x64xi32, #tpu.memory_space<vmem>>, vector<1x16xi32>,
    %shift_right_logical3A_327 = arith.constant 16 : i32
    %shift_right_logical3A_328 = vector.broadcast %shift_right_logical3A_327 : i32 to vector<16xi32>
    %shift_right_logical3A_329 = arith.shrui %get3A_317, %shift_right_logical3A_328 : vector<16xi32>
    %swap3A_330 = arith.constant 2 : i32
    %swap3A_331 = arith.index_cast %swap3A_330 : i32 to index
    %swap3A_332 = arith.constant 48 : index
    %swap3A_333 = tpu.vector_load %arg7[%swap3A_331, %swap3A_332] {strides = array<i32>} : memref<4x64xi32, #tpu.memory_space<vmem>>, vector<1x16xi32>,
    %swap3A_334 = vector.shape_cast %swap3A_333 : vector<1x16xi32> to vector<16xi32>
    %swap3A_335 = vector.shape_cast %shift_right_logical3A_329 : vector<16xi32> to vector<1x16xi32>
    tpu.vector_store %arg7[%swap3A_331, %swap3A_332], %swap3A_335 {strides = array<i32>} : memref<4x64xi32, #tpu.memory_space<vmem>>, vector<1x16xi32>,
    %dma_start3A_336 = arith.constant 2 : i32
    %dma_start3A_337 = arith.constant 0 : i32
    %dma_start3A_338 = arith.constant 0 : i32
    %dma_start3A_339 = tpu.memref_slice %arg9[%dma_start3A_337, %dma_start3A_338] : memref<128x128xf32, #tpu.memory_space<vmem>> -> memref<64x128xf32, #tpu.memory_space<vmem>>
    %dma_start3A_340 = arith.constant 0 : i32
    %dma_start3A_341 = tpu.memref_slice %arg6[%dma_start3A_336, %dma_start3A_340] : memref<4x64xi32, #tpu.memory_space<vmem>> -> memref<1x64xi32, #tpu.memory_space<vmem>>
    %dma_start3A_342 = tpu.memref_squeeze %dma_start3A_341 : memref<1x64xi32, #tpu.memory_space<vmem>> -> memref<64xi32, #tpu.memory_space<vmem>>
    %dma_start3A_343 = arith.constant 0 : i32
    %dma_start3A_344 = arith.constant 0 : i32
    %dma_start3A_345 = tpu.memref_slice %arg2[%dma_start3A_343, %dma_start3A_344] : memref<10240x128xf32, #tpu.memory_space<hbm>> -> memref<10240x128xf32, #tpu.memory_space<hbm>>
    tpu.enqueue_indirect_dma source(%dma_start3A_345 : memref<10240x128xf32, #tpu.memory_space<hbm>>) target(%dma_start3A_339 : memref<64x128xf32, #tpu.memory_space<vmem>>) offsets(%dma_start3A_342 : memref<64xi32, #tpu.memory_space<vmem>>) semaphore(%arg12 : memref<!tpu.dma_semaphore, #tpu.memory_space<semaphore_mem>>)
    %shift_right_logical3A_346 = arith.constant 3 : i32
    %shift_right_logical3A_347 = arith.constant 1 : i32
    %shift_right_logical3A_348 = arith.shrui %shift_right_logical3A_346, %shift_right_logical3A_347 : i32
    %and3A_349 = arith.constant 3 : i32
    %and3A_350 = arith.constant 1 : i32
    %and3A_351 = arith.andi %and3A_349, %and3A_350 : i32
    %mul3A_352 = arith.constant 64 : i32
    %mul3A_353 = arith.muli %and3A_351, %mul3A_352 : i32
    %add3A_354 = arith.constant 0 : i32
    %add3A_355 = arith.addi %mul3A_353, %add3A_354 : i32
    %get3A_356 = arith.index_cast %shift_right_logical3A_348 : i32 to index
    %get3A_357 = arith.index_cast %add3A_355 : i32 to index
    %get3A_358 = tpu.vector_load %arg5[%get3A_356, %get3A_357] {strides = array<i32>} : memref<80x128xi32, #tpu.memory_space<vmem>>, vector<1x16xi32>,
    %get3A_359 = vector.shape_cast %get3A_358 : vector<1x16xi32> to vector<16xi32>
    %and3A_360 = arith.constant 65535 : i32
    %and3A_361 = vector.broadcast %and3A_360 : i32 to vector<16xi32>
    %and3A_362 = arith.andi %get3A_359, %and3A_361 : vector<16xi32>
    %swap3A_363 = arith.constant 3 : i32
    %swap3A_364 = arith.index_cast %swap3A_363 : i32 to index
    %swap3A_365 = arith.constant 0 : index
    %swap3A_366 = tpu.vector_load %arg6[%swap3A_364, %swap3A_365] {strides = array<i32>} : memref<4x64xi32, #tpu.memory_space<vmem>>, vector<1x16xi32>,
    %swap3A_367 = vector.shape_cast %swap3A_366 : vector<1x16xi32> to vector<16xi32>
    %swap3A_368 = vector.shape_cast %and3A_362 : vector<16xi32> to vector<1x16xi32>
    tpu.vector_store %arg6[%swap3A_364, %swap3A_365], %swap3A_368 {strides = array<i32>} : memref<4x64xi32, #tpu.memory_space<vmem>>, vector<1x16xi32>,
    %shift_right_logical3A_369 = arith.constant 16 : i32
    %shift_right_logical3A_370 = vector.broadcast %shift_right_logical3A_369 : i32 to vector<16xi32>
    %shift_right_logical3A_371 = arith.shrui %get3A_359, %shift_right_logical3A_370 : vector<16xi32>
    %swap3A_372 = arith.constant 3 : i32
    %swap3A_373 = arith.index_cast %swap3A_372 : i32 to index
    %swap3A_374 = arith.constant 0 : index
    %swap3A_375 = tpu.vector_load %arg7[%swap3A_373, %swap3A_374] {strides = array<i32>} : memref<4x64xi32, #tpu.memory_space<vmem>>, vector<1x16xi32>,
    %swap3A_376 = vector.shape_cast %swap3A_375 : vector<1x16xi32> to vector<16xi32>
    %swap3A_377 = vector.shape_cast %shift_right_logical3A_371 : vector<16xi32> to vector<1x16xi32>
    tpu.vector_store %arg7[%swap3A_373, %swap3A_374], %swap3A_377 {strides = array<i32>} : memref<4x64xi32, #tpu.memory_space<vmem>>, vector<1x16xi32>,
    %add3A_378 = arith.constant 16 : i32
    %add3A_379 = arith.addi %mul3A_353, %add3A_378 : i32
    %get3A_380 = arith.index_cast %shift_right_logical3A_348 : i32 to index
    %get3A_381 = arith.index_cast %add3A_379 : i32 to index
    %get3A_382 = tpu.vector_load %arg5[%get3A_380, %get3A_381] {strides = array<i32>} : memref<80x128xi32, #tpu.memory_space<vmem>>, vector<1x16xi32>,
    %get3A_383 = vector.shape_cast %get3A_382 : vector<1x16xi32> to vector<16xi32>
    %and3A_384 = arith.constant 65535 : i32
    %and3A_385 = vector.broadcast %and3A_384 : i32 to vector<16xi32>
    %and3A_386 = arith.andi %get3A_383, %and3A_385 : vector<16xi32>
    %swap3A_387 = arith.constant 3 : i32
    %swap3A_388 = arith.index_cast %swap3A_387 : i32 to index
    %swap3A_389 = arith.constant 16 : index
    %swap3A_390 = tpu.vector_load %arg6[%swap3A_388, %swap3A_389] {strides = array<i32>} : memref<4x64xi32, #tpu.memory_space<vmem>>, vector<1x16xi32>,
    %swap3A_391 = vector.shape_cast %swap3A_390 : vector<1x16xi32> to vector<16xi32>
    %swap3A_392 = vector.shape_cast %and3A_386 : vector<16xi32> to vector<1x16xi32>
    tpu.vector_store %arg6[%swap3A_388, %swap3A_389], %swap3A_392 {strides = array<i32>} : memref<4x64xi32, #tpu.memory_space<vmem>>, vector<1x16xi32>,
    %shift_right_logical3A_393 = arith.constant 16 : i32
    %shift_right_logical3A_394 = vector.broadcast %shift_right_logical3A_393 : i32 to vector<16xi32>
    %shift_right_logical3A_395 = arith.shrui %get3A_383, %shift_right_logical3A_394 : vector<16xi32>
    %swap3A_396 = arith.constant 3 : i32
    %swap3A_397 = arith.index_cast %swap3A_396 : i32 to index
    %swap3A_398 = arith.constant 16 : index
    %swap3A_399 = tpu.vector_load %arg7[%swap3A_397, %swap3A_398] {strides = array<i32>} : memref<4x64xi32, #tpu.memory_space<vmem>>, vector<1x16xi32>,
    %swap3A_400 = vector.shape_cast %swap3A_399 : vector<1x16xi32> to vector<16xi32>
    %swap3A_401 = vector.shape_cast %shift_right_logical3A_395 : vector<16xi32> to vector<1x16xi32>
    tpu.vector_store %arg7[%swap3A_397, %swap3A_398], %swap3A_401 {strides = array<i32>} : memref<4x64xi32, #tpu.memory_space<vmem>>, vector<1x16xi32>,
    %add3A_402 = arith.constant 32 : i32
    %add3A_403 = arith.addi %mul3A_353, %add3A_402 : i32
    %get3A_404 = arith.index_cast %shift_right_logical3A_348 : i32 to index
    %get3A_405 = arith.index_cast %add3A_403 : i32 to index
    %get3A_406 = tpu.vector_load %arg5[%get3A_404, %get3A_405] {strides = array<i32>} : memref<80x128xi32, #tpu.memory_space<vmem>>, vector<1x16xi32>,
    %get3A_407 = vector.shape_cast %get3A_406 : vector<1x16xi32> to vector<16xi32>
    %and3A_408 = arith.constant 65535 : i32
    %and3A_409 = vector.broadcast %and3A_408 : i32 to vector<16xi32>
    %and3A_410 = arith.andi %get3A_407, %and3A_409 : vector<16xi32>
    %swap3A_411 = arith.constant 3 : i32
    %swap3A_412 = arith.index_cast %swap3A_411 : i32 to index
    %swap3A_413 = arith.constant 32 : index
    %swap3A_414 = tpu.vector_load %arg6[%swap3A_412, %swap3A_413] {strides = array<i32>} : memref<4x64xi32, #tpu.memory_space<vmem>>, vector<1x16xi32>,
    %swap3A_415 = vector.shape_cast %swap3A_414 : vector<1x16xi32> to vector<16xi32>
    %swap3A_416 = vector.shape_cast %and3A_410 : vector<16xi32> to vector<1x16xi32>
    tpu.vector_store %arg6[%swap3A_412, %swap3A_413], %swap3A_416 {strides = array<i32>} : memref<4x64xi32, #tpu.memory_space<vmem>>, vector<1x16xi32>,
    %shift_right_logical3A_417 = arith.constant 16 : i32
    %shift_right_logical3A_418 = vector.broadcast %shift_right_logical3A_417 : i32 to vector<16xi32>
    %shift_right_logical3A_419 = arith.shrui %get3A_407, %shift_right_logical3A_418 : vector<16xi32>
    %swap3A_420 = arith.constant 3 : i32
    %swap3A_421 = arith.index_cast %swap3A_420 : i32 to index
    %swap3A_422 = arith.constant 32 : index
    %swap3A_423 = tpu.vector_load %arg7[%swap3A_421, %swap3A_422] {strides = array<i32>} : memref<4x64xi32, #tpu.memory_space<vmem>>, vector<1x16xi32>,
    %swap3A_424 = vector.shape_cast %swap3A_423 : vector<1x16xi32> to vector<16xi32>
    %swap3A_425 = vector.shape_cast %shift_right_logical3A_419 : vector<16xi32> to vector<1x16xi32>
    tpu.vector_store %arg7[%swap3A_421, %swap3A_422], %swap3A_425 {strides = array<i32>} : memref<4x64xi32, #tpu.memory_space<vmem>>, vector<1x16xi32>,
    %add3A_426 = arith.constant 48 : i32
    %add3A_427 = arith.addi %mul3A_353, %add3A_426 : i32
    %get3A_428 = arith.index_cast %shift_right_logical3A_348 : i32 to index
    %get3A_429 = arith.index_cast %add3A_427 : i32 to index
    %get3A_430 = tpu.vector_load %arg5[%get3A_428, %get3A_429] {strides = array<i32>} : memref<80x128xi32, #tpu.memory_space<vmem>>, vector<1x16xi32>,
    %get3A_431 = vector.shape_cast %get3A_430 : vector<1x16xi32> to vector<16xi32>
    %and3A_432 = arith.constant 65535 : i32
    %and3A_433 = vector.broadcast %and3A_432 : i32 to vector<16xi32>
    %and3A_434 = arith.andi %get3A_431, %and3A_433 : vector<16xi32>
    %swap3A_435 = arith.constant 3 : i32
    %swap3A_436 = arith.index_cast %swap3A_435 : i32 to index
    %swap3A_437 = arith.constant 48 : index
    %swap3A_438 = tpu.vector_load %arg6[%swap3A_436, %swap3A_437] {strides = array<i32>} : memref<4x64xi32, #tpu.memory_space<vmem>>, vector<1x16xi32>,
    %swap3A_439 = vector.shape_cast %swap3A_438 : vector<1x16xi32> to vector<16xi32>
    %swap3A_440 = vector.shape_cast %and3A_434 : vector<16xi32> to vector<1x16xi32>
    tpu.vector_store %arg6[%swap3A_436, %swap3A_437], %swap3A_440 {strides = array<i32>} : memref<4x64xi32, #tpu.memory_space<vmem>>, vector<1x16xi32>,
    %shift_right_logical3A_441 = arith.constant 16 : i32
    %shift_right_logical3A_442 = vector.broadcast %shift_right_logical3A_441 : i32 to vector<16xi32>
    %shift_right_logical3A_443 = arith.shrui %get3A_431, %shift_right_logical3A_442 : vector<16xi32>
    %swap3A_444 = arith.constant 3 : i32
    %swap3A_445 = arith.index_cast %swap3A_444 : i32 to index
    %swap3A_446 = arith.constant 48 : index
    %swap3A_447 = tpu.vector_load %arg7[%swap3A_445, %swap3A_446] {strides = array<i32>} : memref<4x64xi32, #tpu.memory_space<vmem>>, vector<1x16xi32>,
    %swap3A_448 = vector.shape_cast %swap3A_447 : vector<1x16xi32> to vector<16xi32>
    %swap3A_449 = vector.shape_cast %shift_right_logical3A_443 : vector<16xi32> to vector<1x16xi32>
    tpu.vector_store %arg7[%swap3A_445, %swap3A_446], %swap3A_449 {strides = array<i32>} : memref<4x64xi32, #tpu.memory_space<vmem>>, vector<1x16xi32>,
    %dma_start3A_450 = arith.constant 3 : i32
    %dma_start3A_451 = arith.constant 64 : i32
    %dma_start3A_452 = arith.constant 0 : i32
    %dma_start3A_453 = tpu.memref_slice %arg9[%dma_start3A_451, %dma_start3A_452] : memref<128x128xf32, #tpu.memory_space<vmem>> -> memref<64x128xf32, #tpu.memory_space<vmem>>
    %dma_start3A_454 = arith.constant 0 : i32
    %dma_start3A_455 = tpu.memref_slice %arg6[%dma_start3A_450, %dma_start3A_454] : memref<4x64xi32, #tpu.memory_space<vmem>> -> memref<1x64xi32, #tpu.memory_space<vmem>>
    %dma_start3A_456 = tpu.memref_squeeze %dma_start3A_455 : memref<1x64xi32, #tpu.memory_space<vmem>> -> memref<64xi32, #tpu.memory_space<vmem>>
    %dma_start3A_457 = arith.constant 0 : i32
    %dma_start3A_458 = arith.constant 0 : i32
    %dma_start3A_459 = tpu.memref_slice %arg2[%dma_start3A_457, %dma_start3A_458] : memref<10240x128xf32, #tpu.memory_space<hbm>> -> memref<10240x128xf32, #tpu.memory_space<hbm>>
    tpu.enqueue_indirect_dma source(%dma_start3A_459 : memref<10240x128xf32, #tpu.memory_space<hbm>>) target(%dma_start3A_453 : memref<64x128xf32, #tpu.memory_space<vmem>>) offsets(%dma_start3A_456 : memref<64xi32, #tpu.memory_space<vmem>>) semaphore(%arg13 : memref<!tpu.dma_semaphore, #tpu.memory_space<semaphore_mem>>)
    %scan3A_460 = arith.constant 0 : i32
    %scan3A_461 = arith.constant 40 : i32
    %scan3A_462 = arith.addi %scan3A_460, %scan3A_461 : i32
    %scan3A_463 = arith.constant 1 : i32
    scf.for %scan3A_471 = %scan3A_460 to %scan3A_462 step %scan3A_463  : i32 {
      %mul3A_472 = arith.constant 4 : i32
      %mul3A_473 = arith.muli %scan3A_471, %mul3A_472 : i32
      %add3A_474 = arith.constant 0 : i32
      %add3A_475 = arith.addi %add3A_474, %mul3A_473 : i32
      %add3A_476 = arith.constant 0 : i32
      %add3A_477 = arith.addi %add3A_475, %add3A_476 : i32
      %dma_wait3A = arith.constant 0 : i32
      %dma_wait3A_478 = arith.constant 0 : i32
      %dma_wait3A_479 = tpu.memref_slice %arg8[%dma_wait3A, %dma_wait3A_478] : memref<128x128xf32, #tpu.memory_space<vmem>> -> memref<64x128xf32, #tpu.memory_space<vmem>>
      %dma_wait3A_480 = arith.constant 0 : i32
      %dma_wait3A_481 = arith.constant 0 : i32
      %dma_wait3A_482 = tpu.memref_slice %arg2[%dma_wait3A_480, %dma_wait3A_481] : memref<10240x128xf32, #tpu.memory_space<hbm>> -> memref<64x128xf32, #tpu.memory_space<hbm>>
      %dma_wait3A_483 = arith.constant 0 : i32
      %dma_wait3A_484 = arith.constant 0 : i32
      %dma_wait3A_485 = tpu.memref_slice %arg8[%dma_wait3A_483, %dma_wait3A_484] : memref<128x128xf32, #tpu.memory_space<vmem>> -> memref<64x128xf32, #tpu.memory_space<vmem>>
      %dma_wait3A_486 = arith.constant 0 : i32
      %dma_wait3A_487 = arith.constant 0 : i32
      %dma_wait3A_488 = tpu.memref_slice %arg2[%dma_wait3A_486, %dma_wait3A_487] : memref<10240x128xf32, #tpu.memory_space<hbm>> -> memref<64x128xf32, #tpu.memory_space<hbm>>
      tpu.wait_dma2 semaphore(%arg10 : memref<!tpu.dma_semaphore, #tpu.memory_space<semaphore_mem>>) src(%dma_wait3A_488 : memref<64x128xf32, #tpu.memory_space<hbm>>) dst(%dma_wait3A_485 : memref<64x128xf32, #tpu.memory_space<vmem>>)
      %run_scoped3A = arith.constant 0 : i32
      "tpu.region"() ({
        %run_scoped3A_559 = tpu.sem_alloc : memref<!tpu.dma_semaphore, #tpu.memory_space<semaphore_mem>>
        %dma_start3A_560 = arith.constant 0 : i32
        %dma_start3A_561 = arith.constant 0 : i32
        %dma_start3A_562 = tpu.memref_slice %arg8[%dma_start3A_560, %dma_start3A_561] : memref<128x128xf32, #tpu.memory_space<vmem>> -> memref<64x128xf32, #tpu.memory_space<vmem>>
        %dma_start3A_563 = arith.constant 0 : i32
        %dma_start3A_564 = tpu.memref_slice %arg7[%run_scoped3A, %dma_start3A_563] : memref<4x64xi32, #tpu.memory_space<vmem>> -> memref<1x64xi32, #tpu.memory_space<vmem>>
        %dma_start3A_565 = tpu.memref_squeeze %dma_start3A_564 : memref<1x64xi32, #tpu.memory_space<vmem>> -> memref<64xi32, #tpu.memory_space<vmem>>
        %dma_start3A_566 = arith.constant 0 : i32
        %dma_start3A_567 = arith.constant 0 : i32
        %dma_start3A_568 = tpu.memref_slice %arg14[%dma_start3A_566, %dma_start3A_567] : memref<10016x128xf32, #tpu.memory_space<vmem_shared>> -> memref<10016x128xf32, #tpu.memory_space<vmem_shared>>
        tpu.enqueue_indirect_dma source(%dma_start3A_562 : memref<64x128xf32, #tpu.memory_space<vmem>>) target(%dma_start3A_568 : memref<10016x128xf32, #tpu.memory_space<vmem_shared>>) offsets(%dma_start3A_565 : memref<64xi32, #tpu.memory_space<vmem>>) semaphore(%run_scoped3A_559 : memref<!tpu.dma_semaphore, #tpu.memory_space<semaphore_mem>>) {add = true}
        %dma_wait3A_569 = arith.constant 0 : i32
        %dma_wait3A_570 = arith.constant 0 : i32
        %dma_wait3A_571 = tpu.memref_slice %arg8[%dma_wait3A_569, %dma_wait3A_570] : memref<128x128xf32, #tpu.memory_space<vmem>> -> memref<64x128xf32, #tpu.memory_space<vmem>>
        %dma_wait3A_572 = arith.constant 0 : i32
        %dma_wait3A_573 = tpu.memref_slice %arg7[%run_scoped3A, %dma_wait3A_572] : memref<4x64xi32, #tpu.memory_space<vmem>> -> memref<1x64xi32, #tpu.memory_space<vmem>>
        %dma_wait3A_574 = tpu.memref_squeeze %dma_wait3A_573 : memref<1x64xi32, #tpu.memory_space<vmem>> -> memref<64xi32, #tpu.memory_space<vmem>>
        %dma_wait3A_575 = arith.constant 0 : i32
        %dma_wait3A_576 = arith.constant 0 : i32
        %dma_wait3A_577 = tpu.memref_slice %arg14[%dma_wait3A_575, %dma_wait3A_576] : memref<10016x128xf32, #tpu.memory_space<vmem_shared>> -> memref<10016x128xf32, #tpu.memory_space<vmem_shared>>
        tpu.wait_indirect_dma semaphore(%run_scoped3A_559 : memref<!tpu.dma_semaphore, #tpu.memory_space<semaphore_mem>>) src(%dma_wait3A_571 : memref<64x128xf32, #tpu.memory_space<vmem>>) dst(%dma_wait3A_577 : memref<10016x128xf32, #tpu.memory_space<vmem_shared>>)
        tpu.yield
      }) : () -> ()
      %add3A_489 = arith.constant 4 : i32
      %add3A_490 = arith.addi %add3A_477, %add3A_489 : i32
      %lt3A = arith.constant 160 : i32
      %lt3A_491 = arith.cmpi slt, %add3A_490, %lt3A : i32
      %convert_element_type3A = arith.extui %lt3A_491 : i1 to i32
      %cond3A = arith.constant 0 : i32
      %cond3A_492 = arith.cmpi ne, %convert_element_type3A, %cond3A : i32
      scf.if %cond3A_492 {
        %add3A_559 = arith.constant 4 : i32
        %add3A_560 = arith.addi %add3A_477, %add3A_559 : i32
        %shift_right_logical3A_561 = arith.constant 1 : i32
        %shift_right_logical3A_562 = arith.shrui %add3A_560, %shift_right_logical3A_561 : i32
        %and3A_563 = arith.constant 1 : i32
        %and3A_564 = arith.andi %add3A_560, %and3A_563 : i32
        %mul3A_565 = arith.constant 64 : i32
        %mul3A_566 = arith.muli %and3A_564, %mul3A_565 : i32
        %add3A_567 = arith.constant 0 : i32
        %add3A_568 = arith.addi %mul3A_566, %add3A_567 : i32
        %get3A_569 = arith.index_cast %shift_right_logical3A_562 : i32 to index
        %get3A_570 = arith.index_cast %add3A_568 : i32 to index
        %get3A_571 = tpu.vector_load %arg5[%get3A_569, %get3A_570] {strides = array<i32>} : memref<80x128xi32, #tpu.memory_space<vmem>>, vector<1x16xi32>,
        %get3A_572 = vector.shape_cast %get3A_571 : vector<1x16xi32> to vector<16xi32>
        %and3A_573 = arith.constant 65535 : i32
        %and3A_574 = vector.broadcast %and3A_573 : i32 to vector<16xi32>
        %and3A_575 = arith.andi %get3A_572, %and3A_574 : vector<16xi32>
        %swap3A_576 = arith.constant 0 : i32
        %swap3A_577 = arith.index_cast %swap3A_576 : i32 to index
        %swap3A_578 = arith.constant 0 : index
        %swap3A_579 = tpu.vector_load %arg6[%swap3A_577, %swap3A_578] {strides = array<i32>} : memref<4x64xi32, #tpu.memory_space<vmem>>, vector<1x16xi32>,
        %swap3A_580 = vector.shape_cast %swap3A_579 : vector<1x16xi32> to vector<16xi32>
        %swap3A_581 = vector.shape_cast %and3A_575 : vector<16xi32> to vector<1x16xi32>
        tpu.vector_store %arg6[%swap3A_577, %swap3A_578], %swap3A_581 {strides = array<i32>} : memref<4x64xi32, #tpu.memory_space<vmem>>, vector<1x16xi32>,
        %shift_right_logical3A_582 = arith.constant 16 : i32
        %shift_right_logical3A_583 = vector.broadcast %shift_right_logical3A_582 : i32 to vector<16xi32>
        %shift_right_logical3A_584 = arith.shrui %get3A_572, %shift_right_logical3A_583 : vector<16xi32>
        %swap3A_585 = arith.constant 0 : i32
        %swap3A_586 = arith.index_cast %swap3A_585 : i32 to index
        %swap3A_587 = arith.constant 0 : index
        %swap3A_588 = tpu.vector_load %arg7[%swap3A_586, %swap3A_587] {strides = array<i32>} : memref<4x64xi32, #tpu.memory_space<vmem>>, vector<1x16xi32>,
        %swap3A_589 = vector.shape_cast %swap3A_588 : vector<1x16xi32> to vector<16xi32>
        %swap3A_590 = vector.shape_cast %shift_right_logical3A_584 : vector<16xi32> to vector<1x16xi32>
        tpu.vector_store %arg7[%swap3A_586, %swap3A_587], %swap3A_590 {strides = array<i32>} : memref<4x64xi32, #tpu.memory_space<vmem>>, vector<1x16xi32>,
        %add3A_591 = arith.constant 16 : i32
        %add3A_592 = arith.addi %mul3A_566, %add3A_591 : i32
        %get3A_593 = arith.index_cast %shift_right_logical3A_562 : i32 to index
        %get3A_594 = arith.index_cast %add3A_592 : i32 to index
        %get3A_595 = tpu.vector_load %arg5[%get3A_593, %get3A_594] {strides = array<i32>} : memref<80x128xi32, #tpu.memory_space<vmem>>, vector<1x16xi32>,
        %get3A_596 = vector.shape_cast %get3A_595 : vector<1x16xi32> to vector<16xi32>
        %and3A_597 = arith.constant 65535 : i32
        %and3A_598 = vector.broadcast %and3A_597 : i32 to vector<16xi32>
        %and3A_599 = arith.andi %get3A_596, %and3A_598 : vector<16xi32>
        %swap3A_600 = arith.constant 0 : i32
        %swap3A_601 = arith.index_cast %swap3A_600 : i32 to index
        %swap3A_602 = arith.constant 16 : index
        %swap3A_603 = tpu.vector_load %arg6[%swap3A_601, %swap3A_602] {strides = array<i32>} : memref<4x64xi32, #tpu.memory_space<vmem>>, vector<1x16xi32>,
        %swap3A_604 = vector.shape_cast %swap3A_603 : vector<1x16xi32> to vector<16xi32>
        %swap3A_605 = vector.shape_cast %and3A_599 : vector<16xi32> to vector<1x16xi32>
        tpu.vector_store %arg6[%swap3A_601, %swap3A_602], %swap3A_605 {strides = array<i32>} : memref<4x64xi32, #tpu.memory_space<vmem>>, vector<1x16xi32>,
        %shift_right_logical3A_606 = arith.constant 16 : i32
        %shift_right_logical3A_607 = vector.broadcast %shift_right_logical3A_606 : i32 to vector<16xi32>
        %shift_right_logical3A_608 = arith.shrui %get3A_596, %shift_right_logical3A_607 : vector<16xi32>
        %swap3A_609 = arith.constant 0 : i32
        %swap3A_610 = arith.index_cast %swap3A_609 : i32 to index
        %swap3A_611 = arith.constant 16 : index
        %swap3A_612 = tpu.vector_load %arg7[%swap3A_610, %swap3A_611] {strides = array<i32>} : memref<4x64xi32, #tpu.memory_space<vmem>>, vector<1x16xi32>,
        %swap3A_613 = vector.shape_cast %swap3A_612 : vector<1x16xi32> to vector<16xi32>
        %swap3A_614 = vector.shape_cast %shift_right_logical3A_608 : vector<16xi32> to vector<1x16xi32>
        tpu.vector_store %arg7[%swap3A_610, %swap3A_611], %swap3A_614 {strides = array<i32>} : memref<4x64xi32, #tpu.memory_space<vmem>>, vector<1x16xi32>,
        %add3A_615 = arith.constant 32 : i32
        %add3A_616 = arith.addi %mul3A_566, %add3A_615 : i32
        %get3A_617 = arith.index_cast %shift_right_logical3A_562 : i32 to index
        %get3A_618 = arith.index_cast %add3A_616 : i32 to index
        %get3A_619 = tpu.vector_load %arg5[%get3A_617, %get3A_618] {strides = array<i32>} : memref<80x128xi32, #tpu.memory_space<vmem>>, vector<1x16xi32>,
        %get3A_620 = vector.shape_cast %get3A_619 : vector<1x16xi32> to vector<16xi32>
        %and3A_621 = arith.constant 65535 : i32
        %and3A_622 = vector.broadcast %and3A_621 : i32 to vector<16xi32>
        %and3A_623 = arith.andi %get3A_620, %and3A_622 : vector<16xi32>
        %swap3A_624 = arith.constant 0 : i32
        %swap3A_625 = arith.index_cast %swap3A_624 : i32 to index
        %swap3A_626 = arith.constant 32 : index
        %swap3A_627 = tpu.vector_load %arg6[%swap3A_625, %swap3A_626] {strides = array<i32>} : memref<4x64xi32, #tpu.memory_space<vmem>>, vector<1x16xi32>,
        %swap3A_628 = vector.shape_cast %swap3A_627 : vector<1x16xi32> to vector<16xi32>
        %swap3A_629 = vector.shape_cast %and3A_623 : vector<16xi32> to vector<1x16xi32>
        tpu.vector_store %arg6[%swap3A_625, %swap3A_626], %swap3A_629 {strides = array<i32>} : memref<4x64xi32, #tpu.memory_space<vmem>>, vector<1x16xi32>,
        %shift_right_logical3A_630 = arith.constant 16 : i32
        %shift_right_logical3A_631 = vector.broadcast %shift_right_logical3A_630 : i32 to vector<16xi32>
        %shift_right_logical3A_632 = arith.shrui %get3A_620, %shift_right_logical3A_631 : vector<16xi32>
        %swap3A_633 = arith.constant 0 : i32
        %swap3A_634 = arith.index_cast %swap3A_633 : i32 to index
        %swap3A_635 = arith.constant 32 : index
        %swap3A_636 = tpu.vector_load %arg7[%swap3A_634, %swap3A_635] {strides = array<i32>} : memref<4x64xi32, #tpu.memory_space<vmem>>, vector<1x16xi32>,
        %swap3A_637 = vector.shape_cast %swap3A_636 : vector<1x16xi32> to vector<16xi32>
        %swap3A_638 = vector.shape_cast %shift_right_logical3A_632 : vector<16xi32> to vector<1x16xi32>
        tpu.vector_store %arg7[%swap3A_634, %swap3A_635], %swap3A_638 {strides = array<i32>} : memref<4x64xi32, #tpu.memory_space<vmem>>, vector<1x16xi32>,
        %add3A_639 = arith.constant 48 : i32
        %add3A_640 = arith.addi %mul3A_566, %add3A_639 : i32
        %get3A_641 = arith.index_cast %shift_right_logical3A_562 : i32 to index
        %get3A_642 = arith.index_cast %add3A_640 : i32 to index
        %get3A_643 = tpu.vector_load %arg5[%get3A_641, %get3A_642] {strides = array<i32>} : memref<80x128xi32, #tpu.memory_space<vmem>>, vector<1x16xi32>,
        %get3A_644 = vector.shape_cast %get3A_643 : vector<1x16xi32> to vector<16xi32>
        %and3A_645 = arith.constant 65535 : i32
        %and3A_646 = vector.broadcast %and3A_645 : i32 to vector<16xi32>
        %and3A_647 = arith.andi %get3A_644, %and3A_646 : vector<16xi32>
        %swap3A_648 = arith.constant 0 : i32
        %swap3A_649 = arith.index_cast %swap3A_648 : i32 to index
        %swap3A_650 = arith.constant 48 : index
        %swap3A_651 = tpu.vector_load %arg6[%swap3A_649, %swap3A_650] {strides = array<i32>} : memref<4x64xi32, #tpu.memory_space<vmem>>, vector<1x16xi32>,
        %swap3A_652 = vector.shape_cast %swap3A_651 : vector<1x16xi32> to vector<16xi32>
        %swap3A_653 = vector.shape_cast %and3A_647 : vector<16xi32> to vector<1x16xi32>
        tpu.vector_store %arg6[%swap3A_649, %swap3A_650], %swap3A_653 {strides = array<i32>} : memref<4x64xi32, #tpu.memory_space<vmem>>, vector<1x16xi32>,
        %shift_right_logical3A_654 = arith.constant 16 : i32
        %shift_right_logical3A_655 = vector.broadcast %shift_right_logical3A_654 : i32 to vector<16xi32>
        %shift_right_logical3A_656 = arith.shrui %get3A_644, %shift_right_logical3A_655 : vector<16xi32>
        %swap3A_657 = arith.constant 0 : i32
        %swap3A_658 = arith.index_cast %swap3A_657 : i32 to index
        %swap3A_659 = arith.constant 48 : index
        %swap3A_660 = tpu.vector_load %arg7[%swap3A_658, %swap3A_659] {strides = array<i32>} : memref<4x64xi32, #tpu.memory_space<vmem>>, vector<1x16xi32>,
        %swap3A_661 = vector.shape_cast %swap3A_660 : vector<1x16xi32> to vector<16xi32>
        %swap3A_662 = vector.shape_cast %shift_right_logical3A_656 : vector<16xi32> to vector<1x16xi32>
        tpu.vector_store %arg7[%swap3A_658, %swap3A_659], %swap3A_662 {strides = array<i32>} : memref<4x64xi32, #tpu.memory_space<vmem>>, vector<1x16xi32>,
        %dma_start3A_663 = arith.constant 0 : i32
        %dma_start3A_664 = arith.constant 0 : i32
        %dma_start3A_665 = arith.constant 0 : i32
        %dma_start3A_666 = tpu.memref_slice %arg8[%dma_start3A_664, %dma_start3A_665] : memref<128x128xf32, #tpu.memory_space<vmem>> -> memref<64x128xf32, #tpu.memory_space<vmem>>
        %dma_start3A_667 = arith.constant 0 : i32
        %dma_start3A_668 = tpu.memref_slice %arg6[%dma_start3A_663, %dma_start3A_667] : memref<4x64xi32, #tpu.memory_space<vmem>> -> memref<1x64xi32, #tpu.memory_space<vmem>>
        %dma_start3A_669 = tpu.memref_squeeze %dma_start3A_668 : memref<1x64xi32, #tpu.memory_space<vmem>> -> memref<64xi32, #tpu.memory_space<vmem>>
        %dma_start3A_670 = arith.constant 0 : i32
        %dma_start3A_671 = arith.constant 0 : i32
        %dma_start3A_672 = tpu.memref_slice %arg2[%dma_start3A_670, %dma_start3A_671] : memref<10240x128xf32, #tpu.memory_space<hbm>> -> memref<10240x128xf32, #tpu.memory_space<hbm>>
        tpu.enqueue_indirect_dma source(%dma_start3A_672 : memref<10240x128xf32, #tpu.memory_space<hbm>>) target(%dma_start3A_666 : memref<64x128xf32, #tpu.memory_space<vmem>>) offsets(%dma_start3A_669 : memref<64xi32, #tpu.memory_space<vmem>>) semaphore(%arg10 : memref<!tpu.dma_semaphore, #tpu.memory_space<semaphore_mem>>)
      } else {
      }
      %add3A_493 = arith.constant 1 : i32
      %add3A_494 = arith.addi %add3A_475, %add3A_493 : i32
      %dma_wait3A_495 = arith.constant 64 : i32
      %dma_wait3A_496 = arith.constant 0 : i32
      %dma_wait3A_497 = tpu.memref_slice %arg8[%dma_wait3A_495, %dma_wait3A_496] : memref<128x128xf32, #tpu.memory_space<vmem>> -> memref<64x128xf32, #tpu.memory_space<vmem>>
      %dma_wait3A_498 = arith.constant 0 : i32
      %dma_wait3A_499 = arith.constant 0 : i32
      %dma_wait3A_500 = tpu.memref_slice %arg2[%dma_wait3A_498, %dma_wait3A_499] : memref<10240x128xf32, #tpu.memory_space<hbm>> -> memref<64x128xf32, #tpu.memory_space<hbm>>
      %dma_wait3A_501 = arith.constant 64 : i32
      %dma_wait3A_502 = arith.constant 0 : i32
      %dma_wait3A_503 = tpu.memref_slice %arg8[%dma_wait3A_501, %dma_wait3A_502] : memref<128x128xf32, #tpu.memory_space<vmem>> -> memref<64x128xf32, #tpu.memory_space<vmem>>
      %dma_wait3A_504 = arith.constant 0 : i32
      %dma_wait3A_505 = arith.constant 0 : i32
      %dma_wait3A_506 = tpu.memref_slice %arg2[%dma_wait3A_504, %dma_wait3A_505] : memref<10240x128xf32, #tpu.memory_space<hbm>> -> memref<64x128xf32, #tpu.memory_space<hbm>>
      tpu.wait_dma2 semaphore(%arg11 : memref<!tpu.dma_semaphore, #tpu.memory_space<semaphore_mem>>) src(%dma_wait3A_506 : memref<64x128xf32, #tpu.memory_space<hbm>>) dst(%dma_wait3A_503 : memref<64x128xf32, #tpu.memory_space<vmem>>)
      %run_scoped3A_507 = arith.constant 1 : i32
      "tpu.region"() ({
        %run_scoped3A_559 = tpu.sem_alloc : memref<!tpu.dma_semaphore, #tpu.memory_space<semaphore_mem>>
        %dma_start3A_560 = arith.constant 64 : i32
        %dma_start3A_561 = arith.constant 0 : i32
        %dma_start3A_562 = tpu.memref_slice %arg8[%dma_start3A_560, %dma_start3A_561] : memref<128x128xf32, #tpu.memory_space<vmem>> -> memref<64x128xf32, #tpu.memory_space<vmem>>
        %dma_start3A_563 = arith.constant 0 : i32
        %dma_start3A_564 = tpu.memref_slice %arg7[%run_scoped3A_507, %dma_start3A_563] : memref<4x64xi32, #tpu.memory_space<vmem>> -> memref<1x64xi32, #tpu.memory_space<vmem>>
        %dma_start3A_565 = tpu.memref_squeeze %dma_start3A_564 : memref<1x64xi32, #tpu.memory_space<vmem>> -> memref<64xi32, #tpu.memory_space<vmem>>
        %dma_start3A_566 = arith.constant 0 : i32
        %dma_start3A_567 = arith.constant 0 : i32
        %dma_start3A_568 = tpu.memref_slice %arg14[%dma_start3A_566, %dma_start3A_567] : memref<10016x128xf32, #tpu.memory_space<vmem_shared>> -> memref<10016x128xf32, #tpu.memory_space<vmem_shared>>
        tpu.enqueue_indirect_dma source(%dma_start3A_562 : memref<64x128xf32, #tpu.memory_space<vmem>>) target(%dma_start3A_568 : memref<10016x128xf32, #tpu.memory_space<vmem_shared>>) offsets(%dma_start3A_565 : memref<64xi32, #tpu.memory_space<vmem>>) semaphore(%run_scoped3A_559 : memref<!tpu.dma_semaphore, #tpu.memory_space<semaphore_mem>>) {add = true}
        %dma_wait3A_569 = arith.constant 64 : i32
        %dma_wait3A_570 = arith.constant 0 : i32
        %dma_wait3A_571 = tpu.memref_slice %arg8[%dma_wait3A_569, %dma_wait3A_570] : memref<128x128xf32, #tpu.memory_space<vmem>> -> memref<64x128xf32, #tpu.memory_space<vmem>>
        %dma_wait3A_572 = arith.constant 0 : i32
        %dma_wait3A_573 = tpu.memref_slice %arg7[%run_scoped3A_507, %dma_wait3A_572] : memref<4x64xi32, #tpu.memory_space<vmem>> -> memref<1x64xi32, #tpu.memory_space<vmem>>
        %dma_wait3A_574 = tpu.memref_squeeze %dma_wait3A_573 : memref<1x64xi32, #tpu.memory_space<vmem>> -> memref<64xi32, #tpu.memory_space<vmem>>
        %dma_wait3A_575 = arith.constant 0 : i32
        %dma_wait3A_576 = arith.constant 0 : i32
        %dma_wait3A_577 = tpu.memref_slice %arg14[%dma_wait3A_575, %dma_wait3A_576] : memref<10016x128xf32, #tpu.memory_space<vmem_shared>> -> memref<10016x128xf32, #tpu.memory_space<vmem_shared>>
        tpu.wait_indirect_dma semaphore(%run_scoped3A_559 : memref<!tpu.dma_semaphore, #tpu.memory_space<semaphore_mem>>) src(%dma_wait3A_571 : memref<64x128xf32, #tpu.memory_space<vmem>>) dst(%dma_wait3A_577 : memref<10016x128xf32, #tpu.memory_space<vmem_shared>>)
        tpu.yield
      }) : () -> ()
      %add3A_508 = arith.constant 4 : i32
      %add3A_509 = arith.addi %add3A_494, %add3A_508 : i32
      %lt3A_510 = arith.constant 160 : i32
      %lt3A_511 = arith.cmpi slt, %add3A_509, %lt3A_510 : i32
      %convert_element_type3A_512 = arith.extui %lt3A_511 : i1 to i32
      %cond3A_513 = arith.constant 0 : i32
      %cond3A_514 = arith.cmpi ne, %convert_element_type3A_512, %cond3A_513 : i32
      scf.if %cond3A_514 {
        %add3A_559 = arith.constant 4 : i32
        %add3A_560 = arith.addi %add3A_494, %add3A_559 : i32
        %shift_right_logical3A_561 = arith.constant 1 : i32
        %shift_right_logical3A_562 = arith.shrui %add3A_560, %shift_right_logical3A_561 : i32
        %and3A_563 = arith.constant 1 : i32
        %and3A_564 = arith.andi %add3A_560, %and3A_563 : i32
        %mul3A_565 = arith.constant 64 : i32
        %mul3A_566 = arith.muli %and3A_564, %mul3A_565 : i32
        %add3A_567 = arith.constant 0 : i32
        %add3A_568 = arith.addi %mul3A_566, %add3A_567 : i32
        %get3A_569 = arith.index_cast %shift_right_logical3A_562 : i32 to index
        %get3A_570 = arith.index_cast %add3A_568 : i32 to index
        %get3A_571 = tpu.vector_load %arg5[%get3A_569, %get3A_570] {strides = array<i32>} : memref<80x128xi32, #tpu.memory_space<vmem>>, vector<1x16xi32>,
        %get3A_572 = vector.shape_cast %get3A_571 : vector<1x16xi32> to vector<16xi32>
        %and3A_573 = arith.constant 65535 : i32
        %and3A_574 = vector.broadcast %and3A_573 : i32 to vector<16xi32>
        %and3A_575 = arith.andi %get3A_572, %and3A_574 : vector<16xi32>
        %swap3A_576 = arith.constant 1 : i32
        %swap3A_577 = arith.index_cast %swap3A_576 : i32 to index
        %swap3A_578 = arith.constant 0 : index
        %swap3A_579 = tpu.vector_load %arg6[%swap3A_577, %swap3A_578] {strides = array<i32>} : memref<4x64xi32, #tpu.memory_space<vmem>>, vector<1x16xi32>,
        %swap3A_580 = vector.shape_cast %swap3A_579 : vector<1x16xi32> to vector<16xi32>
        %swap3A_581 = vector.shape_cast %and3A_575 : vector<16xi32> to vector<1x16xi32>
        tpu.vector_store %arg6[%swap3A_577, %swap3A_578], %swap3A_581 {strides = array<i32>} : memref<4x64xi32, #tpu.memory_space<vmem>>, vector<1x16xi32>,
        %shift_right_logical3A_582 = arith.constant 16 : i32
        %shift_right_logical3A_583 = vector.broadcast %shift_right_logical3A_582 : i32 to vector<16xi32>
        %shift_right_logical3A_584 = arith.shrui %get3A_572, %shift_right_logical3A_583 : vector<16xi32>
        %swap3A_585 = arith.constant 1 : i32
        %swap3A_586 = arith.index_cast %swap3A_585 : i32 to index
        %swap3A_587 = arith.constant 0 : index
        %swap3A_588 = tpu.vector_load %arg7[%swap3A_586, %swap3A_587] {strides = array<i32>} : memref<4x64xi32, #tpu.memory_space<vmem>>, vector<1x16xi32>,
        %swap3A_589 = vector.shape_cast %swap3A_588 : vector<1x16xi32> to vector<16xi32>
        %swap3A_590 = vector.shape_cast %shift_right_logical3A_584 : vector<16xi32> to vector<1x16xi32>
        tpu.vector_store %arg7[%swap3A_586, %swap3A_587], %swap3A_590 {strides = array<i32>} : memref<4x64xi32, #tpu.memory_space<vmem>>, vector<1x16xi32>,
        %add3A_591 = arith.constant 16 : i32
        %add3A_592 = arith.addi %mul3A_566, %add3A_591 : i32
        %get3A_593 = arith.index_cast %shift_right_logical3A_562 : i32 to index
        %get3A_594 = arith.index_cast %add3A_592 : i32 to index
        %get3A_595 = tpu.vector_load %arg5[%get3A_593, %get3A_594] {strides = array<i32>} : memref<80x128xi32, #tpu.memory_space<vmem>>, vector<1x16xi32>,
        %get3A_596 = vector.shape_cast %get3A_595 : vector<1x16xi32> to vector<16xi32>
        %and3A_597 = arith.constant 65535 : i32
        %and3A_598 = vector.broadcast %and3A_597 : i32 to vector<16xi32>
        %and3A_599 = arith.andi %get3A_596, %and3A_598 : vector<16xi32>
        %swap3A_600 = arith.constant 1 : i32
        %swap3A_601 = arith.index_cast %swap3A_600 : i32 to index
        %swap3A_602 = arith.constant 16 : index
        %swap3A_603 = tpu.vector_load %arg6[%swap3A_601, %swap3A_602] {strides = array<i32>} : memref<4x64xi32, #tpu.memory_space<vmem>>, vector<1x16xi32>,
        %swap3A_604 = vector.shape_cast %swap3A_603 : vector<1x16xi32> to vector<16xi32>
        %swap3A_605 = vector.shape_cast %and3A_599 : vector<16xi32> to vector<1x16xi32>
        tpu.vector_store %arg6[%swap3A_601, %swap3A_602], %swap3A_605 {strides = array<i32>} : memref<4x64xi32, #tpu.memory_space<vmem>>, vector<1x16xi32>,
        %shift_right_logical3A_606 = arith.constant 16 : i32
        %shift_right_logical3A_607 = vector.broadcast %shift_right_logical3A_606 : i32 to vector<16xi32>
        %shift_right_logical3A_608 = arith.shrui %get3A_596, %shift_right_logical3A_607 : vector<16xi32>
        %swap3A_609 = arith.constant 1 : i32
        %swap3A_610 = arith.index_cast %swap3A_609 : i32 to index
        %swap3A_611 = arith.constant 16 : index
        %swap3A_612 = tpu.vector_load %arg7[%swap3A_610, %swap3A_611] {strides = array<i32>} : memref<4x64xi32, #tpu.memory_space<vmem>>, vector<1x16xi32>,
        %swap3A_613 = vector.shape_cast %swap3A_612 : vector<1x16xi32> to vector<16xi32>
        %swap3A_614 = vector.shape_cast %shift_right_logical3A_608 : vector<16xi32> to vector<1x16xi32>
        tpu.vector_store %arg7[%swap3A_610, %swap3A_611], %swap3A_614 {strides = array<i32>} : memref<4x64xi32, #tpu.memory_space<vmem>>, vector<1x16xi32>,
        %add3A_615 = arith.constant 32 : i32
        %add3A_616 = arith.addi %mul3A_566, %add3A_615 : i32
        %get3A_617 = arith.index_cast %shift_right_logical3A_562 : i32 to index
        %get3A_618 = arith.index_cast %add3A_616 : i32 to index
        %get3A_619 = tpu.vector_load %arg5[%get3A_617, %get3A_618] {strides = array<i32>} : memref<80x128xi32, #tpu.memory_space<vmem>>, vector<1x16xi32>,
        %get3A_620 = vector.shape_cast %get3A_619 : vector<1x16xi32> to vector<16xi32>
        %and3A_621 = arith.constant 65535 : i32
        %and3A_622 = vector.broadcast %and3A_621 : i32 to vector<16xi32>
        %and3A_623 = arith.andi %get3A_620, %and3A_622 : vector<16xi32>
        %swap3A_624 = arith.constant 1 : i32
        %swap3A_625 = arith.index_cast %swap3A_624 : i32 to index
        %swap3A_626 = arith.constant 32 : index
        %swap3A_627 = tpu.vector_load %arg6[%swap3A_625, %swap3A_626] {strides = array<i32>} : memref<4x64xi32, #tpu.memory_space<vmem>>, vector<1x16xi32>,
        %swap3A_628 = vector.shape_cast %swap3A_627 : vector<1x16xi32> to vector<16xi32>
        %swap3A_629 = vector.shape_cast %and3A_623 : vector<16xi32> to vector<1x16xi32>
        tpu.vector_store %arg6[%swap3A_625, %swap3A_626], %swap3A_629 {strides = array<i32>} : memref<4x64xi32, #tpu.memory_space<vmem>>, vector<1x16xi32>,
        %shift_right_logical3A_630 = arith.constant 16 : i32
        %shift_right_logical3A_631 = vector.broadcast %shift_right_logical3A_630 : i32 to vector<16xi32>
        %shift_right_logical3A_632 = arith.shrui %get3A_620, %shift_right_logical3A_631 : vector<16xi32>
        %swap3A_633 = arith.constant 1 : i32
        %swap3A_634 = arith.index_cast %swap3A_633 : i32 to index
        %swap3A_635 = arith.constant 32 : index
        %swap3A_636 = tpu.vector_load %arg7[%swap3A_634, %swap3A_635] {strides = array<i32>} : memref<4x64xi32, #tpu.memory_space<vmem>>, vector<1x16xi32>,
        %swap3A_637 = vector.shape_cast %swap3A_636 : vector<1x16xi32> to vector<16xi32>
        %swap3A_638 = vector.shape_cast %shift_right_logical3A_632 : vector<16xi32> to vector<1x16xi32>
        tpu.vector_store %arg7[%swap3A_634, %swap3A_635], %swap3A_638 {strides = array<i32>} : memref<4x64xi32, #tpu.memory_space<vmem>>, vector<1x16xi32>,
        %add3A_639 = arith.constant 48 : i32
        %add3A_640 = arith.addi %mul3A_566, %add3A_639 : i32
        %get3A_641 = arith.index_cast %shift_right_logical3A_562 : i32 to index
        %get3A_642 = arith.index_cast %add3A_640 : i32 to index
        %get3A_643 = tpu.vector_load %arg5[%get3A_641, %get3A_642] {strides = array<i32>} : memref<80x128xi32, #tpu.memory_space<vmem>>, vector<1x16xi32>,
        %get3A_644 = vector.shape_cast %get3A_643 : vector<1x16xi32> to vector<16xi32>
        %and3A_645 = arith.constant 65535 : i32
        %and3A_646 = vector.broadcast %and3A_645 : i32 to vector<16xi32>
        %and3A_647 = arith.andi %get3A_644, %and3A_646 : vector<16xi32>
        %swap3A_648 = arith.constant 1 : i32
        %swap3A_649 = arith.index_cast %swap3A_648 : i32 to index
        %swap3A_650 = arith.constant 48 : index
        %swap3A_651 = tpu.vector_load %arg6[%swap3A_649, %swap3A_650] {strides = array<i32>} : memref<4x64xi32, #tpu.memory_space<vmem>>, vector<1x16xi32>,
        %swap3A_652 = vector.shape_cast %swap3A_651 : vector<1x16xi32> to vector<16xi32>
        %swap3A_653 = vector.shape_cast %and3A_647 : vector<16xi32> to vector<1x16xi32>
        tpu.vector_store %arg6[%swap3A_649, %swap3A_650], %swap3A_653 {strides = array<i32>} : memref<4x64xi32, #tpu.memory_space<vmem>>, vector<1x16xi32>,
        %shift_right_logical3A_654 = arith.constant 16 : i32
        %shift_right_logical3A_655 = vector.broadcast %shift_right_logical3A_654 : i32 to vector<16xi32>
        %shift_right_logical3A_656 = arith.shrui %get3A_644, %shift_right_logical3A_655 : vector<16xi32>
        %swap3A_657 = arith.constant 1 : i32
        %swap3A_658 = arith.index_cast %swap3A_657 : i32 to index
        %swap3A_659 = arith.constant 48 : index
        %swap3A_660 = tpu.vector_load %arg7[%swap3A_658, %swap3A_659] {strides = array<i32>} : memref<4x64xi32, #tpu.memory_space<vmem>>, vector<1x16xi32>,
        %swap3A_661 = vector.shape_cast %swap3A_660 : vector<1x16xi32> to vector<16xi32>
        %swap3A_662 = vector.shape_cast %shift_right_logical3A_656 : vector<16xi32> to vector<1x16xi32>
        tpu.vector_store %arg7[%swap3A_658, %swap3A_659], %swap3A_662 {strides = array<i32>} : memref<4x64xi32, #tpu.memory_space<vmem>>, vector<1x16xi32>,
        %dma_start3A_663 = arith.constant 1 : i32
        %dma_start3A_664 = arith.constant 64 : i32
        %dma_start3A_665 = arith.constant 0 : i32
        %dma_start3A_666 = tpu.memref_slice %arg8[%dma_start3A_664, %dma_start3A_665] : memref<128x128xf32, #tpu.memory_space<vmem>> -> memref<64x128xf32, #tpu.memory_space<vmem>>
        %dma_start3A_667 = arith.constant 0 : i32
        %dma_start3A_668 = tpu.memref_slice %arg6[%dma_start3A_663, %dma_start3A_667] : memref<4x64xi32, #tpu.memory_space<vmem>> -> memref<1x64xi32, #tpu.memory_space<vmem>>
        %dma_start3A_669 = tpu.memref_squeeze %dma_start3A_668 : memref<1x64xi32, #tpu.memory_space<vmem>> -> memref<64xi32, #tpu.memory_space<vmem>>
        %dma_start3A_670 = arith.constant 0 : i32
        %dma_start3A_671 = arith.constant 0 : i32
        %dma_start3A_672 = tpu.memref_slice %arg2[%dma_start3A_670, %dma_start3A_671] : memref<10240x128xf32, #tpu.memory_space<hbm>> -> memref<10240x128xf32, #tpu.memory_space<hbm>>
        tpu.enqueue_indirect_dma source(%dma_start3A_672 : memref<10240x128xf32, #tpu.memory_space<hbm>>) target(%dma_start3A_666 : memref<64x128xf32, #tpu.memory_space<vmem>>) offsets(%dma_start3A_669 : memref<64xi32, #tpu.memory_space<vmem>>) semaphore(%arg11 : memref<!tpu.dma_semaphore, #tpu.memory_space<semaphore_mem>>)
      } else {
      }
      %add3A_515 = arith.constant 2 : i32
      %add3A_516 = arith.addi %add3A_475, %add3A_515 : i32
      %dma_wait3A_517 = arith.constant 0 : i32
      %dma_wait3A_518 = arith.constant 0 : i32
      %dma_wait3A_519 = tpu.memref_slice %arg9[%dma_wait3A_517, %dma_wait3A_518] : memref<128x128xf32, #tpu.memory_space<vmem>> -> memref<64x128xf32, #tpu.memory_space<vmem>>
      %dma_wait3A_520 = arith.constant 0 : i32
      %dma_wait3A_521 = arith.constant 0 : i32
      %dma_wait3A_522 = tpu.memref_slice %arg2[%dma_wait3A_520, %dma_wait3A_521] : memref<10240x128xf32, #tpu.memory_space<hbm>> -> memref<64x128xf32, #tpu.memory_space<hbm>>
      %dma_wait3A_523 = arith.constant 0 : i32
      %dma_wait3A_524 = arith.constant 0 : i32
      %dma_wait3A_525 = tpu.memref_slice %arg9[%dma_wait3A_523, %dma_wait3A_524] : memref<128x128xf32, #tpu.memory_space<vmem>> -> memref<64x128xf32, #tpu.memory_space<vmem>>
      %dma_wait3A_526 = arith.constant 0 : i32
      %dma_wait3A_527 = arith.constant 0 : i32
      %dma_wait3A_528 = tpu.memref_slice %arg2[%dma_wait3A_526, %dma_wait3A_527] : memref<10240x128xf32, #tpu.memory_space<hbm>> -> memref<64x128xf32, #tpu.memory_space<hbm>>
      tpu.wait_dma2 semaphore(%arg12 : memref<!tpu.dma_semaphore, #tpu.memory_space<semaphore_mem>>) src(%dma_wait3A_528 : memref<64x128xf32, #tpu.memory_space<hbm>>) dst(%dma_wait3A_525 : memref<64x128xf32, #tpu.memory_space<vmem>>)
      %run_scoped3A_529 = arith.constant 2 : i32
      "tpu.region"() ({
        %run_scoped3A_559 = tpu.sem_alloc : memref<!tpu.dma_semaphore, #tpu.memory_space<semaphore_mem>>
        %dma_start3A_560 = arith.constant 0 : i32
        %dma_start3A_561 = arith.constant 0 : i32
        %dma_start3A_562 = tpu.memref_slice %arg9[%dma_start3A_560, %dma_start3A_561] : memref<128x128xf32, #tpu.memory_space<vmem>> -> memref<64x128xf32, #tpu.memory_space<vmem>>
        %dma_start3A_563 = arith.constant 0 : i32
        %dma_start3A_564 = tpu.memref_slice %arg7[%run_scoped3A_529, %dma_start3A_563] : memref<4x64xi32, #tpu.memory_space<vmem>> -> memref<1x64xi32, #tpu.memory_space<vmem>>
        %dma_start3A_565 = tpu.memref_squeeze %dma_start3A_564 : memref<1x64xi32, #tpu.memory_space<vmem>> -> memref<64xi32, #tpu.memory_space<vmem>>
        %dma_start3A_566 = arith.constant 0 : i32
        %dma_start3A_567 = arith.constant 0 : i32
        %dma_start3A_568 = tpu.memref_slice %arg14[%dma_start3A_566, %dma_start3A_567] : memref<10016x128xf32, #tpu.memory_space<vmem_shared>> -> memref<10016x128xf32, #tpu.memory_space<vmem_shared>>
        tpu.enqueue_indirect_dma source(%dma_start3A_562 : memref<64x128xf32, #tpu.memory_space<vmem>>) target(%dma_start3A_568 : memref<10016x128xf32, #tpu.memory_space<vmem_shared>>) offsets(%dma_start3A_565 : memref<64xi32, #tpu.memory_space<vmem>>) semaphore(%run_scoped3A_559 : memref<!tpu.dma_semaphore, #tpu.memory_space<semaphore_mem>>) {add = true}
        %dma_wait3A_569 = arith.constant 0 : i32
        %dma_wait3A_570 = arith.constant 0 : i32
        %dma_wait3A_571 = tpu.memref_slice %arg9[%dma_wait3A_569, %dma_wait3A_570] : memref<128x128xf32, #tpu.memory_space<vmem>> -> memref<64x128xf32, #tpu.memory_space<vmem>>
        %dma_wait3A_572 = arith.constant 0 : i32
        %dma_wait3A_573 = tpu.memref_slice %arg7[%run_scoped3A_529, %dma_wait3A_572] : memref<4x64xi32, #tpu.memory_space<vmem>> -> memref<1x64xi32, #tpu.memory_space<vmem>>
        %dma_wait3A_574 = tpu.memref_squeeze %dma_wait3A_573 : memref<1x64xi32, #tpu.memory_space<vmem>> -> memref<64xi32, #tpu.memory_space<vmem>>
        %dma_wait3A_575 = arith.constant 0 : i32
        %dma_wait3A_576 = arith.constant 0 : i32
        %dma_wait3A_577 = tpu.memref_slice %arg14[%dma_wait3A_575, %dma_wait3A_576] : memref<10016x128xf32, #tpu.memory_space<vmem_shared>> -> memref<10016x128xf32, #tpu.memory_space<vmem_shared>>
        tpu.wait_indirect_dma semaphore(%run_scoped3A_559 : memref<!tpu.dma_semaphore, #tpu.memory_space<semaphore_mem>>) src(%dma_wait3A_571 : memref<64x128xf32, #tpu.memory_space<vmem>>) dst(%dma_wait3A_577 : memref<10016x128xf32, #tpu.memory_space<vmem_shared>>)
        tpu.yield
      }) : () -> ()
      %add3A_530 = arith.constant 4 : i32
      %add3A_531 = arith.addi %add3A_516, %add3A_530 : i32
      %lt3A_532 = arith.constant 160 : i32
      %lt3A_533 = arith.cmpi slt, %add3A_531, %lt3A_532 : i32
      %convert_element_type3A_534 = arith.extui %lt3A_533 : i1 to i32
      %cond3A_535 = arith.constant 0 : i32
      %cond3A_536 = arith.cmpi ne, %convert_element_type3A_534, %cond3A_535 : i32
      scf.if %cond3A_536 {
        %add3A_559 = arith.constant 4 : i32
        %add3A_560 = arith.addi %add3A_516, %add3A_559 : i32
        %shift_right_logical3A_561 = arith.constant 1 : i32
        %shift_right_logical3A_562 = arith.shrui %add3A_560, %shift_right_logical3A_561 : i32
        %and3A_563 = arith.constant 1 : i32
        %and3A_564 = arith.andi %add3A_560, %and3A_563 : i32
        %mul3A_565 = arith.constant 64 : i32
        %mul3A_566 = arith.muli %and3A_564, %mul3A_565 : i32
        %add3A_567 = arith.constant 0 : i32
        %add3A_568 = arith.addi %mul3A_566, %add3A_567 : i32
        %get3A_569 = arith.index_cast %shift_right_logical3A_562 : i32 to index
        %get3A_570 = arith.index_cast %add3A_568 : i32 to index
        %get3A_571 = tpu.vector_load %arg5[%get3A_569, %get3A_570] {strides = array<i32>} : memref<80x128xi32, #tpu.memory_space<vmem>>, vector<1x16xi32>,
        %get3A_572 = vector.shape_cast %get3A_571 : vector<1x16xi32> to vector<16xi32>
        %and3A_573 = arith.constant 65535 : i32
        %and3A_574 = vector.broadcast %and3A_573 : i32 to vector<16xi32>
        %and3A_575 = arith.andi %get3A_572, %and3A_574 : vector<16xi32>
        %swap3A_576 = arith.constant 2 : i32
        %swap3A_577 = arith.index_cast %swap3A_576 : i32 to index
        %swap3A_578 = arith.constant 0 : index
        %swap3A_579 = tpu.vector_load %arg6[%swap3A_577, %swap3A_578] {strides = array<i32>} : memref<4x64xi32, #tpu.memory_space<vmem>>, vector<1x16xi32>,
        %swap3A_580 = vector.shape_cast %swap3A_579 : vector<1x16xi32> to vector<16xi32>
        %swap3A_581 = vector.shape_cast %and3A_575 : vector<16xi32> to vector<1x16xi32>
        tpu.vector_store %arg6[%swap3A_577, %swap3A_578], %swap3A_581 {strides = array<i32>} : memref<4x64xi32, #tpu.memory_space<vmem>>, vector<1x16xi32>,
        %shift_right_logical3A_582 = arith.constant 16 : i32
        %shift_right_logical3A_583 = vector.broadcast %shift_right_logical3A_582 : i32 to vector<16xi32>
        %shift_right_logical3A_584 = arith.shrui %get3A_572, %shift_right_logical3A_583 : vector<16xi32>
        %swap3A_585 = arith.constant 2 : i32
        %swap3A_586 = arith.index_cast %swap3A_585 : i32 to index
        %swap3A_587 = arith.constant 0 : index
        %swap3A_588 = tpu.vector_load %arg7[%swap3A_586, %swap3A_587] {strides = array<i32>} : memref<4x64xi32, #tpu.memory_space<vmem>>, vector<1x16xi32>,
        %swap3A_589 = vector.shape_cast %swap3A_588 : vector<1x16xi32> to vector<16xi32>
        %swap3A_590 = vector.shape_cast %shift_right_logical3A_584 : vector<16xi32> to vector<1x16xi32>
        tpu.vector_store %arg7[%swap3A_586, %swap3A_587], %swap3A_590 {strides = array<i32>} : memref<4x64xi32, #tpu.memory_space<vmem>>, vector<1x16xi32>,
        %add3A_591 = arith.constant 16 : i32
        %add3A_592 = arith.addi %mul3A_566, %add3A_591 : i32
        %get3A_593 = arith.index_cast %shift_right_logical3A_562 : i32 to index
        %get3A_594 = arith.index_cast %add3A_592 : i32 to index
        %get3A_595 = tpu.vector_load %arg5[%get3A_593, %get3A_594] {strides = array<i32>} : memref<80x128xi32, #tpu.memory_space<vmem>>, vector<1x16xi32>,
        %get3A_596 = vector.shape_cast %get3A_595 : vector<1x16xi32> to vector<16xi32>
        %and3A_597 = arith.constant 65535 : i32
        %and3A_598 = vector.broadcast %and3A_597 : i32 to vector<16xi32>
        %and3A_599 = arith.andi %get3A_596, %and3A_598 : vector<16xi32>
        %swap3A_600 = arith.constant 2 : i32
        %swap3A_601 = arith.index_cast %swap3A_600 : i32 to index
        %swap3A_602 = arith.constant 16 : index
        %swap3A_603 = tpu.vector_load %arg6[%swap3A_601, %swap3A_602] {strides = array<i32>} : memref<4x64xi32, #tpu.memory_space<vmem>>, vector<1x16xi32>,
        %swap3A_604 = vector.shape_cast %swap3A_603 : vector<1x16xi32> to vector<16xi32>
        %swap3A_605 = vector.shape_cast %and3A_599 : vector<16xi32> to vector<1x16xi32>
        tpu.vector_store %arg6[%swap3A_601, %swap3A_602], %swap3A_605 {strides = array<i32>} : memref<4x64xi32, #tpu.memory_space<vmem>>, vector<1x16xi32>,
        %shift_right_logical3A_606 = arith.constant 16 : i32
        %shift_right_logical3A_607 = vector.broadcast %shift_right_logical3A_606 : i32 to vector<16xi32>
        %shift_right_logical3A_608 = arith.shrui %get3A_596, %shift_right_logical3A_607 : vector<16xi32>
        %swap3A_609 = arith.constant 2 : i32
        %swap3A_610 = arith.index_cast %swap3A_609 : i32 to index
        %swap3A_611 = arith.constant 16 : index
        %swap3A_612 = tpu.vector_load %arg7[%swap3A_610, %swap3A_611] {strides = array<i32>} : memref<4x64xi32, #tpu.memory_space<vmem>>, vector<1x16xi32>,
        %swap3A_613 = vector.shape_cast %swap3A_612 : vector<1x16xi32> to vector<16xi32>
        %swap3A_614 = vector.shape_cast %shift_right_logical3A_608 : vector<16xi32> to vector<1x16xi32>
        tpu.vector_store %arg7[%swap3A_610, %swap3A_611], %swap3A_614 {strides = array<i32>} : memref<4x64xi32, #tpu.memory_space<vmem>>, vector<1x16xi32>,
        %add3A_615 = arith.constant 32 : i32
        %add3A_616 = arith.addi %mul3A_566, %add3A_615 : i32
        %get3A_617 = arith.index_cast %shift_right_logical3A_562 : i32 to index
        %get3A_618 = arith.index_cast %add3A_616 : i32 to index
        %get3A_619 = tpu.vector_load %arg5[%get3A_617, %get3A_618] {strides = array<i32>} : memref<80x128xi32, #tpu.memory_space<vmem>>, vector<1x16xi32>,
        %get3A_620 = vector.shape_cast %get3A_619 : vector<1x16xi32> to vector<16xi32>
        %and3A_621 = arith.constant 65535 : i32
        %and3A_622 = vector.broadcast %and3A_621 : i32 to vector<16xi32>
        %and3A_623 = arith.andi %get3A_620, %and3A_622 : vector<16xi32>
        %swap3A_624 = arith.constant 2 : i32
        %swap3A_625 = arith.index_cast %swap3A_624 : i32 to index
        %swap3A_626 = arith.constant 32 : index
        %swap3A_627 = tpu.vector_load %arg6[%swap3A_625, %swap3A_626] {strides = array<i32>} : memref<4x64xi32, #tpu.memory_space<vmem>>, vector<1x16xi32>,
        %swap3A_628 = vector.shape_cast %swap3A_627 : vector<1x16xi32> to vector<16xi32>
        %swap3A_629 = vector.shape_cast %and3A_623 : vector<16xi32> to vector<1x16xi32>
        tpu.vector_store %arg6[%swap3A_625, %swap3A_626], %swap3A_629 {strides = array<i32>} : memref<4x64xi32, #tpu.memory_space<vmem>>, vector<1x16xi32>,
        %shift_right_logical3A_630 = arith.constant 16 : i32
        %shift_right_logical3A_631 = vector.broadcast %shift_right_logical3A_630 : i32 to vector<16xi32>
        %shift_right_logical3A_632 = arith.shrui %get3A_620, %shift_right_logical3A_631 : vector<16xi32>
        %swap3A_633 = arith.constant 2 : i32
        %swap3A_634 = arith.index_cast %swap3A_633 : i32 to index
        %swap3A_635 = arith.constant 32 : index
        %swap3A_636 = tpu.vector_load %arg7[%swap3A_634, %swap3A_635] {strides = array<i32>} : memref<4x64xi32, #tpu.memory_space<vmem>>, vector<1x16xi32>,
        %swap3A_637 = vector.shape_cast %swap3A_636 : vector<1x16xi32> to vector<16xi32>
        %swap3A_638 = vector.shape_cast %shift_right_logical3A_632 : vector<16xi32> to vector<1x16xi32>
        tpu.vector_store %arg7[%swap3A_634, %swap3A_635], %swap3A_638 {strides = array<i32>} : memref<4x64xi32, #tpu.memory_space<vmem>>, vector<1x16xi32>,
        %add3A_639 = arith.constant 48 : i32
        %add3A_640 = arith.addi %mul3A_566, %add3A_639 : i32
        %get3A_641 = arith.index_cast %shift_right_logical3A_562 : i32 to index
        %get3A_642 = arith.index_cast %add3A_640 : i32 to index
        %get3A_643 = tpu.vector_load %arg5[%get3A_641, %get3A_642] {strides = array<i32>} : memref<80x128xi32, #tpu.memory_space<vmem>>, vector<1x16xi32>,
        %get3A_644 = vector.shape_cast %get3A_643 : vector<1x16xi32> to vector<16xi32>
        %and3A_645 = arith.constant 65535 : i32
        %and3A_646 = vector.broadcast %and3A_645 : i32 to vector<16xi32>
        %and3A_647 = arith.andi %get3A_644, %and3A_646 : vector<16xi32>
        %swap3A_648 = arith.constant 2 : i32
        %swap3A_649 = arith.index_cast %swap3A_648 : i32 to index
        %swap3A_650 = arith.constant 48 : index
        %swap3A_651 = tpu.vector_load %arg6[%swap3A_649, %swap3A_650] {strides = array<i32>} : memref<4x64xi32, #tpu.memory_space<vmem>>, vector<1x16xi32>,
        %swap3A_652 = vector.shape_cast %swap3A_651 : vector<1x16xi32> to vector<16xi32>
        %swap3A_653 = vector.shape_cast %and3A_647 : vector<16xi32> to vector<1x16xi32>
        tpu.vector_store %arg6[%swap3A_649, %swap3A_650], %swap3A_653 {strides = array<i32>} : memref<4x64xi32, #tpu.memory_space<vmem>>, vector<1x16xi32>,
        %shift_right_logical3A_654 = arith.constant 16 : i32
        %shift_right_logical3A_655 = vector.broadcast %shift_right_logical3A_654 : i32 to vector<16xi32>
        %shift_right_logical3A_656 = arith.shrui %get3A_644, %shift_right_logical3A_655 : vector<16xi32>
        %swap3A_657 = arith.constant 2 : i32
        %swap3A_658 = arith.index_cast %swap3A_657 : i32 to index
        %swap3A_659 = arith.constant 48 : index
        %swap3A_660 = tpu.vector_load %arg7[%swap3A_658, %swap3A_659] {strides = array<i32>} : memref<4x64xi32, #tpu.memory_space<vmem>>, vector<1x16xi32>,
        %swap3A_661 = vector.shape_cast %swap3A_660 : vector<1x16xi32> to vector<16xi32>
        %swap3A_662 = vector.shape_cast %shift_right_logical3A_656 : vector<16xi32> to vector<1x16xi32>
        tpu.vector_store %arg7[%swap3A_658, %swap3A_659], %swap3A_662 {strides = array<i32>} : memref<4x64xi32, #tpu.memory_space<vmem>>, vector<1x16xi32>,
        %dma_start3A_663 = arith.constant 2 : i32
        %dma_start3A_664 = arith.constant 0 : i32
        %dma_start3A_665 = arith.constant 0 : i32
        %dma_start3A_666 = tpu.memref_slice %arg9[%dma_start3A_664, %dma_start3A_665] : memref<128x128xf32, #tpu.memory_space<vmem>> -> memref<64x128xf32, #tpu.memory_space<vmem>>
        %dma_start3A_667 = arith.constant 0 : i32
        %dma_start3A_668 = tpu.memref_slice %arg6[%dma_start3A_663, %dma_start3A_667] : memref<4x64xi32, #tpu.memory_space<vmem>> -> memref<1x64xi32, #tpu.memory_space<vmem>>
        %dma_start3A_669 = tpu.memref_squeeze %dma_start3A_668 : memref<1x64xi32, #tpu.memory_space<vmem>> -> memref<64xi32, #tpu.memory_space<vmem>>
        %dma_start3A_670 = arith.constant 0 : i32
        %dma_start3A_671 = arith.constant 0 : i32
        %dma_start3A_672 = tpu.memref_slice %arg2[%dma_start3A_670, %dma_start3A_671] : memref<10240x128xf32, #tpu.memory_space<hbm>> -> memref<10240x128xf32, #tpu.memory_space<hbm>>
        tpu.enqueue_indirect_dma source(%dma_start3A_672 : memref<10240x128xf32, #tpu.memory_space<hbm>>) target(%dma_start3A_666 : memref<64x128xf32, #tpu.memory_space<vmem>>) offsets(%dma_start3A_669 : memref<64xi32, #tpu.memory_space<vmem>>) semaphore(%arg12 : memref<!tpu.dma_semaphore, #tpu.memory_space<semaphore_mem>>)
      } else {
      }
      %add3A_537 = arith.constant 3 : i32
      %add3A_538 = arith.addi %add3A_475, %add3A_537 : i32
      %dma_wait3A_539 = arith.constant 64 : i32
      %dma_wait3A_540 = arith.constant 0 : i32
      %dma_wait3A_541 = tpu.memref_slice %arg9[%dma_wait3A_539, %dma_wait3A_540] : memref<128x128xf32, #tpu.memory_space<vmem>> -> memref<64x128xf32, #tpu.memory_space<vmem>>
      %dma_wait3A_542 = arith.constant 0 : i32
      %dma_wait3A_543 = arith.constant 0 : i32
      %dma_wait3A_544 = tpu.memref_slice %arg2[%dma_wait3A_542, %dma_wait3A_543] : memref<10240x128xf32, #tpu.memory_space<hbm>> -> memref<64x128xf32, #tpu.memory_space<hbm>>
      %dma_wait3A_545 = arith.constant 64 : i32
      %dma_wait3A_546 = arith.constant 0 : i32
      %dma_wait3A_547 = tpu.memref_slice %arg9[%dma_wait3A_545, %dma_wait3A_546] : memref<128x128xf32, #tpu.memory_space<vmem>> -> memref<64x128xf32, #tpu.memory_space<vmem>>
      %dma_wait3A_548 = arith.constant 0 : i32
      %dma_wait3A_549 = arith.constant 0 : i32
      %dma_wait3A_550 = tpu.memref_slice %arg2[%dma_wait3A_548, %dma_wait3A_549] : memref<10240x128xf32, #tpu.memory_space<hbm>> -> memref<64x128xf32, #tpu.memory_space<hbm>>
      tpu.wait_dma2 semaphore(%arg13 : memref<!tpu.dma_semaphore, #tpu.memory_space<semaphore_mem>>) src(%dma_wait3A_550 : memref<64x128xf32, #tpu.memory_space<hbm>>) dst(%dma_wait3A_547 : memref<64x128xf32, #tpu.memory_space<vmem>>)
      %run_scoped3A_551 = arith.constant 3 : i32
      "tpu.region"() ({
        %run_scoped3A_559 = tpu.sem_alloc : memref<!tpu.dma_semaphore, #tpu.memory_space<semaphore_mem>>
        %dma_start3A_560 = arith.constant 64 : i32
        %dma_start3A_561 = arith.constant 0 : i32
        %dma_start3A_562 = tpu.memref_slice %arg9[%dma_start3A_560, %dma_start3A_561] : memref<128x128xf32, #tpu.memory_space<vmem>> -> memref<64x128xf32, #tpu.memory_space<vmem>>
        %dma_start3A_563 = arith.constant 0 : i32
        %dma_start3A_564 = tpu.memref_slice %arg7[%run_scoped3A_551, %dma_start3A_563] : memref<4x64xi32, #tpu.memory_space<vmem>> -> memref<1x64xi32, #tpu.memory_space<vmem>>
        %dma_start3A_565 = tpu.memref_squeeze %dma_start3A_564 : memref<1x64xi32, #tpu.memory_space<vmem>> -> memref<64xi32, #tpu.memory_space<vmem>>
        %dma_start3A_566 = arith.constant 0 : i32
        %dma_start3A_567 = arith.constant 0 : i32
        %dma_start3A_568 = tpu.memref_slice %arg14[%dma_start3A_566, %dma_start3A_567] : memref<10016x128xf32, #tpu.memory_space<vmem_shared>> -> memref<10016x128xf32, #tpu.memory_space<vmem_shared>>
        tpu.enqueue_indirect_dma source(%dma_start3A_562 : memref<64x128xf32, #tpu.memory_space<vmem>>) target(%dma_start3A_568 : memref<10016x128xf32, #tpu.memory_space<vmem_shared>>) offsets(%dma_start3A_565 : memref<64xi32, #tpu.memory_space<vmem>>) semaphore(%run_scoped3A_559 : memref<!tpu.dma_semaphore, #tpu.memory_space<semaphore_mem>>) {add = true}
        %dma_wait3A_569 = arith.constant 64 : i32
        %dma_wait3A_570 = arith.constant 0 : i32
        %dma_wait3A_571 = tpu.memref_slice %arg9[%dma_wait3A_569, %dma_wait3A_570] : memref<128x128xf32, #tpu.memory_space<vmem>> -> memref<64x128xf32, #tpu.memory_space<vmem>>
        %dma_wait3A_572 = arith.constant 0 : i32
        %dma_wait3A_573 = tpu.memref_slice %arg7[%run_scoped3A_551, %dma_wait3A_572] : memref<4x64xi32, #tpu.memory_space<vmem>> -> memref<1x64xi32, #tpu.memory_space<vmem>>
        %dma_wait3A_574 = tpu.memref_squeeze %dma_wait3A_573 : memref<1x64xi32, #tpu.memory_space<vmem>> -> memref<64xi32, #tpu.memory_space<vmem>>
        %dma_wait3A_575 = arith.constant 0 : i32
        %dma_wait3A_576 = arith.constant 0 : i32
        %dma_wait3A_577 = tpu.memref_slice %arg14[%dma_wait3A_575, %dma_wait3A_576] : memref<10016x128xf32, #tpu.memory_space<vmem_shared>> -> memref<10016x128xf32, #tpu.memory_space<vmem_shared>>
        tpu.wait_indirect_dma semaphore(%run_scoped3A_559 : memref<!tpu.dma_semaphore, #tpu.memory_space<semaphore_mem>>) src(%dma_wait3A_571 : memref<64x128xf32, #tpu.memory_space<vmem>>) dst(%dma_wait3A_577 : memref<10016x128xf32, #tpu.memory_space<vmem_shared>>)
        tpu.yield
      }) : () -> ()
      %add3A_552 = arith.constant 4 : i32
      %add3A_553 = arith.addi %add3A_538, %add3A_552 : i32
      %lt3A_554 = arith.constant 160 : i32
      %lt3A_555 = arith.cmpi slt, %add3A_553, %lt3A_554 : i32
      %convert_element_type3A_556 = arith.extui %lt3A_555 : i1 to i32
      %cond3A_557 = arith.constant 0 : i32
      %cond3A_558 = arith.cmpi ne, %convert_element_type3A_556, %cond3A_557 : i32
      scf.if %cond3A_558 {
        %add3A_559 = arith.constant 4 : i32
        %add3A_560 = arith.addi %add3A_538, %add3A_559 : i32
        %shift_right_logical3A_561 = arith.constant 1 : i32
        %shift_right_logical3A_562 = arith.shrui %add3A_560, %shift_right_logical3A_561 : i32
        %and3A_563 = arith.constant 1 : i32
        %and3A_564 = arith.andi %add3A_560, %and3A_563 : i32
        %mul3A_565 = arith.constant 64 : i32
        %mul3A_566 = arith.muli %and3A_564, %mul3A_565 : i32
        %add3A_567 = arith.constant 0 : i32
        %add3A_568 = arith.addi %mul3A_566, %add3A_567 : i32
        %get3A_569 = arith.index_cast %shift_right_logical3A_562 : i32 to index
        %get3A_570 = arith.index_cast %add3A_568 : i32 to index
        %get3A_571 = tpu.vector_load %arg5[%get3A_569, %get3A_570] {strides = array<i32>} : memref<80x128xi32, #tpu.memory_space<vmem>>, vector<1x16xi32>,
        %get3A_572 = vector.shape_cast %get3A_571 : vector<1x16xi32> to vector<16xi32>
        %and3A_573 = arith.constant 65535 : i32
        %and3A_574 = vector.broadcast %and3A_573 : i32 to vector<16xi32>
        %and3A_575 = arith.andi %get3A_572, %and3A_574 : vector<16xi32>
        %swap3A_576 = arith.constant 3 : i32
        %swap3A_577 = arith.index_cast %swap3A_576 : i32 to index
        %swap3A_578 = arith.constant 0 : index
        %swap3A_579 = tpu.vector_load %arg6[%swap3A_577, %swap3A_578] {strides = array<i32>} : memref<4x64xi32, #tpu.memory_space<vmem>>, vector<1x16xi32>,
        %swap3A_580 = vector.shape_cast %swap3A_579 : vector<1x16xi32> to vector<16xi32>
        %swap3A_581 = vector.shape_cast %and3A_575 : vector<16xi32> to vector<1x16xi32>
        tpu.vector_store %arg6[%swap3A_577, %swap3A_578], %swap3A_581 {strides = array<i32>} : memref<4x64xi32, #tpu.memory_space<vmem>>, vector<1x16xi32>,
        %shift_right_logical3A_582 = arith.constant 16 : i32
        %shift_right_logical3A_583 = vector.broadcast %shift_right_logical3A_582 : i32 to vector<16xi32>
        %shift_right_logical3A_584 = arith.shrui %get3A_572, %shift_right_logical3A_583 : vector<16xi32>
        %swap3A_585 = arith.constant 3 : i32
        %swap3A_586 = arith.index_cast %swap3A_585 : i32 to index
        %swap3A_587 = arith.constant 0 : index
        %swap3A_588 = tpu.vector_load %arg7[%swap3A_586, %swap3A_587] {strides = array<i32>} : memref<4x64xi32, #tpu.memory_space<vmem>>, vector<1x16xi32>,
        %swap3A_589 = vector.shape_cast %swap3A_588 : vector<1x16xi32> to vector<16xi32>
        %swap3A_590 = vector.shape_cast %shift_right_logical3A_584 : vector<16xi32> to vector<1x16xi32>
        tpu.vector_store %arg7[%swap3A_586, %swap3A_587], %swap3A_590 {strides = array<i32>} : memref<4x64xi32, #tpu.memory_space<vmem>>, vector<1x16xi32>,
        %add3A_591 = arith.constant 16 : i32
        %add3A_592 = arith.addi %mul3A_566, %add3A_591 : i32
        %get3A_593 = arith.index_cast %shift_right_logical3A_562 : i32 to index
        %get3A_594 = arith.index_cast %add3A_592 : i32 to index
        %get3A_595 = tpu.vector_load %arg5[%get3A_593, %get3A_594] {strides = array<i32>} : memref<80x128xi32, #tpu.memory_space<vmem>>, vector<1x16xi32>,
        %get3A_596 = vector.shape_cast %get3A_595 : vector<1x16xi32> to vector<16xi32>
        %and3A_597 = arith.constant 65535 : i32
        %and3A_598 = vector.broadcast %and3A_597 : i32 to vector<16xi32>
        %and3A_599 = arith.andi %get3A_596, %and3A_598 : vector<16xi32>
        %swap3A_600 = arith.constant 3 : i32
        %swap3A_601 = arith.index_cast %swap3A_600 : i32 to index
        %swap3A_602 = arith.constant 16 : index
        %swap3A_603 = tpu.vector_load %arg6[%swap3A_601, %swap3A_602] {strides = array<i32>} : memref<4x64xi32, #tpu.memory_space<vmem>>, vector<1x16xi32>,
        %swap3A_604 = vector.shape_cast %swap3A_603 : vector<1x16xi32> to vector<16xi32>
        %swap3A_605 = vector.shape_cast %and3A_599 : vector<16xi32> to vector<1x16xi32>
        tpu.vector_store %arg6[%swap3A_601, %swap3A_602], %swap3A_605 {strides = array<i32>} : memref<4x64xi32, #tpu.memory_space<vmem>>, vector<1x16xi32>,
        %shift_right_logical3A_606 = arith.constant 16 : i32
        %shift_right_logical3A_607 = vector.broadcast %shift_right_logical3A_606 : i32 to vector<16xi32>
        %shift_right_logical3A_608 = arith.shrui %get3A_596, %shift_right_logical3A_607 : vector<16xi32>
        %swap3A_609 = arith.constant 3 : i32
        %swap3A_610 = arith.index_cast %swap3A_609 : i32 to index
        %swap3A_611 = arith.constant 16 : index
        %swap3A_612 = tpu.vector_load %arg7[%swap3A_610, %swap3A_611] {strides = array<i32>} : memref<4x64xi32, #tpu.memory_space<vmem>>, vector<1x16xi32>,
        %swap3A_613 = vector.shape_cast %swap3A_612 : vector<1x16xi32> to vector<16xi32>
        %swap3A_614 = vector.shape_cast %shift_right_logical3A_608 : vector<16xi32> to vector<1x16xi32>
        tpu.vector_store %arg7[%swap3A_610, %swap3A_611], %swap3A_614 {strides = array<i32>} : memref<4x64xi32, #tpu.memory_space<vmem>>, vector<1x16xi32>,
        %add3A_615 = arith.constant 32 : i32
        %add3A_616 = arith.addi %mul3A_566, %add3A_615 : i32
        %get3A_617 = arith.index_cast %shift_right_logical3A_562 : i32 to index
        %get3A_618 = arith.index_cast %add3A_616 : i32 to index
        %get3A_619 = tpu.vector_load %arg5[%get3A_617, %get3A_618] {strides = array<i32>} : memref<80x128xi32, #tpu.memory_space<vmem>>, vector<1x16xi32>,
        %get3A_620 = vector.shape_cast %get3A_619 : vector<1x16xi32> to vector<16xi32>
        %and3A_621 = arith.constant 65535 : i32
        %and3A_622 = vector.broadcast %and3A_621 : i32 to vector<16xi32>
        %and3A_623 = arith.andi %get3A_620, %and3A_622 : vector<16xi32>
        %swap3A_624 = arith.constant 3 : i32
        %swap3A_625 = arith.index_cast %swap3A_624 : i32 to index
        %swap3A_626 = arith.constant 32 : index
        %swap3A_627 = tpu.vector_load %arg6[%swap3A_625, %swap3A_626] {strides = array<i32>} : memref<4x64xi32, #tpu.memory_space<vmem>>, vector<1x16xi32>,
        %swap3A_628 = vector.shape_cast %swap3A_627 : vector<1x16xi32> to vector<16xi32>
        %swap3A_629 = vector.shape_cast %and3A_623 : vector<16xi32> to vector<1x16xi32>
        tpu.vector_store %arg6[%swap3A_625, %swap3A_626], %swap3A_629 {strides = array<i32>} : memref<4x64xi32, #tpu.memory_space<vmem>>, vector<1x16xi32>,
        %shift_right_logical3A_630 = arith.constant 16 : i32
        %shift_right_logical3A_631 = vector.broadcast %shift_right_logical3A_630 : i32 to vector<16xi32>
        %shift_right_logical3A_632 = arith.shrui %get3A_620, %shift_right_logical3A_631 : vector<16xi32>
        %swap3A_633 = arith.constant 3 : i32
        %swap3A_634 = arith.index_cast %swap3A_633 : i32 to index
        %swap3A_635 = arith.constant 32 : index
        %swap3A_636 = tpu.vector_load %arg7[%swap3A_634, %swap3A_635] {strides = array<i32>} : memref<4x64xi32, #tpu.memory_space<vmem>>, vector<1x16xi32>,
        %swap3A_637 = vector.shape_cast %swap3A_636 : vector<1x16xi32> to vector<16xi32>
        %swap3A_638 = vector.shape_cast %shift_right_logical3A_632 : vector<16xi32> to vector<1x16xi32>
        tpu.vector_store %arg7[%swap3A_634, %swap3A_635], %swap3A_638 {strides = array<i32>} : memref<4x64xi32, #tpu.memory_space<vmem>>, vector<1x16xi32>,
        %add3A_639 = arith.constant 48 : i32
        %add3A_640 = arith.addi %mul3A_566, %add3A_639 : i32
        %get3A_641 = arith.index_cast %shift_right_logical3A_562 : i32 to index
        %get3A_642 = arith.index_cast %add3A_640 : i32 to index
        %get3A_643 = tpu.vector_load %arg5[%get3A_641, %get3A_642] {strides = array<i32>} : memref<80x128xi32, #tpu.memory_space<vmem>>, vector<1x16xi32>,
        %get3A_644 = vector.shape_cast %get3A_643 : vector<1x16xi32> to vector<16xi32>
        %and3A_645 = arith.constant 65535 : i32
        %and3A_646 = vector.broadcast %and3A_645 : i32 to vector<16xi32>
        %and3A_647 = arith.andi %get3A_644, %and3A_646 : vector<16xi32>
        %swap3A_648 = arith.constant 3 : i32
        %swap3A_649 = arith.index_cast %swap3A_648 : i32 to index
        %swap3A_650 = arith.constant 48 : index
        %swap3A_651 = tpu.vector_load %arg6[%swap3A_649, %swap3A_650] {strides = array<i32>} : memref<4x64xi32, #tpu.memory_space<vmem>>, vector<1x16xi32>,
        %swap3A_652 = vector.shape_cast %swap3A_651 : vector<1x16xi32> to vector<16xi32>
        %swap3A_653 = vector.shape_cast %and3A_647 : vector<16xi32> to vector<1x16xi32>
        tpu.vector_store %arg6[%swap3A_649, %swap3A_650], %swap3A_653 {strides = array<i32>} : memref<4x64xi32, #tpu.memory_space<vmem>>, vector<1x16xi32>,
        %shift_right_logical3A_654 = arith.constant 16 : i32
        %shift_right_logical3A_655 = vector.broadcast %shift_right_logical3A_654 : i32 to vector<16xi32>
        %shift_right_logical3A_656 = arith.shrui %get3A_644, %shift_right_logical3A_655 : vector<16xi32>
        %swap3A_657 = arith.constant 3 : i32
        %swap3A_658 = arith.index_cast %swap3A_657 : i32 to index
        %swap3A_659 = arith.constant 48 : index
        %swap3A_660 = tpu.vector_load %arg7[%swap3A_658, %swap3A_659] {strides = array<i32>} : memref<4x64xi32, #tpu.memory_space<vmem>>, vector<1x16xi32>,
        %swap3A_661 = vector.shape_cast %swap3A_660 : vector<1x16xi32> to vector<16xi32>
        %swap3A_662 = vector.shape_cast %shift_right_logical3A_656 : vector<16xi32> to vector<1x16xi32>
        tpu.vector_store %arg7[%swap3A_658, %swap3A_659], %swap3A_662 {strides = array<i32>} : memref<4x64xi32, #tpu.memory_space<vmem>>, vector<1x16xi32>,
        %dma_start3A_663 = arith.constant 3 : i32
        %dma_start3A_664 = arith.constant 64 : i32
        %dma_start3A_665 = arith.constant 0 : i32
        %dma_start3A_666 = tpu.memref_slice %arg9[%dma_start3A_664, %dma_start3A_665] : memref<128x128xf32, #tpu.memory_space<vmem>> -> memref<64x128xf32, #tpu.memory_space<vmem>>
        %dma_start3A_667 = arith.constant 0 : i32
        %dma_start3A_668 = tpu.memref_slice %arg6[%dma_start3A_663, %dma_start3A_667] : memref<4x64xi32, #tpu.memory_space<vmem>> -> memref<1x64xi32, #tpu.memory_space<vmem>>
        %dma_start3A_669 = tpu.memref_squeeze %dma_start3A_668 : memref<1x64xi32, #tpu.memory_space<vmem>> -> memref<64xi32, #tpu.memory_space<vmem>>
        %dma_start3A_670 = arith.constant 0 : i32
        %dma_start3A_671 = arith.constant 0 : i32
        %dma_start3A_672 = tpu.memref_slice %arg2[%dma_start3A_670, %dma_start3A_671] : memref<10240x128xf32, #tpu.memory_space<hbm>> -> memref<10240x128xf32, #tpu.memory_space<hbm>>
        tpu.enqueue_indirect_dma source(%dma_start3A_672 : memref<10240x128xf32, #tpu.memory_space<hbm>>) target(%dma_start3A_666 : memref<64x128xf32, #tpu.memory_space<vmem>>) offsets(%dma_start3A_669 : memref<64xi32, #tpu.memory_space<vmem>>) semaphore(%arg13 : memref<!tpu.dma_semaphore, #tpu.memory_space<semaphore_mem>>)
      } else {
      }
    }
    %scan3A_464 = arith.constant 40 : i32
    %barrier3A_465 = arith.constant 0 : index
    tpu.barrier barrier_id(%barrier3A_465)
    %scan3A_466 = arith.constant 0 : i32
    %scan3A_467 = arith.constant 5 : i32
    %scan3A_468 = arith.addi %scan3A_466, %scan3A_467 : i32
    %scan3A_469 = arith.constant 1 : i32
    scf.for %scan3A_471 = %scan3A_466 to %scan3A_468 step %scan3A_469  : i32 {
      %mul3A_472 = arith.constant 1 : i32
      %mul3A_473 = arith.muli %scan3A_471, %mul3A_472 : i32
      %add3A_474 = arith.constant 0 : i32
      %add3A_475 = arith.addi %add3A_474, %mul3A_473 : i32
      %mul3A_476 = arith.constant 16 : i32
      %mul3A_477 = arith.muli %mul3A_476, %add3A_475 : i32
      %add3A_478 = arith.addi %arg1, %mul3A_477 : i32
      %lt3A = arith.constant 79 : i32
      %lt3A_479 = arith.cmpi slt, %add3A_478, %lt3A : i32
      %convert_element_type3A = arith.extui %lt3A_479 : i1 to i32
      %cond3A = arith.constant 0 : i32
      %cond3A_480 = arith.cmpi ne, %convert_element_type3A, %cond3A : i32
      scf.if %cond3A_480 {
        %eq3A = arith.constant 78 : i32
        %eq3A_481 = arith.cmpi eq, %add3A_478, %eq3A : i32
        %mul3A_482 = arith.constant 128 : i32
        %mul3A_483 = arith.muli %add3A_478, %mul3A_482 : i32
        %jit3A = arith.constant 9888 : i32
        %select_n3A = arith.select %eq3A_481, %jit3A, %mul3A_483 : i32
        "tpu.region"() ({
          %run_scoped3A = tpu.sem_alloc : memref<!tpu.dma_semaphore, #tpu.memory_space<semaphore_mem>>
          %dma_start3A_484 = arith.constant 0 : i32
          %dma_start3A_485 = tpu.memref_slice %arg4[%arg0, %select_n3A, %dma_start3A_484] : memref<2x10016x128xf32, #tpu.memory_space<hbm>> -> memref<1x128x128xf32, #tpu.memory_space<hbm>>
          %dma_start3A_486 = tpu.memref_squeeze %dma_start3A_485 : memref<1x128x128xf32, #tpu.memory_space<hbm>> -> memref<128x128xf32, #tpu.memory_space<hbm>>
          %dma_start3A_487 = arith.constant 0 : i32
          %dma_start3A_488 = tpu.memref_slice %arg14[%select_n3A, %dma_start3A_487] : memref<10016x128xf32, #tpu.memory_space<vmem_shared>> -> memref<128x128xf32, #tpu.memory_space<vmem_shared>>
          tpu.enqueue_dma source(%dma_start3A_488 : memref<128x128xf32, #tpu.memory_space<vmem_shared>>) target(%dma_start3A_486 : memref<128x128xf32, #tpu.memory_space<hbm>>) target_semaphore(%run_scoped3A : memref<!tpu.dma_semaphore, #tpu.memory_space<semaphore_mem>>)
          %dma_wait3A = arith.constant 0 : i32
          %dma_wait3A_489 = tpu.memref_slice %arg4[%arg0, %select_n3A, %dma_wait3A] : memref<2x10016x128xf32, #tpu.memory_space<hbm>> -> memref<1x128x128xf32, #tpu.memory_space<hbm>>
          %dma_wait3A_490 = tpu.memref_squeeze %dma_wait3A_489 : memref<1x128x128xf32, #tpu.memory_space<hbm>> -> memref<128x128xf32, #tpu.memory_space<hbm>>
          %dma_wait3A_491 = arith.constant 0 : i32
          %dma_wait3A_492 = tpu.memref_slice %arg14[%select_n3A, %dma_wait3A_491] : memref<10016x128xf32, #tpu.memory_space<vmem_shared>> -> memref<128x128xf32, #tpu.memory_space<vmem_shared>>
          tpu.wait_dma2 semaphore(%run_scoped3A : memref<!tpu.dma_semaphore, #tpu.memory_space<semaphore_mem>>) src(%dma_wait3A_492 : memref<128x128xf32, #tpu.memory_space<vmem_shared>>) dst(%dma_wait3A_490 : memref<128x128xf32, #tpu.memory_space<hbm>>)
          tpu.yield
        }) : () -> ()
      } else {
      }
    }
    %scan3A_470 = arith.constant 5 : i32
    return
  }
}

module attributes {stable_mosaic.version = 14 : i64} {
  func.func @_tc_mm(%arg0: i32, %arg1: memref<1024x128xf32, #tpu.memory_space<vmem>>, %arg2: memref<128x128xf32, #tpu.memory_space<vmem>>, %arg3: memref<1024x128xf32, #tpu.memory_space<vmem>>) attributes {dimension_semantics = [#tpu.dimension_semantics<arbitrary>], iteration_bounds = array<i64: 10>, scalar_prefetch = 0 : i64, scratch_operands = 0 : i64, tpu.core_type = #tpu.core_type<tc>, window_params = [{transform_indices = @transform_0, window_bounds = array<i64: 1024, 128>}, {pipeline_mode = #tpu.pipeline_mode<synchronous>, transform_indices = @transform_1, window_bounds = array<i64: 128, 128>}, {transform_indices = @transform_2, window_bounds = array<i64: 1024, 128>}]} {
    %get3A = arith.constant 0 : index
    %get3A_0 = arith.constant 0 : index
    %get3A_1 = vector.load %arg1[%get3A, %get3A_0] : memref<1024x128xf32, #tpu.memory_space<vmem>>, vector<1024x128xf32>
    %get3A_2 = arith.constant 0 : index
    %get3A_3 = arith.constant 0 : index
    %get3A_4 = vector.load %arg2[%get3A_2, %get3A_3] : memref<128x128xf32, #tpu.memory_space<vmem>>, vector<128x128xf32>
    %dot_general3A = arith.constant dense<0.000000e+00> : vector<1024x128xf32>
    %dot_general3A_5 = tpu.matmul %get3A_1, %get3A_4, %dot_general3A {dimension_numbers = #tpu.dot_dimension_numbers<[1], [0], [0], [1], [0, 0, 1, 1], [], []>, precision = #tpu.contract_precision<fp32>, transpose_lhs_hint = false} : vector<1024x128xf32>, vector<128x128xf32>, vector<1024x128xf32> -> vector<1024x128xf32>
    %swap3A = arith.constant 0 : index
    %swap3A_6 = arith.constant 0 : index
    %swap3A_7 = vector.load %arg3[%swap3A, %swap3A_6] : memref<1024x128xf32, #tpu.memory_space<vmem>>, vector<1024x128xf32>
    tpu.vector_store %arg3[%swap3A, %swap3A_6], %dot_general3A_5 {strides = array<i32>} : memref<1024x128xf32, #tpu.memory_space<vmem>>, vector<1024x128xf32>,
    return
  }
  func.func @transform_0(%arg0: i32) -> (i32, i32) {
    %c0_i32 = arith.constant 0 : i32
    %c0_i32_0 = arith.constant 0 : i32
    return %arg0, %c0_i32 : i32, i32
  }
  func.func @transform_1(%arg0: i32) -> (i32, i32) {
    %c0_i32 = arith.constant 0 : i32
    %c0_i32_0 = arith.constant 0 : i32
    %c0_i32_1 = arith.constant 0 : i32
    return %c0_i32, %c0_i32_0 : i32, i32
  }
  func.func @transform_2(%arg0: i32) -> (i32, i32) {
    %c0_i32 = arith.constant 0 : i32
    %c0_i32_0 = arith.constant 0 : i32
    return %arg0, %c0_i32 : i32, i32
  }
}

module attributes {stable_mosaic.version = 14 : i64} {
  func.func @_tc_scale(%arg0: i32, %arg1: memref<2x1024x1xf32, #tpu.memory_space<vmem>>, %arg2: memref<1024x128xf32, #tpu.memory_space<vmem>>, %arg3: memref<1024x128xf32, #tpu.memory_space<vmem>>) attributes {dimension_semantics = [#tpu.dimension_semantics<arbitrary>], iteration_bounds = array<i64: 10>, scalar_prefetch = 0 : i64, scratch_operands = 0 : i64, tpu.core_type = #tpu.core_type<tc>, window_params = [{transform_indices = @transform_0, window_bounds = array<i64: 2, 1024, 1>}, {transform_indices = @transform_1, window_bounds = array<i64: 1024, 128>}, {transform_indices = @transform_2, window_bounds = array<i64: 1024, 128>}]} {
    %get3A = arith.constant 0 : index
    %get3A_0 = arith.constant 0 : index
    %get3A_1 = arith.constant 0 : index
    %get3A_2 = vector.load %arg1[%get3A, %get3A_0, %get3A_1] : memref<2x1024x1xf32, #tpu.memory_space<vmem>>, vector<1x1024x1xf32>
    %get3A_3 = vector.shape_cast %get3A_2 : vector<1x1024x1xf32> to vector<1024x1xf32>
    %get3A_4 = arith.constant 1 : index
    %get3A_5 = arith.constant 0 : index
    %get3A_6 = arith.constant 0 : index
    %get3A_7 = vector.load %arg1[%get3A_4, %get3A_5, %get3A_6] : memref<2x1024x1xf32, #tpu.memory_space<vmem>>, vector<1x1024x1xf32>
    %get3A_8 = vector.shape_cast %get3A_7 : vector<1x1024x1xf32> to vector<1024x1xf32>
    %add3A = arith.addf %get3A_3, %get3A_8 : vector<1024x1xf32>
    %get3A_9 = arith.constant 0 : index
    %get3A_10 = arith.constant 0 : index
    %get3A_11 = vector.load %arg2[%get3A_9, %get3A_10] : memref<1024x128xf32, #tpu.memory_space<vmem>>, vector<1024x128xf32>
    %rsqrt3A = math.rsqrt %add3A : vector<1024x1xf32>
    %mul3A = vector.broadcast %rsqrt3A : vector<1024x1xf32> to vector<1024x128xf32>
    %mul3A_12 = arith.mulf %get3A_11, %mul3A : vector<1024x128xf32>
    %swap3A = arith.constant 0 : index
    %swap3A_13 = arith.constant 0 : index
    %swap3A_14 = vector.load %arg3[%swap3A, %swap3A_13] : memref<1024x128xf32, #tpu.memory_space<vmem>>, vector<1024x128xf32>
    tpu.vector_store %arg3[%swap3A, %swap3A_13], %mul3A_12 {strides = array<i32>} : memref<1024x128xf32, #tpu.memory_space<vmem>>, vector<1024x128xf32>,
    return
  }
  func.func @transform_0(%arg0: i32) -> (i32, i32, i32) {
    %c0_i32 = arith.constant 0 : i32
    %c0_i32_0 = arith.constant 0 : i32
    %c0_i32_1 = arith.constant 0 : i32
    return %c0_i32, %arg0, %c0_i32_0 : i32, i32, i32
  }
  func.func @transform_1(%arg0: i32) -> (i32, i32) {
    %c0_i32 = arith.constant 0 : i32
    %c0_i32_0 = arith.constant 0 : i32
    return %arg0, %c0_i32 : i32, i32
  }
  func.func @transform_2(%arg0: i32) -> (i32, i32) {
    %c0_i32 = arith.constant 0 : i32
    %c0_i32_0 = arith.constant 0 : i32
    return %arg0, %c0_i32 : i32, i32
  }
}

module attributes {stable_mosaic.version = 14 : i64} {
  func.func @_tc_final(%arg0: i32, %arg1: memref<2x2504x1xf32, #tpu.memory_space<vmem>>, %arg2: memref<2x2504x128xf32, #tpu.memory_space<vmem>>, %arg3: memref<2504x128xf32, #tpu.memory_space<vmem>>) attributes {dimension_semantics = [#tpu.dimension_semantics<arbitrary>], iteration_bounds = array<i64: 4>, scalar_prefetch = 0 : i64, scratch_operands = 0 : i64, tpu.core_type = #tpu.core_type<tc>, window_params = [{transform_indices = @transform_0, window_bounds = array<i64: 2, 2504, 1>}, {transform_indices = @transform_1, window_bounds = array<i64: 2, 2504, 128>}, {transform_indices = @transform_2, window_bounds = array<i64: 2504, 128>}]} {
    %get3A = arith.constant 0 : index
    %get3A_0 = arith.constant 0 : index
    %get3A_1 = arith.constant 0 : index
    %get3A_2 = vector.load %arg1[%get3A, %get3A_0, %get3A_1] : memref<2x2504x1xf32, #tpu.memory_space<vmem>>, vector<1x2504x1xf32>
    %get3A_3 = vector.shape_cast %get3A_2 : vector<1x2504x1xf32> to vector<2504x1xf32>
    %get3A_4 = arith.constant 1 : index
    %get3A_5 = arith.constant 0 : index
    %get3A_6 = arith.constant 0 : index
    %get3A_7 = vector.load %arg1[%get3A_4, %get3A_5, %get3A_6] : memref<2x2504x1xf32, #tpu.memory_space<vmem>>, vector<1x2504x1xf32>
    %get3A_8 = vector.shape_cast %get3A_7 : vector<1x2504x1xf32> to vector<2504x1xf32>
    %add3A = arith.addf %get3A_3, %get3A_8 : vector<2504x1xf32>
    %get3A_9 = arith.constant 0 : index
    %get3A_10 = arith.constant 0 : index
    %get3A_11 = arith.constant 0 : index
    %get3A_12 = vector.load %arg2[%get3A_9, %get3A_10, %get3A_11] : memref<2x2504x128xf32, #tpu.memory_space<vmem>>, vector<1x2504x128xf32>
    %get3A_13 = vector.shape_cast %get3A_12 : vector<1x2504x128xf32> to vector<2504x128xf32>
    %get3A_14 = arith.constant 1 : index
    %get3A_15 = arith.constant 0 : index
    %get3A_16 = arith.constant 0 : index
    %get3A_17 = vector.load %arg2[%get3A_14, %get3A_15, %get3A_16] : memref<2x2504x128xf32, #tpu.memory_space<vmem>>, vector<1x2504x128xf32>
    %get3A_18 = vector.shape_cast %get3A_17 : vector<1x2504x128xf32> to vector<2504x128xf32>
    %add3A_19 = arith.addf %get3A_13, %get3A_18 : vector<2504x128xf32>
    %rsqrt3A = math.rsqrt %add3A : vector<2504x1xf32>
    %mul3A = vector.broadcast %rsqrt3A : vector<2504x1xf32> to vector<2504x128xf32>
    %mul3A_20 = arith.mulf %add3A_19, %mul3A : vector<2504x128xf32>
    %swap3A = arith.constant 0 : index
    %swap3A_21 = arith.constant 0 : index
    %swap3A_22 = vector.load %arg3[%swap3A, %swap3A_21] : memref<2504x128xf32, #tpu.memory_space<vmem>>, vector<2504x128xf32>
    tpu.vector_store %arg3[%swap3A, %swap3A_21], %mul3A_20 {strides = array<i32>} : memref<2504x128xf32, #tpu.memory_space<vmem>>, vector<2504x128xf32>,
    return
  }
  func.func @transform_0(%arg0: i32) -> (i32, i32, i32) {
    %c0_i32 = arith.constant 0 : i32
    %c0_i32_0 = arith.constant 0 : i32
    %c0_i32_1 = arith.constant 0 : i32
    return %c0_i32, %arg0, %c0_i32_0 : i32, i32, i32
  }
  func.func @transform_1(%arg0: i32) -> (i32, i32, i32) {
    %c0_i32 = arith.constant 0 : i32
    %c0_i32_0 = arith.constant 0 : i32
    %c0_i32_1 = arith.constant 0 : i32
    return %c0_i32, %arg0, %c0_i32_0 : i32, i32, i32
  }
  func.func @transform_2(%arg0: i32) -> (i32, i32) {
    %c0_i32 = arith.constant 0 : i32
    %c0_i32_0 = arith.constant 0 : i32
    return %arg0, %c0_i32 : i32, i32
  }
}

</mosaic_0001>

<sc_bundles>
// kernel: kernel.10.cloned.1.call-start
scs
__scs_entry_jumppad:
0x0: {  	(pc) =	sbr.rel $0x88, $3  }
0x1: {  	(tag) =	ssettag $0x0;
	lr =	simm.s32 $0x1  }
0x2: {  	[smem:$0x3F9E] =	sst lr;
	_ =	strace $0xD0000000  }
0x3: {  	_ = 	snop  }
0x4: {  	_ = 	snop  }
0x5: {  	_ = 	snop  }
0x6: {  	_ = 	snop  }
0x7: {  	_ = 	snop  }
__scs_overlays_trampoline_lowered:
0x8: {  	[smem:$0x3FAD] =	sst s0  }
0x9: {  	[smem:$0x3FAE] =	sst s1  }
0xa: {  	[smem:$0x3FAF] =	sst s2  }
0xb: {  	[smem:$0x3FB0] =	sst s3  }
0xc: {  	[smem:$0x3FB1] =	sst s4  }
0xd: {  	[smem:$0x3FB2] =	sst s5  }
0xe: {  	[smem:$0x3FB3] =	sst s6  }
0xf: {  	[smem:$0x3FB4] =	sst s7  }
0x10: {  	[smem:$0x3FB5] =	sst s8  }
0x11: {  	[smem:$0x3FB6] =	sst s9;
	s0 =	simm.s32 @!p0 $0x0  }
0x12: {  	s1 =	sld [smem:$0x3F9C];
	s0 =	simm.s32 @p0 $0x1  }
0x13: {  	[smem:$0x3FB7] =	sst s0;
	s0 =	simm.s32 @!p1 $0x0  }
0x14: {  	s2 =	sld [smem:$0x3F9B];
	s0 =	simm.s32 @p1 $0x1  }
0x15: {  	[smem:$0x3FB8] =	sst s0;
	s0 =	simm.s32 @!p2 $0x0  }
0x16: {  	s3 =	sld [smem:$0x3FDB];
	s0 =	simm.s32 @p2 $0x1  }
0x17: {  	s4 =	simm.s32 $0x1BF5;
	[smem:$0x3FBA] =	sst s0  }
0x18: {  	s0 =	sld [smem:$0x3F9D];
	_ =	swait.ge [sflag:s4], $0x0  }
0x19: {  	s7 =	sld [smem:$0x3F9E]  }
0x1a: {  	s8 =	sadd.s32 $0xFFFFE003, lr  }
0x1b: {  	s9 =	sadd.s32 $0xFFFFFEF7, lr;
	s5 =	simm.s32 $0xFFFFFFFF;
	p2 =	slt.u32 s8, $0xFFFFF086  }
0x1c: {  	p1 =	slt.u32 s9, $0xF7A;
	s5 =	simm.s32 @!p2 $0x0  }
0x1d: {  	s5 =	simm.s32 @p1 $0x1;
	p0 =	seq.s32 s7, s2  }
0x1e: {  	s7 =	smul.u32 @!p0 $0xF7A, s2;
	p2 =	seq.s32 @!p0 s5, $0x0  }
0x1f: {  	s9 =	smul.u32 $0xF7A, s1;
	s8 =	simm.s32 @!p0 $0x1BF5;
	p2 =	por !p2, p0  }
0x20: {  	[sflag:s8] =	ssyncset.s32 @!p0 $0xFFFFF086;
	s6 =	sadd.s32 @!p0 s3, s7;
	s7 =	simm.s32 @!p0 $0x108  }
0x21: {  	s3 =	sadd.s32 s3, s9;
	s6 =	sadd.s32 @!p0 $0x88, s6;
	s7 =	simm.s32 @p2 $0x1082  }
0x22: {  	[simem:s7], [sflag:s8] =	dma.local @!p0 [hbm:s6], $0xF7A  }
0x23: {  	s9 =	sor.u32 $0xD0000000, s2;
	s6 =	simm.s32 $0x108;
	_ =	swait.ge @!p0 [sflag:s8], $0x0  }
0x24: {  	s3 =	sadd.s32 $0x88, s3;
	s6 =	simm.s32 @!p1 $0x1082;
	[sflag:s4] =	ssyncset.s32 $0xFFFFF086  }
0x25: {  	[simem:s6], [sflag:s4] =	dma.local [hbm:s3], $0xF7A  }
0x26: {  	[smem:$0x3F9E] =	sst s1;
	(tag) =	ssettag s2;
	_ =	strace s9  }
0x27: {  	s1 =	sld [smem:$0x3FAE]  }
0x28: {  	s2 =	sld [smem:$0x3FAF]  }
0x29: {  	s4 =	sld [smem:$0x3FB1]  }
0x2a: {  	p0 =	seq.s32 s5, $0x0;
	s5 =	sld [smem:$0x3FB2]  }
0x2b: {  	s6 =	sld [smem:$0x3FB3]  }
0x2c: {  	s7 =	sld [smem:$0x3FB4]  }
0x2d: {  	s3 =	simm.s32 $0x108;
	s8 =	sld [smem:$0x3FB5]  }
0x2e: {  	s3 =	simm.s32 @!p0 $0x1082;
	s9 =	sld [smem:$0x3FB6]  }
0x2f: {  	lr =	sadd.s32 s0, s3;
	s0 =	sld [smem:$0x3FAD]  }
0x30: {  	s3 =	sld [smem:$0x3FB0]  }
0x31: {  	[smem:$0x3FB9] =	sst s10  }
0x32: {  	s10 =	sld [smem:$0x3FB7];
	_ =	sdelay $0x3  }
0x33: {  	p0 =	seq.s32 s10, $0x1;
	s10 =	sld [smem:$0x3FB9];
	_ =	sdelay $0x3  }
0x34: {  	[smem:$0x3FB9] =	sst s10  }
0x35: {  	s10 =	sld [smem:$0x3FB8];
	_ =	sdelay $0x3  }
0x36: {  	p1 =	seq.s32 s10, $0x1;
	s10 =	sld [smem:$0x3FB9];
	_ =	sdelay $0x3  }
0x37: {  	[smem:$0x3FB9] =	sst s10  }
0x38: {  	s10 =	sld [smem:$0x3FBA]  }
0x39: {  	_ = 	snop;
	(pc) =	sbr.ind lr, $3  }
0x3a: {  	_ = 	snop  }
0x3b: {  	_ = 	snop  }
0x3c: {  	p2 =	seq.s32 s10, $0x1;
	s10 =	sld [smem:$0x3FB9]  }
0x3d: {  	_ =	shalt  }
0x3e: {  	_ =	shalt  }
0x3f: {  	_ =	shalt  }
0x40: {  	_ =	shalt  }
0x41: {  	_ =	shalt  }
0x42: {  	_ =	shalt  }
0x43: {  	_ =	shalt  }
0x44: {  	_ =	shalt  }
0x45: {  	_ =	shalt  }
0x46: {  	_ =	shalt  }
0x47: {  	_ =	shalt  }
0x48: {  	_ =	shalt  }
0x49: {  	_ =	shalt  }
0x4a: {  	_ =	shalt  }
0x4b: {  	_ =	shalt  }
0x4c: {  	_ =	shalt  }
0x4d: {  	_ =	shalt  }
0x4e: {  	_ =	shalt  }
0x4f: {  	_ =	shalt  }
0x50: {  	_ =	shalt  }
0x51: {  	_ =	shalt  }
0x52: {  	_ =	shalt  }
0x53: {  	_ =	shalt  }
0x54: {  	_ =	shalt  }
0x55: {  	_ =	shalt  }
0x56: {  	_ =	shalt  }
0x57: {  	_ =	shalt  }
0x58: {  	_ =	shalt  }
0x59: {  	_ =	shalt  }
0x5a: {  	_ =	shalt  }
0x5b: {  	_ =	shalt  }
0x5c: {  	_ =	shalt  }
0x5d: {  	_ =	shalt  }
0x5e: {  	_ =	shalt  }
0x5f: {  	_ =	shalt  }
0x60: {  	_ =	shalt  }
0x61: {  	_ =	shalt  }
0x62: {  	_ =	shalt  }
0x63: {  	_ =	shalt  }
0x64: {  	_ =	shalt  }
0x65: {  	_ =	shalt  }
0x66: {  	_ =	shalt  }
0x67: {  	_ =	shalt  }
0x68: {  	_ =	shalt  }
0x69: {  	_ =	shalt  }
0x6a: {  	_ =	shalt  }
0x6b: {  	_ =	shalt  }
0x6c: {  	_ =	shalt  }
0x6d: {  	_ =	shalt  }
0x6e: {  	_ =	shalt  }
0x6f: {  	_ =	shalt  }
0x70: {  	_ =	shalt  }
0x71: {  	_ =	shalt  }
0x72: {  	_ =	shalt  }
0x73: {  	_ =	shalt  }
0x74: {  	_ =	shalt  }
0x75: {  	_ =	shalt  }
0x76: {  	_ =	shalt  }
0x77: {  	_ =	shalt  }
0x78: {  	_ =	shalt  }
0x79: {  	_ =	shalt  }
0x7a: {  	_ =	shalt  }
0x7b: {  	_ =	shalt  }
0x7c: {  	_ =	shalt  }
0x7d: {  	_ =	shalt  }
0x7e: {  	_ =	shalt  }
0x7f: {  	_ =	shalt  }
0x80: {  	_ =	shalt  }
0x81: {  	_ =	shalt  }
0x82: {  	_ =	shalt  }
0x83: {  	_ =	shalt  }
0x84: {  	_ =	shalt  }
0x85: {  	_ =	shalt  }
0x86: {  	_ =	shalt  }
0x87: {  	_ =	shalt  }
.Lfunc_end0:
.L_simem_size_0:
called_computation.1_lowered:
.L_overlay_start_0:
0x88: {  	s2 =	sld [smem:$0x3FD9]  }
0x89: {  	s3 =	sld [smem:$0x3FFE];
	_ =	sdelay $0x1  }
0x8a: {  	s1 =	srdreg.scid  }
0x8b: {  	s0 =	sand.u32 $0x1, s1  }
0x8c: {  	s17 =	sshll.u32 s0, $0xA;
	s2 =	sadd.s32 s3, s2  }
0x8d: {  	s2 =	sadd.s32 s2, s17  }
0x8e: {  	[smem:$0x3FC5] =	sst s2  }
0x8f: {  	_ = 	snop  }
0x90: {  	s2 =	sld [smem:$0x3FD0];
	(tm) =	ssettm $0x1  }
0x91: {  	s18 =	sld [smem:$0x3FFB];
	_ =	sdelay $0x3  }
0x92: {  	_ =	strace s18  }
0x93: {  	s3 =	sld [smem:$0x3FFC];
	_ =	sdelay $0x3  }
0x94: {  	_ =	strace s3  }
0x95: {  	s3 =	sld [smem:$0x3FFD];
	_ =	sdelay $0x3  }
0x96: {  	_ =	strace s3  }
0x97: {  	_ =	strace $0x8FFFFFFF  }
0x98: {  	s19 =	sld [smem:$0x3FDB];
	_ =	sdelay $0x1  }
0x99: {  	s4 =	simm.s32 $_scs_section_size  }
0x9a: {  	s5 =	simm.s32 $_size__tile_overlayer_lowered;
	s6 =	simm.s32 $_tile_overlayer_lowered  }
0x9b: {  	s22 =	simm.s32 $0x1BFF;
	s21 =	sshll.u32 s6, $0x1;
	s3 =	sadd.s32 s4, s19  }
0x9c: {  	s7 =	simm.s32 $0x0;
	s20 =	sshll.u32 s5, $0x1;
	s5 =	sadd.s32 s21, s3  }
0x9d: {  	[timem:s7], [sflag:s22] =	dma.local [hbm:s5], s20  }
0x9e: {  	_ =	swait.ge [sflag:s22], s20  }
0x9f: {  	s4 =	ssub.s32 $0x0, s20;
	[sflag:s22] =	ssyncset.done $0x0  }
0xa0: {  	[sflag:s22] =	ssyncadd.s32 s4;
	_ =	sdelay $0x1  }
0xa1: {  	s23 =	simm.s32 $0x1B8B  }
0xa2: {  	_ =	swait.ge [sflag:s23], $0x1  }
0xa3: {  	[sflag:s23] =	ssyncset.done $0x0  }
0xa4: {  	s25 =	simm.s32 $0x1B8E;
	s24 =	sld [smem:$0x3FFE];
	[sflag:s23] =	ssyncadd.s32 $0xFFFFFFFF  }
0xa5: {  	s26 =	simm.s32 $execute0_lowered;
	[smem:$0x3FD2] =	sst s25  }
0xa6: {  	s5 =	sshll.u32 s26, $0x1;
	_ =	strace $0x80000049;
	[dreg:$0x1] =	wrdreg $0xFFFFFFFF  }
0xa7: {  	s28 =	simm.s32 $_size_execute0_lowered;
	s3 =	sadd.s32 s3, s5;
	[dreg:$0x0] =	wrdreg $0x0  }
0xa8: {  	s5 =	sshll.u32 s28, $0x1;
	[dreg:$0x2] =	wrdreg s3  }
0xa9: {  	[dreg:$0x3] =	wrdreg s5  }
0xaa: {  	[dreg:$0x4] =	wrdreg $0xC0  }
0xab: {  	_ =	task [dreg:s7], $0x5FFFF  }
0xac: {  	[dreg:$0x1] =	wrdreg $0xFFFFFFFF  }
0xad: {  	[dreg:$0x0] =	wrdreg $0x60  }
0xae: {  	[dreg:$0x2] =	wrdreg s24  }
0xaf: {  	[dreg:$0x3] =	wrdreg s2  }
0xb0: {  	[dreg:$0x4] =	wrdreg $0xAC000  }
0xb1: {  	[dreg:$0x5] =	wrdreg $0x9  }
0xb2: {  	_ =	task.clear_ibuf [dreg:s7], $0x6FFFF;
	_ =	strace $0x90000049  }
0xb3: {  	s29 =	simm.s32 $0x9;
	_ =	strace $0x8000004B  }
0xb4: {  	_ =	swait.ge [sflag:s29], $0x1  }
0xb5: {  	[sflag:s29] =	ssyncadd.s32 $0xFFFFFFFF  }
0xb6: {  	_ =	strace $0x9000004B  }
0xb7: {  	_ =	sfence  }
0xb8: {  	s30 =	sld [smem:$0x0];
	_ =	sdelay $0x2  }
0xb9: {  	s31 =	sshll.u32 s1, $0xD;
	s1 =	sshrl.u32 s1, $0x2  }
0xba: {  	s3 =	sand.u32 $0x4000, s31;
	s1 =	sadd.s32 s1, s30  }
0xbb: {  	s0 =	sor.u32 s3, s0;
	s1 =	sshll.u32 s1, $0x11  }
0xbc: {  	s0 =	sor.u32 s1, s0  }
0xbd: {  	s0 =	sadd.s32 $0x8F2B, s0  }
0xbe: {  	[sflag:s0] =	ssyncadd.remote.s32 $0x1  }
0xbf: {  	_ =	sfence.sel $0xFFFF  }
0xc0: {  	[dreg:$0x0] =	wrdreg $0xFFFFFFFF;
	(pc) =	sbr.abs _section_cstart, $3  }
0xc1: {  	[dreg:$0x1] =	wrdreg $0xFFFFFFFF  }
0xc2: {  	_ =	task.clear_ibuf [dreg:s7], $0x2FFFF;
	_ =	strace $0x9FFFFFFF  }
0xc3: {  	(tm) =	ssettm $0x7FFFFFFF  }
tec
execute0_lowered:
.L_overlay_start_1:
0x0: {  	(tag) =	ssettag $0x1  }
0x1: {  	s0 =	rddreg [dreg:$0x0]  }
0x2: {  	s1 =	rddreg [dreg:$0x1]  }
0x3: {  	s2 =	rddreg [dreg:$0x2]  }
0x4: {  	s3 =	srdreg.scid;
	s18 =	stileid.u32  }
0x5: {  	s4 =	simm.s32 $0x0;
	s19 =	simm.s32 $0x40;
	s28 =	simm.s32 $0x8C00  }
0x6: {  	s29 =	simm.s32 $0x1;
	s30 =	simm.s32 $0x2A00;
	s31 =	simm.s32 $0x3  }
0x7: {  	s3 =	sand.u32 $0x1, s3;
	s5 =	smul.u32 $0x5000, s18;
	[smem:$0x7FF] =	sst s4  }
0x8: {  	s4 =	sadd.s32 $0x1800, s0;
	s0 =	sadd.s32 $0x29800, s0;
	s22 =	sshll.u32 s18, $0xE  }
0x9: {  	s13 =	sor.u32 $0x40, s18;
	p0 =	seq.s32 s18, $0xE;
	s6 =	smul.u32 $0x2800, s3  }
0xa: {  	_ =	strace $0x8000004A;
	s7 =	ssub.s32 $0x2, s3;
	s21 =	smul.u32 $0x139000, s3  }
0xb: {  	s12 =	sor.u32 $0x40000, s22;
	s14 =	sor.u32 $0x80000, s22;
	s15 =	sor.u32 $0xC0000, s22  }
0xc: {  	s11 =	sshll.u32 s13, $0xE;
	s17 =	sshll.u32 s13, $0x7;
	s8 =	sshrl.u32 s7, $0x1  }
0xd: {  	s9 =	sadd.s32 s14, s2;
	s10 =	sadd.s32 s15, s2;
	s11 =	simm.s32 @p0 $0x135000  }
0xe: {  	s17 =	simm.s32 @p0 $0x26A0;
	p0 =	seq.s32 s18, $0xF;
	s18 =	simm.s32 $0x5  }
0xf: {  	s5 =	sadd.s32 s6, s5;
	s20 =	ssub.s32 s7, s8;
	s7 =	sadd.s32 s22, s2  }
0x10: {  	s8 =	sadd.s32 s12, s2;
	s24 =	sadd.s32 s11, s2;
	s3 =	sadd.s32 s21, s22  }
0x11: {  	s12 =	sadd.s32 s21, s12;
	s25 =	sadd.s32 s21, s14;
	s26 =	sadd.s32 s21, s15  }
0x12: {  	s17 =	sshll.u32 s17, $0x7;
	s5 =	sshrl.u32 s5, $0x3;
	s23 =	smax.u32 s20, $0x1  }
0x13: {  	[dreg:$0x6] =	wrdreg s24;
	s3 =	sshrl.u32 s3, $0x3;
	s16 =	sshrl.u32 s12, $0x3  }
0x14: {  	s15 =	sshrl.u32 s26, $0x3;
	s24 =	simm.s32 $0x6C00;
	s26 =	simm.s32 $0x2980  }
0x15: {  	s20 =	simm.s32 $0x2B80;
	s1 =	sadd.s32 s1, s5;
	[dreg:$0x5] =	wrdreg s23  }
0x16: {  	s3 =	sadd.s32 s0, s3;
	s13 =	sadd.s32 s0, s16;
	s15 =	sadd.s32 s0, s15  }
.Ltmp0:
0x17: {  	s23 =	simm.s32 $0x2900;
	[dreg:$0x4] =	wrdreg s1;
	(pc) =	sbr.rel .LBB2_1-.Ltmp0, $4  }
0x18: {  	[dreg:$0x7] =	wrdreg s3;
	s3 =	sshrl.u32 s25, $0x3;
	s1 =	sadd.s32 s21, s17  }
0x19: {  	s21 =	simm.s32 $0x0;
	s14 =	sadd.s32 s0, s3;
	s1 =	sshrl.u32 s1, $0x3  }
0x1a: {  	s3 =	simm.s32 $0x4;
	s16 =	sadd.s32 s0, s1;
	s0 =	sadd.s32 s17, s2  }
0x1b: {  	v0 =	vimm.f32 $0.0e+00;
	s17 =	simm.s32 $0x2C00;
	s25 =	sshrl.u32 @!p0 s0, $0x3;
	s0 =	simm.s32 $0x2B00  }
.LBB2_6:
0x1c: {  	_ =	swait.ge [sflag:s3], $0x2000  }
0x1d: {  	[sflag:s3] =	ssyncset.done $0x0  }
0x1e: {  	[sflag:s3] =	ssyncadd.s32 $0xFFFFE000  }
0x1f: {  	[spmem:s2] =	stream.indirect.scatter.add.f32 [tilespmem:s28], [sflag:$0x5], $0x80, s20, s19, $0xb8;
	[tilespmem:$0x1E500] =	vst v63  }
0x20: {  	_ =	swait.ge [sflag:s18], $0x2000  }
0x21: {  	[sflag:s18] =	ssyncset.done $0x0  }
0x22: {  	s1 =	stileid.u32;
	[sflag:s18] =	ssyncadd.s32 $0xFFFFE000  }
0x23: {  	s1 =	sshll.u32 s1, $0x6;
	[bflag:$0x0] =	sbarrier.arrive $0xFFFF  }
0x24: {  	s5 =	sshrl.u32 s7, $0x3;
	s1 =	sor.u32 $0x1C05, s1;
	s6 =	rddreg [dreg:$0x7]  }
0x25: {  	[hbm:s6], [sflag:s1] =	dma.local [spmem:s5], $0x800  }
0x26: {  	_ =	swait.ge [sflag:s18], $0x800  }
0x27: {  	[sflag:s18] =	ssyncset.done $0x0  }
0x28: {  	s6 =	sshrl.u32 s8, $0x3;
	[sflag:s18] =	ssyncadd.s32 $0xFFFFF800  }
0x29: {  	[hbm:s13], [sflag:s1] =	dma.local [spmem:s6], $0x800  }
0x2a: {  	_ =	swait.ge [sflag:s18], $0x800  }
0x2b: {  	[sflag:s18] =	ssyncset.done $0x0  }
0x2c: {  	s11 =	sshrl.u32 s9, $0x3;
	[sflag:s18] =	ssyncadd.s32 $0xFFFFF800  }
0x2d: {  	[hbm:s14], [sflag:s1] =	dma.local [spmem:s11], $0x800  }
0x2e: {  	_ =	swait.ge [sflag:s18], $0x800  }
0x2f: {  	[sflag:s18] =	ssyncset.done $0x0  }
0x30: {  	s12 =	sshrl.u32 s10, $0x3;
	[sflag:s18] =	ssyncadd.s32 $0xFFFFF800  }
0x31: {  	[hbm:s15], [sflag:s1] =	dma.local [spmem:s12], $0x800  }
0x32: {  	_ =	swait.ge [sflag:s18], $0x800  }
0x33: {  	[sflag:s18] =	ssyncset.done $0x0  }
0x34: {  	[sflag:s18] =	ssyncadd.s32 $0xFFFFF800  }
0x35: {  	[hbm:s16], [sflag:s1] =	dma.local @!p0 [spmem:s25], $0x800  }
0x36: {  	s1 =	simm.s32 @!p0 $0x5  }
0x37: {  	_ =	swait.ge @!p0 [sflag:s1], $0x800  }
0x38: {  	s21 =	sadd.s32 $0x1, s21;
	s22 =	rddreg [dreg:$0x5]  }
0x39: {  	p1 =	sne.s32 s21, s22  }
.Ltmp1:
0x3a: {  	_ = 	snop;
	(pc) =	sbr.rel @!p1 .LBB2_7-.Ltmp1, $3  }
0x3b: {  	_ =	sdelay $0x1  }
0x3c: {  	[sflag:s1] =	ssyncset.done @!p0 $0x0  }
0x3d: {  	[sflag:s1] =	ssyncadd.s32 @!p0 $0xFFFFF800  }
.LBB2_1:
0x3e: {  	s1 =	simm.s32 $0x0;
	s22 =	simm.s32 $0x200  }
.LBB2_2:
0x3f: {  	p1 =	sne.s32 s22, $0xFE00;
	[tilespmem:s1+$0x2C70] =	vst v0  }
0x40: {  	[tilespmem:s1+$0x2C00] =	vst v0  }
0x41: {  	[tilespmem:s1+$0x2C10] =	vst v0  }
.Ltmp2:
0x42: {  	[tilespmem:s1+$0x2C20] =	vst v0;
	(pc) =	sbr.rel @p1 .LBB2_2-.Ltmp2, $4  }
0x43: {  	[tilespmem:s1+$0x2C30] =	vst v0  }
0x44: {  	[tilespmem:s1+$0x2C40] =	vst v0  }
0x45: {  	[tilespmem:s1+$0x2C50] =	vst v0  }
0x46: {  	[tilespmem:s1+$0x2C60] =	vst v0;
	s1 =	sshra.s32 s22, $0x2;
	s22 =	sadd.s32 $0x200, s22  }
0x47: {  	[tilespmem:s1+$0x2C70] =	vst v0  }
0x48: {  	[tilespmem:s1+$0x2C00] =	vst v0  }
0x49: {  	[tilespmem:s1+$0x2C10] =	vst v0  }
0x4a: {  	[tilespmem:s1+$0x2C20] =	vst v0  }
0x4b: {  	[tilespmem:s1+$0x2C30] =	vst v0  }
0x4c: {  	[tilespmem:s1+$0x2C40] =	vst v0  }
0x4d: {  	[tilespmem:s1+$0x2C50] =	vst v0  }
0x4e: {  	[tilespmem:s1+$0x2C60] =	vst v0  }
0x4f: {  	[spmem:s7] =	stream.linear.scatter [tilespmem:s17], [sflag:$0x5], $0x4000, $0x38;
	[tilespmem:$0x1E500] =	vst v63  }
0x50: {  	_ =	swait.ge [sflag:s18], $0x4000  }
0x51: {  	[sflag:s18] =	ssyncset.done $0x0  }
0x52: {  	[sflag:s18] =	ssyncadd.s32 $0xFFFFC000  }
0x53: {  	[spmem:s8] =	stream.linear.scatter [tilespmem:s17], [sflag:$0x5], $0x4000, $0x38;
	[tilespmem:$0x1E500] =	vst v63  }
0x54: {  	_ =	swait.ge [sflag:s18], $0x4000  }
0x55: {  	[sflag:s18] =	ssyncset.done $0x0  }
0x56: {  	[sflag:s18] =	ssyncadd.s32 $0xFFFFC000  }
0x57: {  	[spmem:s9] =	stream.linear.scatter [tilespmem:s17], [sflag:$0x5], $0x4000, $0x38;
	[tilespmem:$0x1E500] =	vst v63  }
0x58: {  	_ =	swait.ge [sflag:s18], $0x4000  }
0x59: {  	[sflag:s18] =	ssyncset.done $0x0  }
0x5a: {  	[sflag:s18] =	ssyncadd.s32 $0xFFFFC000  }
0x5b: {  	[spmem:s10] =	stream.linear.scatter [tilespmem:s17], [sflag:$0x5], $0x4000, $0x38;
	[tilespmem:$0x1E500] =	vst v63  }
0x5c: {  	_ =	swait.ge [sflag:s18], $0x4000  }
0x5d: {  	[sflag:s18] =	ssyncset.done $0x0  }
0x5e: {  	s1 =	simm.s32 @!p0 $0x2C00;
	s5 =	rddreg [dreg:$0x6];
	[sflag:s18] =	ssyncadd.s32 $0xFFFFC000  }
0x5f: {  	[spmem:s5] =	stream.linear.scatter @!p0 [tilespmem:s1], [sflag:$0x5], $0x4000, $0x38;
	[tilespmem:$0x1E500] =	vst v63  }
0x60: {  	s1 =	simm.s32 @!p0 $0x5  }
0x61: {  	_ =	swait.ge @!p0 [sflag:s1], $0x4000  }
0x62: {  	[sflag:s1] =	ssyncset.done @!p0 $0x0  }
0x63: {  	s5 =	simm.s32 $0x0;
	s6 =	rddreg [dreg:$0x4];
	[sflag:s1] =	ssyncadd.s32 @!p0 $0xFFFFC000  }
0x64: {  	[tilespmem:s5], [sflag:$0x5] =	stream.linear.gather [hbm4b:s6+s5], $0x2800, $0x38;
	[tilespmem:$0x1E500] =	vst v63  }
0x65: {  	_ =	swait.ge [sflag:s18], $0x2800  }
0x66: {  	[sflag:s18] =	ssyncset.done $0x0  }
0x67: {  	[sflag:s18] =	ssyncadd.s32 $0xFFFFD800  }
0x68: {  	[bflag:$0x0] =	sbarrier.arrive $0xFFFF  }
0x69: {  	v1 =	vld [tilespmem:$0x0];
	_ =	sdelay $0x1  }
0x6a: {  	v2 =	vld [tilespmem:$0x10];
	_ =	sdelay $0x1  }
0x6b: {  	v3 =	vld [tilespmem:$0x20]  }
0x6c: {  	v4 =	vand.u32 $0xFFFF, v1  }
0x6d: {  	v57 =	vld [tilespmem:$0x30];
	v1 =	vshrl.u32 v1, $0x10;
	[tilespmem:$0x2800] =	vst v4  }
0x6e: {  	[tilespmem:$0x2A00] =	vst v1;
	v1 =	vand.u32 $0xFFFF, v2  }
0x6f: {  	[tilespmem:$0x2810] =	vst v1;
	v1 =	vshrl.u32 v2, $0x10  }
0x70: {  	[tilespmem:$0x2A10] =	vst v1;
	v1 =	vand.u32 $0xFFFF, v3  }
0x71: {  	[tilespmem:$0x2820] =	vst v1;
	v1 =	vshrl.u32 v3, $0x10  }
0x72: {  	[tilespmem:$0x2A20] =	vst v1;
	v1 =	vand.u32 $0xFFFF, v57  }
0x73: {  	[tilespmem:$0x2830] =	vst v1;
	v1 =	vshrl.u32 v57, $0x10  }
0x74: {  	s11 =	simm.s32 $0x2800;
	[tilespmem:$0x2A30] =	vst v1  }
0x75: {  	[tilespmem:s17], [sflag:$0x1] =	stream.indirect.gather [hbm4b:s4+s19], $0x80, s11, s19, $0xb8;
	[tilespmem:$0x1E500] =	vst v63  }
0x76: {  	v1 =	vld [tilespmem:$0x40];
	_ =	sdelay $0x1  }
0x77: {  	v2 =	vld [tilespmem:$0x50];
	_ =	sdelay $0x1  }
0x78: {  	v3 =	vld [tilespmem:$0x60]  }
0x79: {  	v58 =	vand.u32 $0xFFFF, v1  }
0x7a: {  	v59 =	vld [tilespmem:$0x70];
	v1 =	vshrl.u32 v1, $0x10;
	[tilespmem:$0x2880] =	vst v58  }
0x7b: {  	[tilespmem:$0x2A80] =	vst v1;
	v1 =	vand.u32 $0xFFFF, v2  }
0x7c: {  	[tilespmem:$0x2890] =	vst v1;
	v1 =	vshrl.u32 v2, $0x10  }
0x7d: {  	[tilespmem:$0x2A90] =	vst v1;
	v1 =	vand.u32 $0xFFFF, v3  }
0x7e: {  	[tilespmem:$0x28A0] =	vst v1;
	v1 =	vshrl.u32 v3, $0x10  }
0x7f: {  	[tilespmem:$0x2AA0] =	vst v1;
	v1 =	vand.u32 $0xFFFF, v59  }
0x80: {  	[tilespmem:$0x28B0] =	vst v1;
	v1 =	vshrl.u32 v59, $0x10  }
0x81: {  	s12 =	simm.s32 $0x2880;
	s22 =	simm.s32 $0x4C00;
	[tilespmem:$0x2AB0] =	vst v1  }
0x82: {  	[tilespmem:s22], [sflag:$0x2] =	stream.indirect.gather [hbm4b:s4+s19], $0x80, s12, s19, $0xb8;
	[tilespmem:$0x1E500] =	vst v63  }
0x83: {  	v1 =	vld [tilespmem:$0x80];
	_ =	sdelay $0x1  }
0x84: {  	v2 =	vld [tilespmem:$0x90];
	_ =	sdelay $0x1  }
0x85: {  	v3 =	vld [tilespmem:$0xA0]  }
0x86: {  	v60 =	vand.u32 $0xFFFF, v1  }
0x87: {  	v61 =	vld [tilespmem:$0xB0];
	v1 =	vshrl.u32 v1, $0x10;
	[tilespmem:$0x2900] =	vst v60  }
0x88: {  	[tilespmem:$0x2B00] =	vst v1;
	v1 =	vand.u32 $0xFFFF, v2  }
0x89: {  	[tilespmem:$0x2910] =	vst v1;
	v1 =	vshrl.u32 v2, $0x10  }
0x8a: {  	[tilespmem:$0x2B10] =	vst v1;
	v1 =	vand.u32 $0xFFFF, v3  }
0x8b: {  	[tilespmem:$0x2920] =	vst v1;
	v1 =	vshrl.u32 v3, $0x10  }
0x8c: {  	[tilespmem:$0x2B20] =	vst v1;
	v1 =	vand.u32 $0xFFFF, v61  }
0x8d: {  	[tilespmem:$0x2930] =	vst v1;
	v1 =	vshrl.u32 v61, $0x10  }
0x8e: {  	[tilespmem:$0x2B30] =	vst v1  }
0x8f: {  	[tilespmem:s24], [sflag:$0x3] =	stream.indirect.gather [hbm4b:s4+s19], $0x80, s23, s19, $0xb8;
	[tilespmem:$0x1E500] =	vst v63  }
0x90: {  	v1 =	vld [tilespmem:$0xC0];
	_ =	sdelay $0x1  }
0x91: {  	v2 =	vld [tilespmem:$0xD0];
	_ =	sdelay $0x1  }
0x92: {  	v3 =	vld [tilespmem:$0xE0]  }
0x93: {  	v62 =	vand.u32 $0xFFFF, v1  }
0x94: {  	v63 =	vld [tilespmem:$0xF0];
	v1 =	vshrl.u32 v1, $0x10;
	[tilespmem:$0x2980] =	vst v62  }
0x95: {  	[tilespmem:$0x2B80] =	vst v1;
	v1 =	vand.u32 $0xFFFF, v2  }
0x96: {  	[tilespmem:$0x2990] =	vst v1;
	v1 =	vshrl.u32 v2, $0x10  }
0x97: {  	[tilespmem:$0x2B90] =	vst v1;
	v1 =	vand.u32 $0xFFFF, v3  }
0x98: {  	[tilespmem:$0x29A0] =	vst v1;
	v1 =	vshrl.u32 v3, $0x10  }
0x99: {  	[tilespmem:$0x2BA0] =	vst v1;
	v1 =	vand.u32 $0xFFFF, v63  }
0x9a: {  	[tilespmem:$0x29B0] =	vst v1;
	v1 =	vshrl.u32 v63, $0x10  }
0x9b: {  	s1 =	simm.s32 $0x1C0;
	s22 =	simm.s32 $0x1C0;
	[tilespmem:$0x2BB0] =	vst v1  }
0x9c: {  	[tilespmem:s28], [sflag:$0x4] =	stream.indirect.gather [hbm4b:s4+s19], $0x80, s26, s19, $0xb8;
	[tilespmem:$0x1E500] =	vst v63  }
.LBB2_4:
0x9d: {  	_ =	swait.ge [sflag:s29], $0x2000  }
0x9e: {  	[sflag:s29] =	ssyncset.done $0x0  }
0x9f: {  	[sflag:s29] =	ssyncadd.s32 $0xFFFFE000  }
0xa0: {  	[spmem:s2] =	stream.indirect.scatter.add.f32 [tilespmem:s17], [sflag:$0x5], $0x80, s30, s19, $0xb8;
	[tilespmem:$0x1E500] =	vst v63  }
0xa1: {  	_ =	swait.ge [sflag:s18], $0x2000  }
0xa2: {  	p1 =	seq.s32 s1, $0x28C0;
	[sflag:s18] =	ssyncset.done $0x0  }
0xa3: {  	s5 =	simm.s32 @p1 $0x2;
	[sflag:s18] =	ssyncadd.s32 $0xFFFFE000  }
0xa4: {  	_ =	swait.ge @p1 [sflag:s5], $0x2000  }
0xa5: {  	s6 =	simm.s32 @p1 $0x2A80;
	[sflag:s5] =	ssyncset.done @p1 $0x0  }
0xa6: {  	s11 =	simm.s32 @p1 $0x4C00;
	[sflag:s5] =	ssyncadd.s32 @p1 $0xFFFFE000;
	s5 =	simm.s32 @p1 $0x40  }
0xa7: {  	[spmem:s2] =	stream.indirect.scatter.add.f32 @p1 [tilespmem:s11], [sflag:$0x5], $0x80, s6, s5, $0xb8;
	[tilespmem:$0x1E500] =	vst v63  }
0xa8: {  	s5 =	simm.s32 @p1 $0x5  }
0xa9: {  	_ =	swait.ge @p1 [sflag:s5], $0x2000  }
0xaa: {  	[sflag:s5] =	ssyncset.done @p1 $0x0  }
0xab: {  	[sflag:s5] =	ssyncadd.s32 @p1 $0xFFFFE000  }
0xac: {  	v1 =	vld @!p1 [tilespmem:s22+$0xFFFFFF40];
	_ =	sdelay $0x4  }
0xad: {  	v2 =	vand.u32 @!p1 $0xFFFF, v1  }
0xae: {  	v1 =	vshrl.u32 @!p1 v1, $0x10;
	[tilespmem:$0x2800] =	vst @!p1 v2  }
0xaf: {  	[tilespmem:$0x2A00] =	vst @!p1 v1  }
0xb0: {  	v1 =	vld @!p1 [tilespmem:s22+$0xFFFFFF50];
	_ =	sdelay $0x4  }
0xb1: {  	v2 =	vand.u32 @!p1 $0xFFFF, v1  }
0xb2: {  	v1 =	vshrl.u32 @!p1 v1, $0x10;
	[tilespmem:$0x2810] =	vst @!p1 v2  }
0xb3: {  	[tilespmem:$0x2A10] =	vst @!p1 v1  }
0xb4: {  	v1 =	vld @!p1 [tilespmem:s22+$0xFFFFFF60];
	_ =	sdelay $0x4  }
0xb5: {  	v2 =	vand.u32 @!p1 $0xFFFF, v1  }
0xb6: {  	v1 =	vshrl.u32 @!p1 v1, $0x10;
	[tilespmem:$0x2820] =	vst @!p1 v2  }
0xb7: {  	[tilespmem:$0x2A20] =	vst @!p1 v1  }
0xb8: {  	v1 =	vld @!p1 [tilespmem:s22+$0xFFFFFF70];
	_ =	sdelay $0x4  }
0xb9: {  	v2 =	vand.u32 @!p1 $0xFFFF, v1  }
0xba: {  	v1 =	vshrl.u32 @!p1 v1, $0x10;
	[tilespmem:$0x2830] =	vst @!p1 v2  }
0xbb: {  	s6 =	simm.s32 @!p1 $0x2800;
	s11 =	simm.s32 @!p1 $0x2C00;
	s5 =	simm.s32 @!p1 $0x40;
	[tilespmem:$0x2A30] =	vst @!p1 v1  }
0xbc: {  	[tilespmem:s11], [sflag:$0x1] =	stream.indirect.gather @!p1 [hbm4b:s4+s5], $0x80, s6, s5, $0xb8;
	[tilespmem:$0x1E500] =	vst v63  }
0xbd: {  	s6 =	simm.s32 @!p1 $0x2  }
0xbe: {  	_ =	swait.ge @!p1 [sflag:s6], $0x2000  }
0xbf: {  	[sflag:s6] =	ssyncset.done @!p1 $0x0  }
0xc0: {  	s11 =	simm.s32 @!p1 $0x4C00;
	[sflag:s6] =	ssyncadd.s32 @!p1 $0xFFFFE000;
	s6 =	simm.s32 @!p1 $0x2A80  }
0xc1: {  	[spmem:s2] =	stream.indirect.scatter.add.f32 @!p1 [tilespmem:s11], [sflag:$0x5], $0x80, s6, s5, $0xb8;
	[tilespmem:$0x1E500] =	vst v63  }
0xc2: {  	s6 =	simm.s32 @!p1 $0x5  }
0xc3: {  	_ =	swait.ge @!p1 [sflag:s6], $0x2000  }
0xc4: {  	[sflag:s6] =	ssyncset.done @!p1 $0x0  }
0xc5: {  	[sflag:s6] =	ssyncadd.s32 @!p1 $0xFFFFE000  }
0xc6: {  	v1 =	vld @!p1 [tilespmem:s22+$0xFFFFFF80];
	_ =	sdelay $0x4  }
0xc7: {  	v2 =	vand.u32 @!p1 $0xFFFF, v1  }
0xc8: {  	s6 =	sadd.s32 @!p1 $0xFFFFFF80, s1;
	v1 =	vshrl.u32 @!p1 v1, $0x10;
	[tilespmem:$0x2880] =	vst @!p1 v2  }
0xc9: {  	s12 =	sor.u32 @!p1 $0x50, s6;
	[tilespmem:$0x2A80] =	vst @!p1 v1  }
0xca: {  	v1 =	vld @!p1 [tilespmem:s12+$0x0];
	_ =	sdelay $0x4  }
0xcb: {  	v2 =	vand.u32 @!p1 $0xFFFF, v1  }
0xcc: {  	v1 =	vshrl.u32 @!p1 v1, $0x10;
	[tilespmem:$0x2890] =	vst @!p1 v2  }
0xcd: {  	s12 =	sor.u32 @!p1 $0x60, s6;
	[tilespmem:$0x2A90] =	vst @!p1 v1  }
0xce: {  	v1 =	vld @!p1 [tilespmem:s12+$0x0];
	_ =	sdelay $0x4  }
0xcf: {  	v2 =	vand.u32 @!p1 $0xFFFF, v1  }
0xd0: {  	v1 =	vshrl.u32 @!p1 v1, $0x10;
	[tilespmem:$0x28A0] =	vst @!p1 v2  }
0xd1: {  	s6 =	sor.u32 @!p1 $0x70, s6;
	[tilespmem:$0x2AA0] =	vst @!p1 v1  }
0xd2: {  	v1 =	vld @!p1 [tilespmem:s6+$0x0];
	_ =	sdelay $0x4  }
0xd3: {  	v2 =	vand.u32 @!p1 $0xFFFF, v1  }
0xd4: {  	v1 =	vshrl.u32 @!p1 v1, $0x10;
	[tilespmem:$0x28B0] =	vst @!p1 v2  }
0xd5: {  	s6 =	simm.s32 @!p1 $0x2880;
	[tilespmem:$0x2AB0] =	vst @!p1 v1  }
0xd6: {  	[tilespmem:s11], [sflag:$0x2] =	stream.indirect.gather @!p1 [hbm4b:s4+s5], $0x80, s6, s5, $0xb8;
	[tilespmem:$0x1E500] =	vst v63  }
0xd7: {  	_ =	swait.ge [sflag:s31], $0x2000  }
0xd8: {  	[sflag:s31] =	ssyncset.done $0x0  }
.Ltmp3:
0xd9: {  	[sflag:s31] =	ssyncadd.s32 $0xFFFFE000;
	(pc) =	sbr.rel @p1 .LBB2_6-.Ltmp3, $4  }
0xda: {  	[spmem:s2] =	stream.indirect.scatter.add.f32 [tilespmem:s24], [sflag:$0x5], $0x80, s0, s19, $0xb8;
	[tilespmem:$0x1E500] =	vst v63  }
0xdb: {  	_ =	swait.ge [sflag:s18], $0x2000  }
0xdc: {  	[sflag:s18] =	ssyncset.done $0x0  }
0xdd: {  	[sflag:s18] =	ssyncadd.s32 $0xFFFFE000  }
0xde: {  	v1 =	vld [tilespmem:s22+$0xFFFFFFC0];
	_ =	sdelay $0x4  }
0xdf: {  	v2 =	vand.u32 $0xFFFF, v1  }
0xe0: {  	v1 =	vshrl.u32 v1, $0x10;
	[tilespmem:$0x2900] =	vst v2  }
0xe1: {  	[tilespmem:$0x2B00] =	vst v1  }
0xe2: {  	v1 =	vld [tilespmem:s22+$0xFFFFFFD0];
	_ =	sdelay $0x4  }
0xe3: {  	v2 =	vand.u32 $0xFFFF, v1  }
0xe4: {  	v1 =	vshrl.u32 v1, $0x10;
	[tilespmem:$0x2910] =	vst v2  }
0xe5: {  	[tilespmem:$0x2B10] =	vst v1  }
0xe6: {  	v1 =	vld [tilespmem:s22+$0xFFFFFFE0];
	_ =	sdelay $0x4  }
0xe7: {  	v2 =	vand.u32 $0xFFFF, v1  }
0xe8: {  	v1 =	vshrl.u32 v1, $0x10;
	[tilespmem:$0x2920] =	vst v2  }
0xe9: {  	[tilespmem:$0x2B20] =	vst v1  }
0xea: {  	v1 =	vld [tilespmem:s22+$0xFFFFFFF0];
	_ =	sdelay $0x4  }
0xeb: {  	v2 =	vand.u32 $0xFFFF, v1  }
0xec: {  	v1 =	vshrl.u32 v1, $0x10;
	[tilespmem:$0x2930] =	vst v2  }
0xed: {  	[tilespmem:$0x2B30] =	vst v1  }
0xee: {  	[tilespmem:s24], [sflag:$0x3] =	stream.indirect.gather [hbm4b:s4+s19], $0x80, s23, s19, $0xb8;
	[tilespmem:$0x1E500] =	vst v63  }
0xef: {  	_ =	swait.ge [sflag:s3], $0x2000  }
0xf0: {  	[sflag:s3] =	ssyncset.done $0x0  }
0xf1: {  	[sflag:s3] =	ssyncadd.s32 $0xFFFFE000  }
0xf2: {  	[spmem:s2] =	stream.indirect.scatter.add.f32 [tilespmem:s28], [sflag:$0x5], $0x80, s20, s19, $0xb8;
	[tilespmem:$0x1E500] =	vst v63  }
0xf3: {  	_ =	swait.ge [sflag:s18], $0x2000  }
0xf4: {  	[sflag:s18] =	ssyncset.done $0x0  }
0xf5: {  	[sflag:s18] =	ssyncadd.s32 $0xFFFFE000  }
0xf6: {  	v1 =	vld [tilespmem:s22+$0x0];
	_ =	sdelay $0x4  }
0xf7: {  	v2 =	vand.u32 $0xFFFF, v1  }
0xf8: {  	v1 =	vshrl.u32 v1, $0x10;
	[tilespmem:$0x2980] =	vst v2  }
0xf9: {  	s5 =	sor.u32 $0x50, s1;
	[tilespmem:$0x2B80] =	vst v1  }
0xfa: {  	v1 =	vld [tilespmem:s5+$0x0];
	_ =	sdelay $0x4  }
0xfb: {  	v2 =	vand.u32 $0xFFFF, v1  }
0xfc: {  	v1 =	vshrl.u32 v1, $0x10;
	[tilespmem:$0x2990] =	vst v2  }
0xfd: {  	s11 =	sor.u32 $0x60, s1;
	[tilespmem:$0x2B90] =	vst v1  }
0xfe: {  	v1 =	vld [tilespmem:s11+$0x0];
	_ =	sdelay $0x4  }
0xff: {  	v2 =	vand.u32 $0xFFFF, v1  }
0x100: {  	v1 =	vshrl.u32 v1, $0x10;
	[tilespmem:$0x29A0] =	vst v2  }
0x101: {  	s12 =	sor.u32 $0x70, s1;
	[tilespmem:$0x2BA0] =	vst v1  }
0x102: {  	v1 =	vld [tilespmem:s12+$0x0];
	_ =	sdelay $0x3  }
.Ltmp4:
0x103: {  	_ = 	snop;
	(pc) =	sbr.rel .LBB2_4-.Ltmp4, $4  }
0x104: {  	v2 =	vand.u32 $0xFFFF, v1  }
0x105: {  	v1 =	vshrl.u32 v1, $0x10;
	[tilespmem:$0x29B0] =	vst v2  }
0x106: {  	s1 =	sadd.s32 $0x100, s1;
	s22 =	sadd.s32 $0x100, s22;
	[tilespmem:$0x2BB0] =	vst v1  }
0x107: {  	[tilespmem:s28], [sflag:$0x4] =	stream.indirect.gather [hbm4b:s4+s19], $0x80, s26, s19, $0xb8;
	[tilespmem:$0x1E500] =	vst v63  }
.LBB2_7:
0x108: {  	_ =	sfence.sel $0x180000  }
0x109: {  	[bflag:$0x0] =	sbarrier.arrive $0xFFFF  }
0x10a: {  	_ =	strace $0x9000004A  }
0x10b: {  	s0 =	stileid.u32;
	[bflag:$0x2] =	sbarrier.arrive $0xFFFF  }
0x10c: {  	p0 =	sne.s32 s0, $0x0;
	s0 =	rddreg [dreg:$0x3]  }
0x10d: {  	s0 =	sadd.s32 @!p0 $0x100000, s0  }
0x10e: {  	[sflag:s0] =	ssyncadd.tile.s32 @!p0 $0x1;
	_ =	shalt  }
.Lfunc_end2:
_tile_overlayer_lowered:
.L_overlay_start_2:
0x10f: {  	(tag) =	ssettag $0x2  }
0x110: {  	s0 =	rddreg [dreg:$0x0];
	s2 =	stileid.u32  }
0x111: {  	s1 =	rddreg [dreg:$0x1];
	p0 =	sne.s32 s2, $0x0  }
0x112: {  	s3 =	rddreg [dreg:$0x2];
	[bflag:$0x3] =	sbarrier.arrive $0xFFFF;
	s2 =	simm.s32 @!p0 $0x1C05  }
0x113: {  	[timem:s3], [sflag:s2] =	dma.local @!p0 [hbm:s0], s1  }
0x114: {  	s0 =	simm.s32 @!p0 $0x5  }
0x115: {  	_ =	swait.ge @!p0 [sflag:s0], s1  }
0x116: {  	s1 =	ssub.s32 @!p0 $0x0, s1;
	[sflag:s0] =	ssyncset.done @!p0 $0x0  }
0x117: {  	[sflag:s0] =	ssyncadd.s32 @!p0 s1  }
0x118: {  	[bflag:$0x3] =	sbarrier.arrive $0xFFFF  }
0x119: {  	_ =	shalt  }

// kernel: kernel.7.cloned.1.call-start
scs
__scs_entry_jumppad:
0x0: {  	(pc) =	sbr.rel $0x88, $3  }
0x1: {  	(tag) =	ssettag $0x0;
	lr =	simm.s32 $0x1  }
0x2: {  	[smem:$0x3F9E] =	sst lr;
	_ =	strace $0xD0000000  }
0x3: {  	_ = 	snop  }
0x4: {  	_ = 	snop  }
0x5: {  	_ = 	snop  }
0x6: {  	_ = 	snop  }
0x7: {  	_ = 	snop  }
__scs_overlays_trampoline_lowered:
0x8: {  	[smem:$0x3FAD] =	sst s0  }
0x9: {  	[smem:$0x3FAE] =	sst s1  }
0xa: {  	[smem:$0x3FAF] =	sst s2  }
0xb: {  	[smem:$0x3FB0] =	sst s3  }
0xc: {  	[smem:$0x3FB1] =	sst s4  }
0xd: {  	[smem:$0x3FB2] =	sst s5  }
0xe: {  	[smem:$0x3FB3] =	sst s6  }
0xf: {  	[smem:$0x3FB4] =	sst s7  }
0x10: {  	[smem:$0x3FB5] =	sst s8  }
0x11: {  	[smem:$0x3FB6] =	sst s9;
	s0 =	simm.s32 @!p0 $0x0  }
0x12: {  	s1 =	sld [smem:$0x3F9C];
	s0 =	simm.s32 @p0 $0x1  }
0x13: {  	[smem:$0x3FB7] =	sst s0;
	s0 =	simm.s32 @!p1 $0x0  }
0x14: {  	s2 =	sld [smem:$0x3F9B];
	s0 =	simm.s32 @p1 $0x1  }
0x15: {  	[smem:$0x3FB8] =	sst s0;
	s0 =	simm.s32 @!p2 $0x0  }
0x16: {  	s3 =	sld [smem:$0x3FDB];
	s0 =	simm.s32 @p2 $0x1  }
0x17: {  	s4 =	simm.s32 $0x1BF5;
	[smem:$0x3FBA] =	sst s0  }
0x18: {  	s0 =	sld [smem:$0x3F9D];
	_ =	swait.ge [sflag:s4], $0x0  }
0x19: {  	s7 =	sld [smem:$0x3F9E]  }
0x1a: {  	s8 =	sadd.s32 $0xFFFFE003, lr  }
0x1b: {  	s9 =	sadd.s32 $0xFFFFFEF7, lr;
	s5 =	simm.s32 $0xFFFFFFFF;
	p2 =	slt.u32 s8, $0xFFFFF086  }
0x1c: {  	p1 =	slt.u32 s9, $0xF7A;
	s5 =	simm.s32 @!p2 $0x0  }
0x1d: {  	s5 =	simm.s32 @p1 $0x1;
	p0 =	seq.s32 s7, s2  }
0x1e: {  	s7 =	smul.u32 @!p0 $0xF7A, s2;
	p2 =	seq.s32 @!p0 s5, $0x0  }
0x1f: {  	s9 =	smul.u32 $0xF7A, s1;
	s8 =	simm.s32 @!p0 $0x1BF5;
	p2 =	por !p2, p0  }
0x20: {  	[sflag:s8] =	ssyncset.s32 @!p0 $0xFFFFF086;
	s6 =	sadd.s32 @!p0 s3, s7;
	s7 =	simm.s32 @!p0 $0x108  }
0x21: {  	s3 =	sadd.s32 s3, s9;
	s6 =	sadd.s32 @!p0 $0x88, s6;
	s7 =	simm.s32 @p2 $0x1082  }
0x22: {  	[simem:s7], [sflag:s8] =	dma.local @!p0 [hbm:s6], $0xF7A  }
0x23: {  	s9 =	sor.u32 $0xD0000000, s2;
	s6 =	simm.s32 $0x108;
	_ =	swait.ge @!p0 [sflag:s8], $0x0  }
0x24: {  	s3 =	sadd.s32 $0x88, s3;
	s6 =	simm.s32 @!p1 $0x1082;
	[sflag:s4] =	ssyncset.s32 $0xFFFFF086  }
0x25: {  	[simem:s6], [sflag:s4] =	dma.local [hbm:s3], $0xF7A  }
0x26: {  	[smem:$0x3F9E] =	sst s1;
	(tag) =	ssettag s2;
	_ =	strace s9  }
0x27: {  	s1 =	sld [smem:$0x3FAE]  }
0x28: {  	s2 =	sld [smem:$0x3FAF]  }
0x29: {  	s4 =	sld [smem:$0x3FB1]  }
0x2a: {  	p0 =	seq.s32 s5, $0x0;
	s5 =	sld [smem:$0x3FB2]  }
0x2b: {  	s6 =	sld [smem:$0x3FB3]  }
0x2c: {  	s7 =	sld [smem:$0x3FB4]  }
0x2d: {  	s3 =	simm.s32 $0x108;
	s8 =	sld [smem:$0x3FB5]  }
0x2e: {  	s3 =	simm.s32 @!p0 $0x1082;
	s9 =	sld [smem:$0x3FB6]  }
0x2f: {  	lr =	sadd.s32 s0, s3;
	s0 =	sld [smem:$0x3FAD]  }
0x30: {  	s3 =	sld [smem:$0x3FB0]  }
0x31: {  	[smem:$0x3FB9] =	sst s10  }
0x32: {  	s10 =	sld [smem:$0x3FB7];
	_ =	sdelay $0x3  }
0x33: {  	p0 =	seq.s32 s10, $0x1;
	s10 =	sld [smem:$0x3FB9];
	_ =	sdelay $0x3  }
0x34: {  	[smem:$0x3FB9] =	sst s10  }
0x35: {  	s10 =	sld [smem:$0x3FB8];
	_ =	sdelay $0x3  }
0x36: {  	p1 =	seq.s32 s10, $0x1;
	s10 =	sld [smem:$0x3FB9];
	_ =	sdelay $0x3  }
0x37: {  	[smem:$0x3FB9] =	sst s10  }
0x38: {  	s10 =	sld [smem:$0x3FBA]  }
0x39: {  	_ = 	snop;
	(pc) =	sbr.ind lr, $3  }
0x3a: {  	_ = 	snop  }
0x3b: {  	_ = 	snop  }
0x3c: {  	p2 =	seq.s32 s10, $0x1;
	s10 =	sld [smem:$0x3FB9]  }
0x3d: {  	_ =	shalt  }
0x3e: {  	_ =	shalt  }
0x3f: {  	_ =	shalt  }
0x40: {  	_ =	shalt  }
0x41: {  	_ =	shalt  }
0x42: {  	_ =	shalt  }
0x43: {  	_ =	shalt  }
0x44: {  	_ =	shalt  }
0x45: {  	_ =	shalt  }
0x46: {  	_ =	shalt  }
0x47: {  	_ =	shalt  }
0x48: {  	_ =	shalt  }
0x49: {  	_ =	shalt  }
0x4a: {  	_ =	shalt  }
0x4b: {  	_ =	shalt  }
0x4c: {  	_ =	shalt  }
0x4d: {  	_ =	shalt  }
0x4e: {  	_ =	shalt  }
0x4f: {  	_ =	shalt  }
0x50: {  	_ =	shalt  }
0x51: {  	_ =	shalt  }
0x52: {  	_ =	shalt  }
0x53: {  	_ =	shalt  }
0x54: {  	_ =	shalt  }
0x55: {  	_ =	shalt  }
0x56: {  	_ =	shalt  }
0x57: {  	_ =	shalt  }
0x58: {  	_ =	shalt  }
0x59: {  	_ =	shalt  }
0x5a: {  	_ =	shalt  }
0x5b: {  	_ =	shalt  }
0x5c: {  	_ =	shalt  }
0x5d: {  	_ =	shalt  }
0x5e: {  	_ =	shalt  }
0x5f: {  	_ =	shalt  }
0x60: {  	_ =	shalt  }
0x61: {  	_ =	shalt  }
0x62: {  	_ =	shalt  }
0x63: {  	_ =	shalt  }
0x64: {  	_ =	shalt  }
0x65: {  	_ =	shalt  }
0x66: {  	_ =	shalt  }
0x67: {  	_ =	shalt  }
0x68: {  	_ =	shalt  }
0x69: {  	_ =	shalt  }
0x6a: {  	_ =	shalt  }
0x6b: {  	_ =	shalt  }
0x6c: {  	_ =	shalt  }
0x6d: {  	_ =	shalt  }
0x6e: {  	_ =	shalt  }
0x6f: {  	_ =	shalt  }
0x70: {  	_ =	shalt  }
0x71: {  	_ =	shalt  }
0x72: {  	_ =	shalt  }
0x73: {  	_ =	shalt  }
0x74: {  	_ =	shalt  }
0x75: {  	_ =	shalt  }
0x76: {  	_ =	shalt  }
0x77: {  	_ =	shalt  }
0x78: {  	_ =	shalt  }
0x79: {  	_ =	shalt  }
0x7a: {  	_ =	shalt  }
0x7b: {  	_ =	shalt  }
0x7c: {  	_ =	shalt  }
0x7d: {  	_ =	shalt  }
0x7e: {  	_ =	shalt  }
0x7f: {  	_ =	shalt  }
0x80: {  	_ =	shalt  }
0x81: {  	_ =	shalt  }
0x82: {  	_ =	shalt  }
0x83: {  	_ =	shalt  }
0x84: {  	_ =	shalt  }
0x85: {  	_ =	shalt  }
0x86: {  	_ =	shalt  }
0x87: {  	_ =	shalt  }
.Lfunc_end0:
.L_simem_size_0:
called_computation_lowered:
.L_overlay_start_0:
0x88: {  	s2 =	sld [smem:$0x3FD9]  }
0x89: {  	s3 =	sld [smem:$0x3FFE];
	_ =	sdelay $0x1  }
0x8a: {  	s1 =	srdreg.scid  }
0x8b: {  	s0 =	sand.u32 $0x1, s1  }
0x8c: {  	s17 =	sshll.u32 s0, $0xA;
	s2 =	sadd.s32 s3, s2  }
0x8d: {  	s2 =	sadd.s32 s2, s17  }
0x8e: {  	[smem:$0x3FC5] =	sst s2  }
0x8f: {  	_ = 	snop  }
0x90: {  	s2 =	sld [smem:$0x3FD0];
	(tm) =	ssettm $0x1  }
0x91: {  	s18 =	sld [smem:$0x3FFB];
	_ =	sdelay $0x3  }
0x92: {  	_ =	strace s18  }
0x93: {  	s3 =	sld [smem:$0x3FFC];
	_ =	sdelay $0x3  }
0x94: {  	_ =	strace s3  }
0x95: {  	s3 =	sld [smem:$0x3FFD];
	_ =	sdelay $0x3  }
0x96: {  	_ =	strace s3  }
0x97: {  	_ =	strace $0x8FFFFFFF  }
0x98: {  	s19 =	sld [smem:$0x3FDB];
	_ =	sdelay $0x1  }
0x99: {  	s4 =	simm.s32 $_scs_section_size  }
0x9a: {  	s5 =	simm.s32 $_size__tile_overlayer_lowered;
	s6 =	simm.s32 $_tile_overlayer_lowered  }
0x9b: {  	s22 =	simm.s32 $0x1BFF;
	s21 =	sshll.u32 s6, $0x1;
	s3 =	sadd.s32 s4, s19  }
0x9c: {  	s7 =	simm.s32 $0x0;
	s20 =	sshll.u32 s5, $0x1;
	s5 =	sadd.s32 s21, s3  }
0x9d: {  	[timem:s7], [sflag:s22] =	dma.local [hbm:s5], s20  }
0x9e: {  	_ =	swait.ge [sflag:s22], s20  }
0x9f: {  	s4 =	ssub.s32 $0x0, s20;
	[sflag:s22] =	ssyncset.done $0x0  }
0xa0: {  	[sflag:s22] =	ssyncadd.s32 s4;
	_ =	sdelay $0x1  }
0xa1: {  	s23 =	simm.s32 $0x1B8B  }
0xa2: {  	_ =	swait.ge [sflag:s23], $0x1  }
0xa3: {  	[sflag:s23] =	ssyncset.done $0x0  }
0xa4: {  	s25 =	simm.s32 $0x1B8E;
	s24 =	sld [smem:$0x3FFE];
	[sflag:s23] =	ssyncadd.s32 $0xFFFFFFFF  }
0xa5: {  	s26 =	simm.s32 $execute0_lowered;
	[smem:$0x3FD2] =	sst s25  }
0xa6: {  	s5 =	sshll.u32 s26, $0x1;
	_ =	strace $0x80000046;
	[dreg:$0x1] =	wrdreg $0xFFFFFFFF  }
0xa7: {  	s28 =	simm.s32 $_size_execute0_lowered;
	s3 =	sadd.s32 s3, s5;
	[dreg:$0x0] =	wrdreg $0x0  }
0xa8: {  	s5 =	sshll.u32 s28, $0x1;
	[dreg:$0x2] =	wrdreg s3  }
0xa9: {  	[dreg:$0x3] =	wrdreg s5  }
0xaa: {  	[dreg:$0x4] =	wrdreg $0xC0  }
0xab: {  	_ =	task [dreg:s7], $0x5FFFF  }
0xac: {  	[dreg:$0x1] =	wrdreg $0xFFFFFFFF  }
0xad: {  	[dreg:$0x0] =	wrdreg $0x60  }
0xae: {  	[dreg:$0x2] =	wrdreg s2  }
0xaf: {  	[dreg:$0x3] =	wrdreg s24  }
0xb0: {  	[dreg:$0x4] =	wrdreg $0x13000  }
0xb1: {  	[dreg:$0x5] =	wrdreg $0x9  }
0xb2: {  	_ =	task.clear_ibuf [dreg:s7], $0x6FFFF;
	_ =	strace $0x90000046  }
0xb3: {  	s29 =	simm.s32 $0x9;
	_ =	strace $0x80000048  }
0xb4: {  	_ =	swait.ge [sflag:s29], $0x1  }
0xb5: {  	[sflag:s29] =	ssyncadd.s32 $0xFFFFFFFF  }
0xb6: {  	_ =	strace $0x90000048  }
0xb7: {  	_ =	sfence  }
0xb8: {  	s30 =	sld [smem:$0x0];
	_ =	sdelay $0x2  }
0xb9: {  	s31 =	sshll.u32 s1, $0xD;
	s1 =	sshrl.u32 s1, $0x2  }
0xba: {  	s3 =	sand.u32 $0x4000, s31;
	s1 =	sadd.s32 s1, s30  }
0xbb: {  	s0 =	sor.u32 s3, s0;
	s1 =	sshll.u32 s1, $0x11  }
0xbc: {  	s0 =	sor.u32 s1, s0  }
0xbd: {  	s0 =	sadd.s32 $0x8F2B, s0  }
0xbe: {  	[sflag:s0] =	ssyncadd.remote.s32 $0x1  }
0xbf: {  	_ =	sfence.sel $0xFFFF  }
0xc0: {  	[dreg:$0x0] =	wrdreg $0xFFFFFFFF;
	(pc) =	sbr.abs _section_cstart, $3  }
0xc1: {  	[dreg:$0x1] =	wrdreg $0xFFFFFFFF  }
0xc2: {  	_ =	task.clear_ibuf [dreg:s7], $0x2FFFF;
	_ =	strace $0x9FFFFFFF  }
0xc3: {  	(tm) =	ssettm $0x7FFFFFFF  }
tec
execute0_lowered:
.L_overlay_start_1:
0x0: {  	(tag) =	ssettag $0x1  }
0x1: {  	s1 =	rddreg [dreg:$0x0]  }
0x2: {  	s0 =	rddreg [dreg:$0x1]  }
0x3: {  	s3 =	rddreg [dreg:$0x2]  }
0x4: {  	s4 =	simm.s32 $0x0;
	s2 =	srdreg.scid;
	s8 =	stileid.u32  }
0x5: {  	s10 =	simm.s32 $0x2;
	s11 =	simm.s32 $0x80;
	s12 =	simm.s32 $0x800  }
0x6: {  	s13 =	simm.s32 $0x1000;
	s14 =	simm.s32 $0x880;
	s15 =	simm.s32 $0x900  }
0x7: {  	s16 =	simm.s32 $0x980;
	s17 =	simm.s32 $0xA00;
	s18 =	simm.s32 $0xA80  }
0x8: {  	s19 =	simm.s32 $0xB00;
	s20 =	simm.s32 $0xB80;
	s21 =	simm.s32 $0xC00  }
0x9: {  	s22 =	simm.s32 $0xC80;
	s23 =	simm.s32 $0xD00;
	s24 =	simm.s32 $0xD80  }
0xa: {  	s25 =	simm.s32 $0xE00;
	s28 =	simm.s32 $0xF00;
	s5 =	smul.u32 $0x500, s8  }
0xb: {  	s29 =	simm.s32 $0xF80;
	s30 =	simm.s32 $0x1;
	s7 =	smul.u32 $0xA00, s8  }
0xc: {  	[smem:$0x7FF] =	sst s4;
	s2 =	sand.u32 $0x1, s2;
	s8 =	smul.u32 $0x5000, s8  }
0xd: {  	_ =	strace $0x80000047;
	s6 =	sshll.u32 s2, $0x7;
	s26 =	ssub.s32 $0x2, s2  }
0xe: {  	s2 =	smul.u32 $0x2800, s2;
	s5 =	sor.u32 s6, s5;
	s9 =	sshrl.u32 s26, $0x1  }
0xf: {  	s31 =	sshrl.u32 s7, $0x2;
	s5 =	sshrl.u32 s5, $0x3;
	s9 =	ssub.s32 s26, s9  }
0x10: {  	s6 =	sadd.s32 s2, s8;
	s26 =	simm.s32 $0xE80;
	s0 =	sadd.s32 s5, s0  }
0x11: {  	v0 =	vimm.f32 $0.0e+00;
	v1 =	vimm.f32 $1.000000000e+00;
	s5 =	sadd.s32 s31, s3;
	s8 =	smax.u32 s9, $0x1;
	s7 =	sadd.s32 $0xE00, s0  }
.LBB2_1:
0x12: {  	[tilespmem:$0x1080] =	vst v0  }
0x13: {  	[tilespmem:$0x1090] =	vst v0  }
0x14: {  	[tilespmem:$0x10A0] =	vst v0  }
0x15: {  	[tilespmem:$0x10B0] =	vst v0  }
0x16: {  	[tilespmem:$0x10C0] =	vst v0  }
0x17: {  	[tilespmem:$0x10D0] =	vst v0  }
0x18: {  	[tilespmem:$0x10E0] =	vst v0  }
0x19: {  	[tilespmem:$0x10F0] =	vst v0  }
0x1a: {  	[tilespmem:$0x1100] =	vst v0  }
0x1b: {  	[tilespmem:$0x1110] =	vst v0  }
0x1c: {  	[tilespmem:$0x1120] =	vst v0  }
0x1d: {  	[tilespmem:$0x1130] =	vst v0  }
0x1e: {  	[tilespmem:$0x1140] =	vst v0  }
0x1f: {  	[tilespmem:$0x1150] =	vst v0  }
0x20: {  	[tilespmem:$0x1160] =	vst v0  }
0x21: {  	[tilespmem:$0x1170] =	vst v0  }
0x22: {  	[tilespmem:$0x1180] =	vst v0  }
0x23: {  	[tilespmem:$0x1190] =	vst v0  }
0x24: {  	[tilespmem:$0x11A0] =	vst v0  }
0x25: {  	[tilespmem:$0x11B0] =	vst v0  }
0x26: {  	[tilespmem:$0x11C0] =	vst v0  }
0x27: {  	[tilespmem:$0x11D0] =	vst v0  }
0x28: {  	[tilespmem:$0x11E0] =	vst v0  }
0x29: {  	[tilespmem:$0x11F0] =	vst v0  }
0x2a: {  	[tilespmem:$0x1200] =	vst v0  }
0x2b: {  	[tilespmem:$0x1210] =	vst v0  }
0x2c: {  	[tilespmem:$0x1220] =	vst v0  }
0x2d: {  	[tilespmem:$0x1230] =	vst v0  }
0x2e: {  	[tilespmem:$0x1240] =	vst v0  }
0x2f: {  	[tilespmem:$0x1250] =	vst v0  }
0x30: {  	[tilespmem:$0x1260] =	vst v0  }
0x31: {  	[tilespmem:$0x1270] =	vst v0  }
0x32: {  	[tilespmem:$0x1280] =	vst v0  }
0x33: {  	[tilespmem:$0x1290] =	vst v0  }
0x34: {  	[tilespmem:$0x12A0] =	vst v0  }
0x35: {  	[tilespmem:$0x12B0] =	vst v0  }
0x36: {  	[tilespmem:$0x12C0] =	vst v0  }
0x37: {  	[tilespmem:$0x12D0] =	vst v0  }
0x38: {  	[tilespmem:$0x12E0] =	vst v0  }
0x39: {  	[tilespmem:$0x12F0] =	vst v0  }
0x3a: {  	[tilespmem:$0x1000] =	vst v1  }
0x3b: {  	[tilespmem:$0x1010] =	vst v1  }
0x3c: {  	[tilespmem:$0x1020] =	vst v1  }
0x3d: {  	[tilespmem:$0x1030] =	vst v1  }
0x3e: {  	[tilespmem:$0x1040] =	vst v1  }
0x3f: {  	[tilespmem:$0x1050] =	vst v1  }
0x40: {  	[tilespmem:$0x1060] =	vst v1  }
0x41: {  	[tilespmem:$0x1070] =	vst v1;
	s0 =	simm.s32 $0x1080  }
0x42: {  	[spmem:s5] =	stream.linear.scatter [tilespmem:s0], [sflag:$0x2], $0x280, $0x38;
	[tilespmem:$0x1580] =	vst v63  }
0x43: {  	_ =	swait.ge [sflag:s10], $0x280  }
0x44: {  	[sflag:s10] =	ssyncset.done $0x0  }
0x45: {  	[sflag:s10] =	ssyncadd.s32 $0xFFFFFD80  }
0x46: {  	s9 =	simm.s32 $0x0;
	[bflag:$0x0] =	sbarrier.arrive $0xFFFF  }
.LBB2_2:
0x47: {  	s0 =	sshll.u32 s9, $0xB  }
0x48: {  	s0 =	sadd.s32 s0, s6  }
0x49: {  	s0 =	sshrl.u32 s0, $0x3  }
0x4a: {  	s2 =	simm.s32 $0x0;
	s0 =	sadd.s32 s1, s0  }
0x4b: {  	[tilespmem:s2], [sflag:$0x2] =	stream.linear.gather [hbm4b:s0+s2], $0x800, $0x38;
	[tilespmem:$0x1580] =	vst v63  }
0x4c: {  	_ =	swait.ge [sflag:s10], $0x800  }
0x4d: {  	[sflag:s10] =	ssyncset.done $0x0  }
0x4e: {  	s31 =	simm.s32 $0x0;
	[sflag:s10] =	ssyncadd.s32 $0xFFFFF800  }
0x4f: {  	v3 =	vld [tilespmem:s31+$0x70]  }
0x50: {  	v6 =	vld [tilespmem:s31+$0x0]  }
0x51: {  	v7 =	vld [tilespmem:s31+$0x10]  }
0x52: {  	v5 =	vld [tilespmem:s31+$0x20]  }
0x53: {  	v4 =	vld [tilespmem:s31+$0x30]  }
0x54: {  	v2 =	vld [tilespmem:s31+$0x40];
	v8 =	vshrl.u32 v3, $0x10  }
0x55: {  	v3 =	vld [tilespmem:s31+$0x50];
	v6 =	vshrl.u32 v6, $0x10;
	[tilespmem:s31+$0x870] =	vst v8  }
0x56: {  	s2 =	simm.s32 $0x80;
	s0 =	simm.s32 $0x400;
	v7 =	vshrl.u32 v7, $0x10;
	[tilespmem:s31+$0x800] =	vst v6;
	v6 =	vld [tilespmem:s31+$0x60]  }
.LBB2_3:
0x57: {  	p0 =	sne.s32 s0, $0x1E00;
	v8 =	vld [tilespmem:s2+$0x70];
	[tilespmem:s31+$0x810] =	vst v7;
	v5 =	vshrl.u32 v5, $0x10  }
0x58: {  	v7 =	vld [tilespmem:s2+$0x0];
	[tilespmem:s31+$0x820] =	vst v5;
	v4 =	vshrl.u32 v4, $0x10  }
0x59: {  	v9 =	vld [tilespmem:s2+$0x10];
	[tilespmem:s31+$0x830] =	vst v4;
	v2 =	vshrl.u32 v2, $0x10  }
.Ltmp0:
0x5a: {  	v5 =	vld [tilespmem:s2+$0x20];
	[tilespmem:s31+$0x840] =	vst v2;
	v2 =	vshrl.u32 v3, $0x10;
	(pc) =	sbr.rel @p0 .LBB2_3-.Ltmp0, $4  }
0x5b: {  	v4 =	vld [tilespmem:s2+$0x30];
	[tilespmem:s31+$0x850] =	vst v2;
	v3 =	vshrl.u32 v6, $0x10  }
0x5c: {  	v2 =	vld [tilespmem:s2+$0x40];
	v6 =	vshrl.u32 v8, $0x10;
	[tilespmem:s31+$0x860] =	vst v3;
	s31 =	smov.u32 s2  }
0x5d: {  	v7 =	vshrl.u32 v7, $0x10;
	v3 =	vld [tilespmem:s31+$0x50];
	[tilespmem:s31+$0x870] =	vst v6  }
0x5e: {  	s2 =	sshra.s32 s0, $0x2;
	s0 =	sadd.s32 $0x200, s0;
	[tilespmem:s31+$0x800] =	vst v7;
	v7 =	vshrl.u32 v9, $0x10;
	v6 =	vld [tilespmem:s31+$0x60]  }
0x5f: {  	v8 =	vld [tilespmem:s2+$0x70];
	[tilespmem:s31+$0x810] =	vst v7;
	v5 =	vshrl.u32 v5, $0x10  }
0x60: {  	v7 =	vld [tilespmem:s2+$0x0];
	[tilespmem:s31+$0x820] =	vst v5;
	v4 =	vshrl.u32 v4, $0x10  }
0x61: {  	v5 =	vld [tilespmem:s2+$0x10];
	[tilespmem:s31+$0x830] =	vst v4;
	v2 =	vshrl.u32 v2, $0x10  }
0x62: {  	v4 =	vld [tilespmem:s2+$0x20];
	[tilespmem:s31+$0x840] =	vst v2;
	v2 =	vshrl.u32 v3, $0x10  }
0x63: {  	v3 =	vld [tilespmem:s2+$0x30];
	[tilespmem:s31+$0x850] =	vst v2;
	v2 =	vshrl.u32 v6, $0x10  }
0x64: {  	v61 =	vld [tilespmem:s2+$0x40];
	[tilespmem:s31+$0x860] =	vst v2;
	v2 =	vshrl.u32 v8, $0x10  }
0x65: {  	v62 =	vld [tilespmem:s2+$0x50];
	v7 =	vshrl.u32 v7, $0x10;
	[tilespmem:s2+$0x870] =	vst v2  }
0x66: {  	v63 =	vld [tilespmem:s2+$0x60];
	[tilespmem:s2+$0x800] =	vst v7;
	v2 =	vshrl.u32 v5, $0x10  }
0x67: {  	[tilespmem:s2+$0x810] =	vst v2;
	v2 =	vshrl.u32 v4, $0x10  }
0x68: {  	[tilespmem:s2+$0x820] =	vst v2;
	v2 =	vshrl.u32 v3, $0x10  }
0x69: {  	[tilespmem:s2+$0x830] =	vst v2;
	v2 =	vshrl.u32 v61, $0x10  }
0x6a: {  	[tilespmem:s2+$0x840] =	vst v2;
	v2 =	vshrl.u32 v62, $0x10  }
0x6b: {  	[tilespmem:s2+$0x850] =	vst v2;
	v2 =	vshrl.u32 v63, $0x10  }
0x6c: {  	[tilespmem:s2+$0x860] =	vst v2  }
0x6d: {  	[spmem:s3] =	stream.indirect.scatter.add.f32 [tilespmem:s13], [sflag:$0x1], $0x1, s12, s11, $0xb8;
	[tilespmem:$0x1580] =	vst v63  }
0x6e: {  	_ = 	snop  }
0x6f: {  	[spmem:s3] =	stream.indirect.scatter.add.f32 [tilespmem:s13], [sflag:$0x1], $0x1, s14, s11, $0xb8;
	[tilespmem:$0x1580] =	vst v63  }
0x70: {  	_ = 	snop  }
0x71: {  	[spmem:s3] =	stream.indirect.scatter.add.f32 [tilespmem:s13], [sflag:$0x1], $0x1, s15, s11, $0xb8;
	[tilespmem:$0x1580] =	vst v63  }
0x72: {  	_ = 	snop  }
0x73: {  	[spmem:s3] =	stream.indirect.scatter.add.f32 [tilespmem:s13], [sflag:$0x1], $0x1, s16, s11, $0xb8;
	[tilespmem:$0x1580] =	vst v63  }
0x74: {  	_ = 	snop  }
0x75: {  	[spmem:s3] =	stream.indirect.scatter.add.f32 [tilespmem:s13], [sflag:$0x1], $0x1, s17, s11, $0xb8;
	[tilespmem:$0x1580] =	vst v63  }
0x76: {  	_ = 	snop  }
0x77: {  	[spmem:s3] =	stream.indirect.scatter.add.f32 [tilespmem:s13], [sflag:$0x1], $0x1, s18, s11, $0xb8;
	[tilespmem:$0x1580] =	vst v63  }
0x78: {  	_ = 	snop  }
0x79: {  	[spmem:s3] =	stream.indirect.scatter.add.f32 [tilespmem:s13], [sflag:$0x1], $0x1, s19, s11, $0xb8;
	[tilespmem:$0x1580] =	vst v63  }
0x7a: {  	_ = 	snop  }
0x7b: {  	[spmem:s3] =	stream.indirect.scatter.add.f32 [tilespmem:s13], [sflag:$0x1], $0x1, s20, s11, $0xb8;
	[tilespmem:$0x1580] =	vst v63  }
0x7c: {  	_ = 	snop  }
0x7d: {  	[spmem:s3] =	stream.indirect.scatter.add.f32 [tilespmem:s13], [sflag:$0x1], $0x1, s21, s11, $0xb8;
	[tilespmem:$0x1580] =	vst v63  }
0x7e: {  	_ = 	snop  }
0x7f: {  	[spmem:s3] =	stream.indirect.scatter.add.f32 [tilespmem:s13], [sflag:$0x1], $0x1, s22, s11, $0xb8;
	[tilespmem:$0x1580] =	vst v63  }
0x80: {  	_ = 	snop  }
0x81: {  	[spmem:s3] =	stream.indirect.scatter.add.f32 [tilespmem:s13], [sflag:$0x1], $0x1, s23, s11, $0xb8;
	[tilespmem:$0x1580] =	vst v63  }
0x82: {  	_ = 	snop  }
0x83: {  	[spmem:s3] =	stream.indirect.scatter.add.f32 [tilespmem:s13], [sflag:$0x1], $0x1, s24, s11, $0xb8;
	[tilespmem:$0x1580] =	vst v63  }
0x84: {  	_ = 	snop  }
0x85: {  	[spmem:s3] =	stream.indirect.scatter.add.f32 [tilespmem:s13], [sflag:$0x1], $0x1, s25, s11, $0xb8;
	[tilespmem:$0x1580] =	vst v63  }
0x86: {  	_ = 	snop  }
0x87: {  	[spmem:s3] =	stream.indirect.scatter.add.f32 [tilespmem:s13], [sflag:$0x1], $0x1, s26, s11, $0xb8;
	[tilespmem:$0x1580] =	vst v63  }
0x88: {  	_ = 	snop  }
0x89: {  	[spmem:s3] =	stream.indirect.scatter.add.f32 [tilespmem:s13], [sflag:$0x1], $0x1, s28, s11, $0xb8;
	[tilespmem:$0x1580] =	vst v63  }
0x8a: {  	_ = 	snop  }
0x8b: {  	[spmem:s3] =	stream.indirect.scatter.add.f32 [tilespmem:s13], [sflag:$0x1], $0x1, s29, s11, $0xb8;
	[tilespmem:$0x1580] =	vst v63  }
0x8c: {  	_ =	swait.ge [sflag:s30], $0x80  }
0x8d: {  	[sflag:s30] =	ssyncset.done $0x0  }
0x8e: {  	[sflag:s30] =	ssyncadd.s32 $0xFFFFFF80  }
0x8f: {  	_ =	swait.ge [sflag:s30], $0x80  }
0x90: {  	[sflag:s30] =	ssyncset.done $0x0  }
0x91: {  	[sflag:s30] =	ssyncadd.s32 $0xFFFFFF80  }
0x92: {  	_ =	swait.ge [sflag:s30], $0x80  }
0x93: {  	[sflag:s30] =	ssyncset.done $0x0  }
0x94: {  	[sflag:s30] =	ssyncadd.s32 $0xFFFFFF80  }
0x95: {  	_ =	swait.ge [sflag:s30], $0x80  }
0x96: {  	[sflag:s30] =	ssyncset.done $0x0  }
0x97: {  	[sflag:s30] =	ssyncadd.s32 $0xFFFFFF80  }
0x98: {  	_ =	swait.ge [sflag:s30], $0x80  }
0x99: {  	[sflag:s30] =	ssyncset.done $0x0  }
0x9a: {  	[sflag:s30] =	ssyncadd.s32 $0xFFFFFF80  }
0x9b: {  	_ =	swait.ge [sflag:s30], $0x80  }
0x9c: {  	[sflag:s30] =	ssyncset.done $0x0  }
0x9d: {  	[sflag:s30] =	ssyncadd.s32 $0xFFFFFF80  }
0x9e: {  	_ =	swait.ge [sflag:s30], $0x80  }
0x9f: {  	[sflag:s30] =	ssyncset.done $0x0  }
0xa0: {  	[sflag:s30] =	ssyncadd.s32 $0xFFFFFF80  }
0xa1: {  	_ =	swait.ge [sflag:s30], $0x80  }
0xa2: {  	[sflag:s30] =	ssyncset.done $0x0  }
0xa3: {  	[sflag:s30] =	ssyncadd.s32 $0xFFFFFF80  }
0xa4: {  	_ =	swait.ge [sflag:s30], $0x80  }
0xa5: {  	[sflag:s30] =	ssyncset.done $0x0  }
0xa6: {  	[sflag:s30] =	ssyncadd.s32 $0xFFFFFF80  }
0xa7: {  	_ =	swait.ge [sflag:s30], $0x80  }
0xa8: {  	[sflag:s30] =	ssyncset.done $0x0  }
0xa9: {  	[sflag:s30] =	ssyncadd.s32 $0xFFFFFF80  }
0xaa: {  	_ =	swait.ge [sflag:s30], $0x80  }
0xab: {  	[sflag:s30] =	ssyncset.done $0x0  }
0xac: {  	[sflag:s30] =	ssyncadd.s32 $0xFFFFFF80  }
0xad: {  	_ =	swait.ge [sflag:s30], $0x80  }
0xae: {  	[sflag:s30] =	ssyncset.done $0x0  }
0xaf: {  	[sflag:s30] =	ssyncadd.s32 $0xFFFFFF80  }
0xb0: {  	_ =	swait.ge [sflag:s30], $0x80  }
0xb1: {  	[sflag:s30] =	ssyncset.done $0x0  }
0xb2: {  	[sflag:s30] =	ssyncadd.s32 $0xFFFFFF80  }
0xb3: {  	_ =	swait.ge [sflag:s30], $0x80  }
0xb4: {  	[sflag:s30] =	ssyncset.done $0x0  }
0xb5: {  	s9 =	sadd.s32 $0x1, s9;
	[sflag:s30] =	ssyncadd.s32 $0xFFFFFF80  }
0xb6: {  	p0 =	sne.s32 s9, $0x5;
	_ =	swait.ge [sflag:s30], $0x80  }
.Ltmp1:
0xb7: {  	[sflag:s30] =	ssyncset.done $0x0;
	(pc) =	sbr.rel @p0 .LBB2_2-.Ltmp1, $4  }
0xb8: {  	[sflag:s30] =	ssyncadd.s32 $0xFFFFFF80  }
0xb9: {  	_ =	swait.ge [sflag:s30], $0x80  }
0xba: {  	[sflag:s30] =	ssyncset.done $0x0  }
0xbb: {  	[sflag:s30] =	ssyncadd.s32 $0xFFFFFF80  }
0xbc: {  	s0 =	stileid.u32  }
0xbd: {  	[bflag:$0x0] =	sbarrier.arrive $0xFFFF;
	s2 =	sshrl.u32 s5, $0x3;
	s4 =	sadd.s32 $0x1, s4  }
0xbe: {  	s9 =	simm.s32 $0x20;
	s0 =	sshll.u32 s0, $0x6;
	p0 =	sne.s32 s4, s8  }
.Ltmp2:
0xbf: {  	s31 =	simm.s32 $0x10;
	s0 =	sor.u32 $0x1C02, s0;
	(pc) =	sbr.rel @p0 .LBB2_1-.Ltmp2, $4  }
0xc0: {  	[hbm:s7@s9], [sflag:s0] =	dma.strided [spmem:s2@s31], $0x50, s30, $0x10   }
0xc1: {  	_ =	swait.ge [sflag:s10], $0x50  }
0xc2: {  	[sflag:s10] =	ssyncset.done $0x0  }
0xc3: {  	[sflag:s10] =	ssyncadd.s32 $0xFFFFFFB0  }
0xc4: {  	_ =	sfence.sel $0x180000  }
0xc5: {  	[bflag:$0x0] =	sbarrier.arrive $0xFFFF  }
0xc6: {  	_ =	strace $0x90000047  }
0xc7: {  	s0 =	stileid.u32;
	[bflag:$0x2] =	sbarrier.arrive $0xFFFF  }
0xc8: {  	p0 =	sne.s32 s0, $0x0;
	s0 =	rddreg [dreg:$0x3]  }
0xc9: {  	s0 =	sadd.s32 @!p0 $0x100000, s0  }
0xca: {  	[sflag:s0] =	ssyncadd.tile.s32 @!p0 $0x1;
	_ =	shalt  }
.Lfunc_end2:
_tile_overlayer_lowered:
.L_overlay_start_2:
0xcb: {  	(tag) =	ssettag $0x2  }
0xcc: {  	s0 =	rddreg [dreg:$0x0];
	s2 =	stileid.u32  }
0xcd: {  	s1 =	rddreg [dreg:$0x1];
	p0 =	sne.s32 s2, $0x0  }
0xce: {  	s3 =	rddreg [dreg:$0x2];
	[bflag:$0x3] =	sbarrier.arrive $0xFFFF;
	s2 =	simm.s32 @!p0 $0x1C02  }
0xcf: {  	[timem:s3], [sflag:s2] =	dma.local @!p0 [hbm:s0], s1  }
0xd0: {  	s0 =	simm.s32 @!p0 $0x2  }
0xd1: {  	_ =	swait.ge @!p0 [sflag:s0], s1  }
0xd2: {  	s1 =	ssub.s32 @!p0 $0x0, s1;
	[sflag:s0] =	ssyncset.done @!p0 $0x0  }
0xd3: {  	[sflag:s0] =	ssyncadd.s32 @!p0 s1  }
0xd4: {  	[bflag:$0x3] =	sbarrier.arrive $0xFFFF  }
0xd5: {  	_ =	shalt  }

</sc_bundles>
